<compile_context>
chip_gen: v7x
topology: tpu7x:2x2x1
jax: 0.10.2.dev20260603
libtpu: 0.0.44.dev20260713+nightly
codegen_flags: <defaults>
</compile_context>

<pallas_src>
import functools
import math

import jax
import jax.numpy as jnp
from jax import lax
from jax.experimental import pallas as pl
from jax.experimental.pallas import tpu as pltpu
from jax.experimental.pallas import tpu_sc as plsc

_INV_SQRT_NN = float(1.0 / math.sqrt(1.5))
_NC, _NS = 2, 16
_NW = _NC * _NS
_KW = 1000
_KWS = 400
_D = 64

_SC_PARAMS = pltpu.CompilerParams(use_tc_tiling_on_sc=False)


def _mesh():
    return plsc.VectorSubcoreMesh(core_axis_name="c", subcore_axis_name="s")


def _make_gather(E, N):
    epw = E // _NW
    nwin = epw // _KW

    @functools.partial(
        pl.kernel,
        out_type=jax.ShapeDtypeStruct((E, _D), jnp.float32),
        mesh=_mesh(),
        compiler_params=_SC_PARAMS,
        scratch_types=[
            pltpu.VMEM((_KW,), jnp.int32),
            pltpu.VMEM((_KW, _D), jnp.float32),
            pltpu.SemaphoreType.DMA,
        ],
    )
    def gather_k(h_hbm, src_hbm, xs_hbm, idx_v, rows_v, sem):
        wid = lax.axis_index("s") * _NC + lax.axis_index("c")
        base = wid * epw

        def body(w, carry):
            off = base + w * _KW
            pltpu.sync_copy(src_hbm.at[pl.ds(off, _KW)], idx_v)
            pltpu.async_copy(h_hbm.at[idx_v], rows_v, sem).wait()
            pltpu.sync_copy(rows_v, xs_hbm.at[pl.ds(off, _KW)])
            return carry

        lax.fori_loop(0, nwin, body, 0)

    return gather_k


def _make_scatter(E, N):
    C = 32
    epw = E // _NS
    nwin = epw // _KWS
    rows_pt = N // _NS

    @functools.partial(
        pl.kernel,
        out_type=jax.ShapeDtypeStruct((2, N, C), jnp.float32),
        mesh=_mesh(),
        compiler_params=_SC_PARAMS,
        scratch_types=[
            pltpu.VMEM_SHARED((N, C), jnp.float32),
            pltpu.VMEM((_KWS,), jnp.int32),
            pltpu.VMEM((_KWS, C), jnp.float32),
        ],
    )
    def scatter_k(msg_hbm, dst_hbm, zeros_hbm, out_hbm, acc_s, idx_v, buf_v):
        c = lax.axis_index("c")
        s = lax.axis_index("s")
        nbase = s * rows_pt
        pltpu.sync_copy(zeros_hbm.at[pl.ds(0, rows_pt)],
                        acc_s.at[pl.ds(nbase, rows_pt)])
        plsc.subcore_barrier()
        base = s * epw

        def body(w, carry):
            off = base + w * _KWS
            pltpu.sync_copy(dst_hbm.at[pl.ds(off, _KWS)], idx_v)
            pltpu.sync_copy(msg_hbm.at[pl.ds(off, _KWS), pl.ds(c * C, C)],
                            buf_v)
            pltpu.sync_copy(buf_v, acc_s.at[idx_v], add=True)
            return carry

        lax.fori_loop(0, nwin, body, 0)
        plsc.subcore_barrier()
        pltpu.sync_copy(acc_s.at[pl.ds(nbase, rows_pt)],
                        out_hbm.at[c, pl.ds(nbase, rows_pt)])

    return scatter_k


def _tp_body(xs_ref, attr_ref, w_ref, o_ref, *, exact_k1):
    bt = attr_ref.shape[0]
    xsp = xs_ref[...].reshape(bt, 2 * _D)
    a = attr_ref[...]
    acc = jnp.zeros((bt, 2 * _D), jnp.float32)
    for j in range(4):
        apj = jnp.concatenate(
            [jnp.broadcast_to(a[:, j:j + 1], (bt, _D)),
             jnp.broadcast_to(a[:, 4 + j:5 + j], (bt, _D))], axis=1)
        if exact_k1:
            wrow = w_ref[j, 0, 0:_D]
            prod = jnp.concatenate(
                [xsp[:, 0:1] * wrow[None, :],
                 xsp[:, _D:_D + 1] * wrow[None, :]], axis=1)
        else:
            prod = jnp.dot(xsp, w_ref[j],
                           preferred_element_type=jnp.float32)
        acc = acc + prod * apj
    o_ref[...] = acc.reshape(bt * 2 * _D)


def _tp(xs_flat, attr_pairs, wp, exact_k1=False, Et=2000):
    Ef = xs_flat.shape[0]
    E = Ef // _D
    grid = (E // Et,)
    return pl.pallas_call(
        functools.partial(_tp_body, exact_k1=exact_k1),
        grid=grid,
        in_specs=[
            pl.BlockSpec((Et * _D,), lambda i: (i,)),
            pl.BlockSpec((Et // 2, 8), lambda i: (i, 0)),
            pl.BlockSpec((4, 2 * _D, 2 * _D), lambda i: (0, 0, 0)),
        ],
        out_specs=pl.BlockSpec((Et * _D,), lambda i: (i,)),
        out_shape=jax.ShapeDtypeStruct((Ef,), jnp.float32),
    )(xs_flat, attr_pairs, wp)


def _gate_mid_body(a_ref, b_ref, o_ref):
    v = jnp.concatenate([a_ref[...], b_ref[:, :28]], axis=1) * _INV_SQRT_NN
    s_e = jax.nn.gelu(v[:, 0:10])
    s_o = jnp.tanh(v[:, 10:20])
    g = jax.nn.sigmoid(v[:, 20:30])
    vec = (v[:, 30:60].reshape(-1, 10, 3) * g[:, :, None]).reshape(-1, 30)
    z = jnp.zeros((v.shape[0], 14), jnp.float32)
    o_ref[...] = jnp.concatenate([s_e, s_o, vec, z], axis=1)


def _gate_l4_body(a_ref, b_ref, o_ref):
    o_ref[...] = (a_ref[:, :7] + b_ref[:, :7]) * _INV_SQRT_NN


def _gate_mid(pa, pb, Nb=2000):
    N = pa.shape[0]
    return pl.pallas_call(
        _gate_mid_body,
        grid=(N // Nb,),
        in_specs=[pl.BlockSpec((Nb, 32), lambda i: (i, 0)),
                  pl.BlockSpec((Nb, 32), lambda i: (i, 0))],
        out_specs=pl.BlockSpec((Nb, _D), lambda i: (i, 0)),
        out_shape=jax.ShapeDtypeStruct((N, _D), jnp.float32),
    )(pa, pb)


def _gate_l4(pa, pb, Nb=2000):
    N = pa.shape[0]
    return pl.pallas_call(
        _gate_l4_body,
        grid=(N // Nb,),
        in_specs=[pl.BlockSpec((Nb, 32), lambda i: (i, 0)),
                  pl.BlockSpec((Nb, 32), lambda i: (i, 0))],
        out_specs=pl.BlockSpec((Nb, 7), lambda i: (i, 0)),
        out_shape=jax.ShapeDtypeStruct((N, 7), jnp.float32),
    )(pa, pb)


def _pack_w(W):
    dout, din, _ = W.shape
    wj = jnp.transpose(W, (2, 1, 0))
    wj = jnp.pad(wj, ((0, 0), (0, _D - din), (0, _D - dout)))
    z = jnp.zeros((4, _D, _D), jnp.float32)
    top = jnp.concatenate([wj, z], axis=2)
    bot = jnp.concatenate([z, wj], axis=2)
    return jnp.concatenate([top, bot], axis=1)


def kernel(x, edge_src, edge_dst, edge_attr, W0, W1, W2, W3, W4):
    N = x.shape[0]
    E = edge_src.shape[0]
    src = edge_src.astype(jnp.int32)
    dst = edge_dst.astype(jnp.int32)
    attr_pairs = edge_attr.reshape(E // 2, 8)
    zeros32 = jnp.zeros((N // _NS, 32), jnp.float32)

    gather = _make_gather(E, N)
    scatter = _make_scatter(E, N)

    h = jnp.pad(x, ((0, 0), (0, _D - 1)))
    for li, W in enumerate((W0, W1, W2, W3, W4)):
        wp = _pack_w(W)
        xs = gather(h, src)
        msg = _tp(xs.reshape(E * _D), attr_pairs, wp,
                  exact_k1=(li == 0)).reshape(E, _D)
        parts = scatter(msg, dst, zeros32)
        if li < 4:
            h = _gate_mid(parts[0], parts[1])
        else:
            return _gate_l4(parts[0], parts[1])

# --- scband reference (transcript-rebuilt; emitter-appended) ---
"""Pipeline reference for scband-model-87660282511615 (READ-ONLY COPY).

The authoritative reference and input builder live on the scoring server;
editing this copy changes nothing except your own understanding.
"""

import jax, jax.numpy as jnp
import numpy as np

N_NODES = 50000
N_EDGES = 800000
D_EDGE = 4            # irreps '0e + 1o'
D_PRE_GATE = 60       # 10x0e + 10x0o + 10x0e(gates) + 5x1e + 5x1o
D_POST_GATE = 50      # 10x0e + 10x0o + 5x1e + 5x1o
D_OUT = 7             # '0o + 6x0e'
NUM_NEIGHBORS = 1.5


def setup_inputs(seed: int = 0) -> dict:
    key = jax.random.key(seed)
    ks = jax.random.split(key, 10)
    x = jax.random.normal(ks[0], (N_NODES, 1), dtype=jnp.float32)
    edge_src = jax.random.randint(ks[1], (N_EDGES,), 0, N_NODES, dtype=jnp.int64) if jax.config.jax_enable_x64 else jax.random.randint(ks[1], (N_EDGES,), 0, N_NODES).astype(jnp.int32)
    edge_dst = jax.random.randint(ks[2], (N_EDGES,), 0, N_NODES).astype(edge_src.dtype)
    edge_attr = jax.random.normal(ks[3], (N_EDGES, D_EDGE), dtype=jnp.float32)
    def mk_w(k, dout, din):
        return (jax.random.normal(k, (dout, din, D_EDGE), dtype=jnp.float32) / np.sqrt(din * D_EDGE)).astype(jnp.float32)
    W0 = mk_w(ks[4], D_PRE_GATE, 1)
    W1 = mk_w(ks[5], D_PRE_GATE, D_POST_GATE)
    W2 = mk_w(ks[6], D_PRE_GATE, D_POST_GATE)
    W3 = mk_w(ks[7], D_PRE_GATE, D_POST_GATE)
    W4 = mk_w(ks[8], D_OUT, D_POST_GATE)
    return {"x": x, "edge_src": edge_src, "edge_dst": edge_dst, "edge_attr": edge_attr,
            "W0": W0, "W1": W1, "W2": W2, "W3": W3, "W4": W4}


def _gate(v):
    # e3nn Gate('10x0e + 10x0o', [gelu, tanh], '10x0e', [sigmoid], '5x1e + 5x1o')
    s_e = jax.nn.gelu(v[:, 0:10])
    s_o = jnp.tanh(v[:, 10:20])
    g = jax.nn.sigmoid(v[:, 20:30])
    vec = v[:, 30:60].reshape(-1, 10, 3) * g[:, :, None]
    return jnp.concatenate([s_e, s_o, vec.reshape(-1, 30)], axis=1)


def _conv(x, edge_src, edge_dst, edge_attr, W):
    # messages: learned bilinear tensor product of gathered src features with edge attrs
    xs = jnp.take(x, edge_src, axis=0)                 # gather [E, d_in]
    msg = jnp.zeros((edge_src.shape[0], W.shape[0]), dtype=x.dtype)
    for j in range(edge_attr.shape[1]):
        msg = msg + (xs @ W[:, :, j].T) * edge_attr[:, j][:, None]
    out = jax.ops.segment_sum(msg, edge_dst, num_segments=x.shape[0])  # scatter-add
    return out / jnp.sqrt(NUM_NEIGHBORS)


def reference(x, edge_src, edge_dst, edge_attr, W0, W1, W2, W3, W4):
    h = _gate(_conv(x, edge_src, edge_dst, edge_attr, W0))
    for W in (W1, W2, W3):
        h = _gate(_conv(h, edge_src, edge_dst, edge_attr, W))
    out = _conv(h, edge_src, edge_dst, edge_attr, W4)
    return out

if __name__ == "__main__":
    import jax
    _d = setup_inputs()
    print(jax.jit(kernel)(*tuple(_d.values())))

</pallas_src>

<mosaic_0001>
#map = affine_map<(d0, d1) -> (0, 0)>
#map1 = affine_map<(d0, d1) -> (0)>
module attributes {stable_mosaic.version = 14 : i64} {
  func.func @gather_k(%arg0: i32, %arg1: i32, %arg2: memref<50000x64xf32, #tpu.memory_space<hbm>>, %arg3: memref<800000xi32, #tpu.memory_space<hbm>>, %arg4: memref<800000x64xf32, #tpu.memory_space<hbm>>, %arg5: memref<1000xi32, #tpu.memory_space<vmem>>, %arg6: memref<1000x64xf32, #tpu.memory_space<vmem>>, %arg7: memref<!tpu.dma_semaphore, #tpu.memory_space<semaphore_mem>>) attributes {dimension_semantics = [#tpu.dimension_semantics<core_parallel>, #tpu.dimension_semantics<subcore_parallel>], iteration_bounds = array<i64: 2, 16>, scalar_prefetch = 0 : i64, scratch_operands = 3 : i64, tpu.core_type = #tpu.core_type<sc_vector_subcore>, window_params = [{transform_indices = #map}, {transform_indices = #map1}, {transform_indices = #map}]} {
    %mul3A = arith.constant 2 : i32
    %mul3A_0 = arith.muli %arg1, %mul3A : i32
    %add3A = arith.addi %mul3A_0, %arg0 : i32
    %mul3A_1 = arith.constant 25000 : i32
    %mul3A_2 = arith.muli %add3A, %mul3A_1 : i32
    %scan3A = arith.constant 0 : i32
    %scan3A_3 = arith.constant 0 : i32
    %scan3A_4 = arith.constant 25 : i32
    %scan3A_5 = arith.addi %scan3A_3, %scan3A_4 : i32
    %scan3A_6 = arith.constant 1 : i32
    scf.for %scan3A_8 = %scan3A_3 to %scan3A_5 step %scan3A_6  : i32 {
      %mul3A_9 = arith.constant 1000 : i32
      %mul3A_10 = arith.muli %scan3A_8, %mul3A_9 : i32
      %add3A_11 = arith.addi %mul3A_2, %mul3A_10 : i32
      "tpu.region"() ({
        %run_scoped3A = tpu.sem_alloc : memref<!tpu.dma_semaphore, #tpu.memory_space<semaphore_mem>>
        %dma_start3A_16 = tpu.memref_slice %arg3[%add3A_11] : memref<800000xi32, #tpu.memory_space<hbm>> -> memref<1000xi32, #tpu.memory_space<hbm>>
        %dma_start3A_17 = tpu.memref_slice %arg3[%add3A_11] : memref<800000xi32, #tpu.memory_space<hbm>> -> memref<1000xi32, #tpu.memory_space<hbm>>
        tpu.enqueue_dma source(%dma_start3A_17 : memref<1000xi32, #tpu.memory_space<hbm>>) target(%arg5 : memref<1000xi32, #tpu.memory_space<vmem>>) target_semaphore(%run_scoped3A : memref<!tpu.dma_semaphore, #tpu.memory_space<semaphore_mem>>)
        %dma_wait3A_18 = tpu.memref_slice %arg3[%add3A_11] : memref<800000xi32, #tpu.memory_space<hbm>> -> memref<1000xi32, #tpu.memory_space<hbm>>
        %dma_wait3A_19 = tpu.memref_slice %arg3[%add3A_11] : memref<800000xi32, #tpu.memory_space<hbm>> -> memref<1000xi32, #tpu.memory_space<hbm>>
        tpu.wait_dma2 semaphore(%run_scoped3A : memref<!tpu.dma_semaphore, #tpu.memory_space<semaphore_mem>>) src(%dma_wait3A_19 : memref<1000xi32, #tpu.memory_space<hbm>>) dst(%arg5 : memref<1000xi32, #tpu.memory_space<vmem>>)
        tpu.yield
      }) : () -> ()
      %dma_start3A = arith.constant 0 : i32
      %dma_start3A_12 = arith.constant 0 : i32
      %dma_start3A_13 = tpu.memref_slice %arg2[%dma_start3A, %dma_start3A_12] : memref<50000x64xf32, #tpu.memory_space<hbm>> -> memref<50000x64xf32, #tpu.memory_space<hbm>>
      tpu.enqueue_indirect_dma source(%dma_start3A_13 : memref<50000x64xf32, #tpu.memory_space<hbm>>) target(%arg6 : memref<1000x64xf32, #tpu.memory_space<vmem>>) offsets(%arg5 : memref<1000xi32, #tpu.memory_space<vmem>>) semaphore(%arg7 : memref<!tpu.dma_semaphore, #tpu.memory_space<semaphore_mem>>)
      %dma_wait3A = arith.constant 0 : i32
      %dma_wait3A_14 = arith.constant 0 : i32
      %dma_wait3A_15 = tpu.memref_slice %arg2[%dma_wait3A, %dma_wait3A_14] : memref<50000x64xf32, #tpu.memory_space<hbm>> -> memref<50000x64xf32, #tpu.memory_space<hbm>>
      tpu.wait_indirect_dma semaphore(%arg7 : memref<!tpu.dma_semaphore, #tpu.memory_space<semaphore_mem>>) src(%dma_wait3A_15 : memref<50000x64xf32, #tpu.memory_space<hbm>>) dst(%arg6 : memref<1000x64xf32, #tpu.memory_space<vmem>>)
      "tpu.region"() ({
        %run_scoped3A = tpu.sem_alloc : memref<!tpu.dma_semaphore, #tpu.memory_space<semaphore_mem>>
        %dma_start3A_16 = arith.constant 0 : i32
        %dma_start3A_17 = tpu.memref_slice %arg4[%add3A_11, %dma_start3A_16] : memref<800000x64xf32, #tpu.memory_space<hbm>> -> memref<1000x64xf32, #tpu.memory_space<hbm>>
        %dma_start3A_18 = arith.constant 0 : i32
        %dma_start3A_19 = tpu.memref_slice %arg4[%add3A_11, %dma_start3A_18] : memref<800000x64xf32, #tpu.memory_space<hbm>> -> memref<1000x64xf32, #tpu.memory_space<hbm>>
        tpu.enqueue_dma source(%arg6 : memref<1000x64xf32, #tpu.memory_space<vmem>>) target(%dma_start3A_19 : memref<1000x64xf32, #tpu.memory_space<hbm>>) target_semaphore(%run_scoped3A : memref<!tpu.dma_semaphore, #tpu.memory_space<semaphore_mem>>)
        %dma_wait3A_20 = arith.constant 0 : i32
        %dma_wait3A_21 = tpu.memref_slice %arg4[%add3A_11, %dma_wait3A_20] : memref<800000x64xf32, #tpu.memory_space<hbm>> -> memref<1000x64xf32, #tpu.memory_space<hbm>>
        %dma_wait3A_22 = arith.constant 0 : i32
        %dma_wait3A_23 = tpu.memref_slice %arg4[%add3A_11, %dma_wait3A_22] : memref<800000x64xf32, #tpu.memory_space<hbm>> -> memref<1000x64xf32, #tpu.memory_space<hbm>>
        tpu.wait_dma2 semaphore(%run_scoped3A : memref<!tpu.dma_semaphore, #tpu.memory_space<semaphore_mem>>) src(%arg6 : memref<1000x64xf32, #tpu.memory_space<vmem>>) dst(%dma_wait3A_23 : memref<1000x64xf32, #tpu.memory_space<hbm>>)
        tpu.yield
      }) : () -> ()
    }
    %scan3A_7 = arith.constant 25 : i32
    return
  }
}

#map = affine_map<(d0, d1) -> (0, 0)>
#map1 = affine_map<(d0, d1) -> (0)>
module attributes {stable_mosaic.version = 14 : i64} {
  func.func @gather_k(%arg0: i32, %arg1: i32, %arg2: memref<50000x64xf32, #tpu.memory_space<hbm>>, %arg3: memref<800000xi32, #tpu.memory_space<hbm>>, %arg4: memref<800000x64xf32, #tpu.memory_space<hbm>>, %arg5: memref<1000xi32, #tpu.memory_space<vmem>>, %arg6: memref<1000x64xf32, #tpu.memory_space<vmem>>, %arg7: memref<!tpu.dma_semaphore, #tpu.memory_space<semaphore_mem>>) attributes {dimension_semantics = [#tpu.dimension_semantics<core_parallel>, #tpu.dimension_semantics<subcore_parallel>], iteration_bounds = array<i64: 2, 16>, scalar_prefetch = 0 : i64, scratch_operands = 3 : i64, tpu.core_type = #tpu.core_type<sc_vector_subcore>, window_params = [{transform_indices = #map}, {transform_indices = #map1}, {transform_indices = #map}]} {
    %mul3A = arith.constant 2 : i32
    %mul3A_0 = arith.muli %arg1, %mul3A : i32
    %add3A = arith.addi %mul3A_0, %arg0 : i32
    %mul3A_1 = arith.constant 25000 : i32
    %mul3A_2 = arith.muli %add3A, %mul3A_1 : i32
    %scan3A = arith.constant 0 : i32
    %scan3A_3 = arith.constant 0 : i32
    %scan3A_4 = arith.constant 25 : i32
    %scan3A_5 = arith.addi %scan3A_3, %scan3A_4 : i32
    %scan3A_6 = arith.constant 1 : i32
    scf.for %scan3A_8 = %scan3A_3 to %scan3A_5 step %scan3A_6  : i32 {
      %mul3A_9 = arith.constant 1000 : i32
      %mul3A_10 = arith.muli %scan3A_8, %mul3A_9 : i32
      %add3A_11 = arith.addi %mul3A_2, %mul3A_10 : i32
      "tpu.region"() ({
        %run_scoped3A = tpu.sem_alloc : memref<!tpu.dma_semaphore, #tpu.memory_space<semaphore_mem>>
        %dma_start3A_16 = tpu.memref_slice %arg3[%add3A_11] : memref<800000xi32, #tpu.memory_space<hbm>> -> memref<1000xi32, #tpu.memory_space<hbm>>
        %dma_start3A_17 = tpu.memref_slice %arg3[%add3A_11] : memref<800000xi32, #tpu.memory_space<hbm>> -> memref<1000xi32, #tpu.memory_space<hbm>>
        tpu.enqueue_dma source(%dma_start3A_17 : memref<1000xi32, #tpu.memory_space<hbm>>) target(%arg5 : memref<1000xi32, #tpu.memory_space<vmem>>) target_semaphore(%run_scoped3A : memref<!tpu.dma_semaphore, #tpu.memory_space<semaphore_mem>>)
        %dma_wait3A_18 = tpu.memref_slice %arg3[%add3A_11] : memref<800000xi32, #tpu.memory_space<hbm>> -> memref<1000xi32, #tpu.memory_space<hbm>>
        %dma_wait3A_19 = tpu.memref_slice %arg3[%add3A_11] : memref<800000xi32, #tpu.memory_space<hbm>> -> memref<1000xi32, #tpu.memory_space<hbm>>
        tpu.wait_dma2 semaphore(%run_scoped3A : memref<!tpu.dma_semaphore, #tpu.memory_space<semaphore_mem>>) src(%dma_wait3A_19 : memref<1000xi32, #tpu.memory_space<hbm>>) dst(%arg5 : memref<1000xi32, #tpu.memory_space<vmem>>)
        tpu.yield
      }) : () -> ()
      %dma_start3A = arith.constant 0 : i32
      %dma_start3A_12 = arith.constant 0 : i32
      %dma_start3A_13 = tpu.memref_slice %arg2[%dma_start3A, %dma_start3A_12] : memref<50000x64xf32, #tpu.memory_space<hbm>> -> memref<50000x64xf32, #tpu.memory_space<hbm>>
      tpu.enqueue_indirect_dma source(%dma_start3A_13 : memref<50000x64xf32, #tpu.memory_space<hbm>>) target(%arg6 : memref<1000x64xf32, #tpu.memory_space<vmem>>) offsets(%arg5 : memref<1000xi32, #tpu.memory_space<vmem>>) semaphore(%arg7 : memref<!tpu.dma_semaphore, #tpu.memory_space<semaphore_mem>>)
      %dma_wait3A = arith.constant 0 : i32
      %dma_wait3A_14 = arith.constant 0 : i32
      %dma_wait3A_15 = tpu.memref_slice %arg2[%dma_wait3A, %dma_wait3A_14] : memref<50000x64xf32, #tpu.memory_space<hbm>> -> memref<50000x64xf32, #tpu.memory_space<hbm>>
      tpu.wait_indirect_dma semaphore(%arg7 : memref<!tpu.dma_semaphore, #tpu.memory_space<semaphore_mem>>) src(%dma_wait3A_15 : memref<50000x64xf32, #tpu.memory_space<hbm>>) dst(%arg6 : memref<1000x64xf32, #tpu.memory_space<vmem>>)
      "tpu.region"() ({
        %run_scoped3A = tpu.sem_alloc : memref<!tpu.dma_semaphore, #tpu.memory_space<semaphore_mem>>
        %dma_start3A_16 = arith.constant 0 : i32
        %dma_start3A_17 = tpu.memref_slice %arg4[%add3A_11, %dma_start3A_16] : memref<800000x64xf32, #tpu.memory_space<hbm>> -> memref<1000x64xf32, #tpu.memory_space<hbm>>
        %dma_start3A_18 = arith.constant 0 : i32
        %dma_start3A_19 = tpu.memref_slice %arg4[%add3A_11, %dma_start3A_18] : memref<800000x64xf32, #tpu.memory_space<hbm>> -> memref<1000x64xf32, #tpu.memory_space<hbm>>
        tpu.enqueue_dma source(%arg6 : memref<1000x64xf32, #tpu.memory_space<vmem>>) target(%dma_start3A_19 : memref<1000x64xf32, #tpu.memory_space<hbm>>) target_semaphore(%run_scoped3A : memref<!tpu.dma_semaphore, #tpu.memory_space<semaphore_mem>>)
        %dma_wait3A_20 = arith.constant 0 : i32
        %dma_wait3A_21 = tpu.memref_slice %arg4[%add3A_11, %dma_wait3A_20] : memref<800000x64xf32, #tpu.memory_space<hbm>> -> memref<1000x64xf32, #tpu.memory_space<hbm>>
        %dma_wait3A_22 = arith.constant 0 : i32
        %dma_wait3A_23 = tpu.memref_slice %arg4[%add3A_11, %dma_wait3A_22] : memref<800000x64xf32, #tpu.memory_space<hbm>> -> memref<1000x64xf32, #tpu.memory_space<hbm>>
        tpu.wait_dma2 semaphore(%run_scoped3A : memref<!tpu.dma_semaphore, #tpu.memory_space<semaphore_mem>>) src(%arg6 : memref<1000x64xf32, #tpu.memory_space<vmem>>) dst(%dma_wait3A_23 : memref<1000x64xf32, #tpu.memory_space<hbm>>)
        tpu.yield
      }) : () -> ()
    }
    %scan3A_7 = arith.constant 25 : i32
    return
  }
}

#map = affine_map<(d0, d1) -> (0, 0)>
#map1 = affine_map<(d0, d1) -> (0)>
#map2 = affine_map<(d0, d1) -> (0, 0, 0)>
module attributes {stable_mosaic.version = 14 : i64} {
  func.func @scatter_k(%arg0: i32, %arg1: i32, %arg2: memref<800000x64xf32, #tpu.memory_space<hbm>>, %arg3: memref<800000xi32, #tpu.memory_space<hbm>>, %arg4: memref<3125x32xf32, #tpu.memory_space<hbm>>, %arg5: memref<2x50000x32xf32, #tpu.memory_space<hbm>>, %arg6: memref<50000x32xf32, #tpu.memory_space<vmem_shared>>, %arg7: memref<400xi32, #tpu.memory_space<vmem>>, %arg8: memref<400x32xf32, #tpu.memory_space<vmem>>) attributes {dimension_semantics = [#tpu.dimension_semantics<core_parallel>, #tpu.dimension_semantics<subcore_parallel>], iteration_bounds = array<i64: 2, 16>, scalar_prefetch = 0 : i64, scratch_operands = 3 : i64, tpu.core_type = #tpu.core_type<sc_vector_subcore>, window_params = [{transform_indices = #map}, {transform_indices = #map1}, {transform_indices = #map}, {transform_indices = #map2}]} {
    %mul3A = arith.constant 3125 : i32
    %mul3A_0 = arith.muli %arg1, %mul3A : i32
    "tpu.region"() ({
      %run_scoped3A = tpu.sem_alloc : memref<!tpu.dma_semaphore, #tpu.memory_space<semaphore_mem>>
      %dma_start3A = arith.constant 0 : i32
      %dma_start3A_9 = tpu.memref_slice %arg6[%mul3A_0, %dma_start3A] : memref<50000x32xf32, #tpu.memory_space<vmem_shared>> -> memref<3125x32xf32, #tpu.memory_space<vmem_shared>>
      %dma_start3A_10 = arith.constant 0 : i32
      %dma_start3A_11 = arith.constant 0 : i32
      %dma_start3A_12 = tpu.memref_slice %arg4[%dma_start3A_10, %dma_start3A_11] : memref<3125x32xf32, #tpu.memory_space<hbm>> -> memref<3125x32xf32, #tpu.memory_space<hbm>>
      tpu.enqueue_dma source(%dma_start3A_12 : memref<3125x32xf32, #tpu.memory_space<hbm>>) target(%dma_start3A_9 : memref<3125x32xf32, #tpu.memory_space<vmem_shared>>) target_semaphore(%run_scoped3A : memref<!tpu.dma_semaphore, #tpu.memory_space<semaphore_mem>>)
      %dma_wait3A = arith.constant 0 : i32
      %dma_wait3A_13 = tpu.memref_slice %arg6[%mul3A_0, %dma_wait3A] : memref<50000x32xf32, #tpu.memory_space<vmem_shared>> -> memref<3125x32xf32, #tpu.memory_space<vmem_shared>>
      %dma_wait3A_14 = arith.constant 0 : i32
      %dma_wait3A_15 = arith.constant 0 : i32
      %dma_wait3A_16 = tpu.memref_slice %arg4[%dma_wait3A_14, %dma_wait3A_15] : memref<3125x32xf32, #tpu.memory_space<hbm>> -> memref<3125x32xf32, #tpu.memory_space<hbm>>
      tpu.wait_dma2 semaphore(%run_scoped3A : memref<!tpu.dma_semaphore, #tpu.memory_space<semaphore_mem>>) src(%dma_wait3A_16 : memref<3125x32xf32, #tpu.memory_space<hbm>>) dst(%dma_wait3A_13 : memref<3125x32xf32, #tpu.memory_space<vmem_shared>>)
      tpu.yield
    }) : () -> ()
    %barrier3A = arith.constant 0 : index
    tpu.barrier barrier_id(%barrier3A)
    %mul3A_1 = arith.constant 50000 : i32
    %mul3A_2 = arith.muli %arg1, %mul3A_1 : i32
    %scan3A = arith.constant 0 : i32
    %scan3A_3 = arith.constant 0 : i32
    %scan3A_4 = arith.constant 125 : i32
    %scan3A_5 = arith.addi %scan3A_3, %scan3A_4 : i32
    %scan3A_6 = arith.constant 1 : i32
    scf.for %scan3A_9 = %scan3A_3 to %scan3A_5 step %scan3A_6  : i32 {
      %mul3A_10 = arith.constant 400 : i32
      %mul3A_11 = arith.muli %scan3A_9, %mul3A_10 : i32
      %add3A = arith.addi %mul3A_2, %mul3A_11 : i32
      "tpu.region"() ({
        %run_scoped3A = tpu.sem_alloc : memref<!tpu.dma_semaphore, #tpu.memory_space<semaphore_mem>>
        %dma_start3A = tpu.memref_slice %arg3[%add3A] : memref<800000xi32, #tpu.memory_space<hbm>> -> memref<400xi32, #tpu.memory_space<hbm>>
        %dma_start3A_14 = tpu.memref_slice %arg3[%add3A] : memref<800000xi32, #tpu.memory_space<hbm>> -> memref<400xi32, #tpu.memory_space<hbm>>
        tpu.enqueue_dma source(%dma_start3A_14 : memref<400xi32, #tpu.memory_space<hbm>>) target(%arg7 : memref<400xi32, #tpu.memory_space<vmem>>) target_semaphore(%run_scoped3A : memref<!tpu.dma_semaphore, #tpu.memory_space<semaphore_mem>>)
        %dma_wait3A = tpu.memref_slice %arg3[%add3A] : memref<800000xi32, #tpu.memory_space<hbm>> -> memref<400xi32, #tpu.memory_space<hbm>>
        %dma_wait3A_15 = tpu.memref_slice %arg3[%add3A] : memref<800000xi32, #tpu.memory_space<hbm>> -> memref<400xi32, #tpu.memory_space<hbm>>
        tpu.wait_dma2 semaphore(%run_scoped3A : memref<!tpu.dma_semaphore, #tpu.memory_space<semaphore_mem>>) src(%dma_wait3A_15 : memref<400xi32, #tpu.memory_space<hbm>>) dst(%arg7 : memref<400xi32, #tpu.memory_space<vmem>>)
        tpu.yield
      }) : () -> ()
      %mul3A_12 = arith.constant 32 : i32
      %mul3A_13 = arith.muli %arg0, %mul3A_12 : i32
      "tpu.region"() ({
        %run_scoped3A = tpu.sem_alloc : memref<!tpu.dma_semaphore, #tpu.memory_space<semaphore_mem>>
        %dma_start3A = tpu.memref_slice %arg2[%add3A, %mul3A_13] : memref<800000x64xf32, #tpu.memory_space<hbm>> -> memref<400x32xf32, #tpu.memory_space<hbm>>
        %dma_start3A_14 = tpu.memref_slice %arg2[%add3A, %mul3A_13] : memref<800000x64xf32, #tpu.memory_space<hbm>> -> memref<400x32xf32, #tpu.memory_space<hbm>>
        tpu.enqueue_dma source(%dma_start3A_14 : memref<400x32xf32, #tpu.memory_space<hbm>>) target(%arg8 : memref<400x32xf32, #tpu.memory_space<vmem>>) target_semaphore(%run_scoped3A : memref<!tpu.dma_semaphore, #tpu.memory_space<semaphore_mem>>)
        %dma_wait3A = tpu.memref_slice %arg2[%add3A, %mul3A_13] : memref<800000x64xf32, #tpu.memory_space<hbm>> -> memref<400x32xf32, #tpu.memory_space<hbm>>
        %dma_wait3A_15 = tpu.memref_slice %arg2[%add3A, %mul3A_13] : memref<800000x64xf32, #tpu.memory_space<hbm>> -> memref<400x32xf32, #tpu.memory_space<hbm>>
        tpu.wait_dma2 semaphore(%run_scoped3A : memref<!tpu.dma_semaphore, #tpu.memory_space<semaphore_mem>>) src(%dma_wait3A_15 : memref<400x32xf32, #tpu.memory_space<hbm>>) dst(%arg8 : memref<400x32xf32, #tpu.memory_space<vmem>>)
        tpu.yield
      }) : () -> ()
      "tpu.region"() ({
        %run_scoped3A = tpu.sem_alloc : memref<!tpu.dma_semaphore, #tpu.memory_space<semaphore_mem>>
        %dma_start3A = arith.constant 0 : i32
        %dma_start3A_14 = arith.constant 0 : i32
        %dma_start3A_15 = tpu.memref_slice %arg6[%dma_start3A, %dma_start3A_14] : memref<50000x32xf32, #tpu.memory_space<vmem_shared>> -> memref<50000x32xf32, #tpu.memory_space<vmem_shared>>
        tpu.enqueue_indirect_dma source(%arg8 : memref<400x32xf32, #tpu.memory_space<vmem>>) target(%dma_start3A_15 : memref<50000x32xf32, #tpu.memory_space<vmem_shared>>) offsets(%arg7 : memref<400xi32, #tpu.memory_space<vmem>>) semaphore(%run_scoped3A : memref<!tpu.dma_semaphore, #tpu.memory_space<semaphore_mem>>) {add = true}
        %dma_wait3A = arith.constant 0 : i32
        %dma_wait3A_16 = arith.constant 0 : i32
        %dma_wait3A_17 = tpu.memref_slice %arg6[%dma_wait3A, %dma_wait3A_16] : memref<50000x32xf32, #tpu.memory_space<vmem_shared>> -> memref<50000x32xf32, #tpu.memory_space<vmem_shared>>
        tpu.wait_indirect_dma semaphore(%run_scoped3A : memref<!tpu.dma_semaphore, #tpu.memory_space<semaphore_mem>>) src(%arg8 : memref<400x32xf32, #tpu.memory_space<vmem>>) dst(%dma_wait3A_17 : memref<50000x32xf32, #tpu.memory_space<vmem_shared>>)
        tpu.yield
      }) : () -> ()
    }
    %scan3A_7 = arith.constant 125 : i32
    %barrier3A_8 = arith.constant 0 : index
    tpu.barrier barrier_id(%barrier3A_8)
    "tpu.region"() ({
      %run_scoped3A = tpu.sem_alloc : memref<!tpu.dma_semaphore, #tpu.memory_space<semaphore_mem>>
      %dma_start3A = arith.constant 0 : i32
      %dma_start3A_9 = tpu.memref_slice %arg5[%arg0, %mul3A_0, %dma_start3A] : memref<2x50000x32xf32, #tpu.memory_space<hbm>> -> memref<1x3125x32xf32, #tpu.memory_space<hbm>>
      %dma_start3A_10 = tpu.memref_squeeze %dma_start3A_9 : memref<1x3125x32xf32, #tpu.memory_space<hbm>> -> memref<3125x32xf32, #tpu.memory_space<hbm>>
      %dma_start3A_11 = arith.constant 0 : i32
      %dma_start3A_12 = tpu.memref_slice %arg6[%mul3A_0, %dma_start3A_11] : memref<50000x32xf32, #tpu.memory_space<vmem_shared>> -> memref<3125x32xf32, #tpu.memory_space<vmem_shared>>
      tpu.enqueue_dma source(%dma_start3A_12 : memref<3125x32xf32, #tpu.memory_space<vmem_shared>>) target(%dma_start3A_10 : memref<3125x32xf32, #tpu.memory_space<hbm>>) target_semaphore(%run_scoped3A : memref<!tpu.dma_semaphore, #tpu.memory_space<semaphore_mem>>)
      %dma_wait3A = arith.constant 0 : i32
      %dma_wait3A_13 = tpu.memref_slice %arg5[%arg0, %mul3A_0, %dma_wait3A] : memref<2x50000x32xf32, #tpu.memory_space<hbm>> -> memref<1x3125x32xf32, #tpu.memory_space<hbm>>
      %dma_wait3A_14 = tpu.memref_squeeze %dma_wait3A_13 : memref<1x3125x32xf32, #tpu.memory_space<hbm>> -> memref<3125x32xf32, #tpu.memory_space<hbm>>
      %dma_wait3A_15 = arith.constant 0 : i32
      %dma_wait3A_16 = tpu.memref_slice %arg6[%mul3A_0, %dma_wait3A_15] : memref<50000x32xf32, #tpu.memory_space<vmem_shared>> -> memref<3125x32xf32, #tpu.memory_space<vmem_shared>>
      tpu.wait_dma2 semaphore(%run_scoped3A : memref<!tpu.dma_semaphore, #tpu.memory_space<semaphore_mem>>) src(%dma_wait3A_16 : memref<3125x32xf32, #tpu.memory_space<vmem_shared>>) dst(%dma_wait3A_14 : memref<3125x32xf32, #tpu.memory_space<hbm>>)
      tpu.yield
    }) : () -> ()
    return
  }
}

#map = affine_map<(d0, d1) -> (0, 0)>
#map1 = affine_map<(d0, d1) -> (0)>
#map2 = affine_map<(d0, d1) -> (0, 0, 0)>
module attributes {stable_mosaic.version = 14 : i64} {
  func.func @scatter_k(%arg0: i32, %arg1: i32, %arg2: memref<800000x64xf32, #tpu.memory_space<hbm>>, %arg3: memref<800000xi32, #tpu.memory_space<hbm>>, %arg4: memref<3125x32xf32, #tpu.memory_space<hbm>>, %arg5: memref<2x50000x32xf32, #tpu.memory_space<hbm>>, %arg6: memref<50000x32xf32, #tpu.memory_space<vmem_shared>>, %arg7: memref<400xi32, #tpu.memory_space<vmem>>, %arg8: memref<400x32xf32, #tpu.memory_space<vmem>>) attributes {dimension_semantics = [#tpu.dimension_semantics<core_parallel>, #tpu.dimension_semantics<subcore_parallel>], iteration_bounds = array<i64: 2, 16>, scalar_prefetch = 0 : i64, scratch_operands = 3 : i64, tpu.core_type = #tpu.core_type<sc_vector_subcore>, window_params = [{transform_indices = #map}, {transform_indices = #map1}, {transform_indices = #map}, {transform_indices = #map2}]} {
    %mul3A = arith.constant 3125 : i32
    %mul3A_0 = arith.muli %arg1, %mul3A : i32
    "tpu.region"() ({
      %run_scoped3A = tpu.sem_alloc : memref<!tpu.dma_semaphore, #tpu.memory_space<semaphore_mem>>
      %dma_start3A = arith.constant 0 : i32
      %dma_start3A_9 = tpu.memref_slice %arg6[%mul3A_0, %dma_start3A] : memref<50000x32xf32, #tpu.memory_space<vmem_shared>> -> memref<3125x32xf32, #tpu.memory_space<vmem_shared>>
      %dma_start3A_10 = arith.constant 0 : i32
      %dma_start3A_11 = arith.constant 0 : i32
      %dma_start3A_12 = tpu.memref_slice %arg4[%dma_start3A_10, %dma_start3A_11] : memref<3125x32xf32, #tpu.memory_space<hbm>> -> memref<3125x32xf32, #tpu.memory_space<hbm>>
      tpu.enqueue_dma source(%dma_start3A_12 : memref<3125x32xf32, #tpu.memory_space<hbm>>) target(%dma_start3A_9 : memref<3125x32xf32, #tpu.memory_space<vmem_shared>>) target_semaphore(%run_scoped3A : memref<!tpu.dma_semaphore, #tpu.memory_space<semaphore_mem>>)
      %dma_wait3A = arith.constant 0 : i32
      %dma_wait3A_13 = tpu.memref_slice %arg6[%mul3A_0, %dma_wait3A] : memref<50000x32xf32, #tpu.memory_space<vmem_shared>> -> memref<3125x32xf32, #tpu.memory_space<vmem_shared>>
      %dma_wait3A_14 = arith.constant 0 : i32
      %dma_wait3A_15 = arith.constant 0 : i32
      %dma_wait3A_16 = tpu.memref_slice %arg4[%dma_wait3A_14, %dma_wait3A_15] : memref<3125x32xf32, #tpu.memory_space<hbm>> -> memref<3125x32xf32, #tpu.memory_space<hbm>>
      tpu.wait_dma2 semaphore(%run_scoped3A : memref<!tpu.dma_semaphore, #tpu.memory_space<semaphore_mem>>) src(%dma_wait3A_16 : memref<3125x32xf32, #tpu.memory_space<hbm>>) dst(%dma_wait3A_13 : memref<3125x32xf32, #tpu.memory_space<vmem_shared>>)
      tpu.yield
    }) : () -> ()
    %barrier3A = arith.constant 0 : index
    tpu.barrier barrier_id(%barrier3A)
    %mul3A_1 = arith.constant 50000 : i32
    %mul3A_2 = arith.muli %arg1, %mul3A_1 : i32
    %scan3A = arith.constant 0 : i32
    %scan3A_3 = arith.constant 0 : i32
    %scan3A_4 = arith.constant 125 : i32
    %scan3A_5 = arith.addi %scan3A_3, %scan3A_4 : i32
    %scan3A_6 = arith.constant 1 : i32
    scf.for %scan3A_9 = %scan3A_3 to %scan3A_5 step %scan3A_6  : i32 {
      %mul3A_10 = arith.constant 400 : i32
      %mul3A_11 = arith.muli %scan3A_9, %mul3A_10 : i32
      %add3A = arith.addi %mul3A_2, %mul3A_11 : i32
      "tpu.region"() ({
        %run_scoped3A = tpu.sem_alloc : memref<!tpu.dma_semaphore, #tpu.memory_space<semaphore_mem>>
        %dma_start3A = tpu.memref_slice %arg3[%add3A] : memref<800000xi32, #tpu.memory_space<hbm>> -> memref<400xi32, #tpu.memory_space<hbm>>
        %dma_start3A_14 = tpu.memref_slice %arg3[%add3A] : memref<800000xi32, #tpu.memory_space<hbm>> -> memref<400xi32, #tpu.memory_space<hbm>>
        tpu.enqueue_dma source(%dma_start3A_14 : memref<400xi32, #tpu.memory_space<hbm>>) target(%arg7 : memref<400xi32, #tpu.memory_space<vmem>>) target_semaphore(%run_scoped3A : memref<!tpu.dma_semaphore, #tpu.memory_space<semaphore_mem>>)
        %dma_wait3A = tpu.memref_slice %arg3[%add3A] : memref<800000xi32, #tpu.memory_space<hbm>> -> memref<400xi32, #tpu.memory_space<hbm>>
        %dma_wait3A_15 = tpu.memref_slice %arg3[%add3A] : memref<800000xi32, #tpu.memory_space<hbm>> -> memref<400xi32, #tpu.memory_space<hbm>>
        tpu.wait_dma2 semaphore(%run_scoped3A : memref<!tpu.dma_semaphore, #tpu.memory_space<semaphore_mem>>) src(%dma_wait3A_15 : memref<400xi32, #tpu.memory_space<hbm>>) dst(%arg7 : memref<400xi32, #tpu.memory_space<vmem>>)
        tpu.yield
      }) : () -> ()
      %mul3A_12 = arith.constant 32 : i32
      %mul3A_13 = arith.muli %arg0, %mul3A_12 : i32
      "tpu.region"() ({
        %run_scoped3A = tpu.sem_alloc : memref<!tpu.dma_semaphore, #tpu.memory_space<semaphore_mem>>
        %dma_start3A = tpu.memref_slice %arg2[%add3A, %mul3A_13] : memref<800000x64xf32, #tpu.memory_space<hbm>> -> memref<400x32xf32, #tpu.memory_space<hbm>>
        %dma_start3A_14 = tpu.memref_slice %arg2[%add3A, %mul3A_13] : memref<800000x64xf32, #tpu.memory_space<hbm>> -> memref<400x32xf32, #tpu.memory_space<hbm>>
        tpu.enqueue_dma source(%dma_start3A_14 : memref<400x32xf32, #tpu.memory_space<hbm>>) target(%arg8 : memref<400x32xf32, #tpu.memory_space<vmem>>) target_semaphore(%run_scoped3A : memref<!tpu.dma_semaphore, #tpu.memory_space<semaphore_mem>>)
        %dma_wait3A = tpu.memref_slice %arg2[%add3A, %mul3A_13] : memref<800000x64xf32, #tpu.memory_space<hbm>> -> memref<400x32xf32, #tpu.memory_space<hbm>>
        %dma_wait3A_15 = tpu.memref_slice %arg2[%add3A, %mul3A_13] : memref<800000x64xf32, #tpu.memory_space<hbm>> -> memref<400x32xf32, #tpu.memory_space<hbm>>
        tpu.wait_dma2 semaphore(%run_scoped3A : memref<!tpu.dma_semaphore, #tpu.memory_space<semaphore_mem>>) src(%dma_wait3A_15 : memref<400x32xf32, #tpu.memory_space<hbm>>) dst(%arg8 : memref<400x32xf32, #tpu.memory_space<vmem>>)
        tpu.yield
      }) : () -> ()
      "tpu.region"() ({
        %run_scoped3A = tpu.sem_alloc : memref<!tpu.dma_semaphore, #tpu.memory_space<semaphore_mem>>
        %dma_start3A = arith.constant 0 : i32
        %dma_start3A_14 = arith.constant 0 : i32
        %dma_start3A_15 = tpu.memref_slice %arg6[%dma_start3A, %dma_start3A_14] : memref<50000x32xf32, #tpu.memory_space<vmem_shared>> -> memref<50000x32xf32, #tpu.memory_space<vmem_shared>>
        tpu.enqueue_indirect_dma source(%arg8 : memref<400x32xf32, #tpu.memory_space<vmem>>) target(%dma_start3A_15 : memref<50000x32xf32, #tpu.memory_space<vmem_shared>>) offsets(%arg7 : memref<400xi32, #tpu.memory_space<vmem>>) semaphore(%run_scoped3A : memref<!tpu.dma_semaphore, #tpu.memory_space<semaphore_mem>>) {add = true}
        %dma_wait3A = arith.constant 0 : i32
        %dma_wait3A_16 = arith.constant 0 : i32
        %dma_wait3A_17 = tpu.memref_slice %arg6[%dma_wait3A, %dma_wait3A_16] : memref<50000x32xf32, #tpu.memory_space<vmem_shared>> -> memref<50000x32xf32, #tpu.memory_space<vmem_shared>>
        tpu.wait_indirect_dma semaphore(%run_scoped3A : memref<!tpu.dma_semaphore, #tpu.memory_space<semaphore_mem>>) src(%arg8 : memref<400x32xf32, #tpu.memory_space<vmem>>) dst(%dma_wait3A_17 : memref<50000x32xf32, #tpu.memory_space<vmem_shared>>)
        tpu.yield
      }) : () -> ()
    }
    %scan3A_7 = arith.constant 125 : i32
    %barrier3A_8 = arith.constant 0 : index
    tpu.barrier barrier_id(%barrier3A_8)
    "tpu.region"() ({
      %run_scoped3A = tpu.sem_alloc : memref<!tpu.dma_semaphore, #tpu.memory_space<semaphore_mem>>
      %dma_start3A = arith.constant 0 : i32
      %dma_start3A_9 = tpu.memref_slice %arg5[%arg0, %mul3A_0, %dma_start3A] : memref<2x50000x32xf32, #tpu.memory_space<hbm>> -> memref<1x3125x32xf32, #tpu.memory_space<hbm>>
      %dma_start3A_10 = tpu.memref_squeeze %dma_start3A_9 : memref<1x3125x32xf32, #tpu.memory_space<hbm>> -> memref<3125x32xf32, #tpu.memory_space<hbm>>
      %dma_start3A_11 = arith.constant 0 : i32
      %dma_start3A_12 = tpu.memref_slice %arg6[%mul3A_0, %dma_start3A_11] : memref<50000x32xf32, #tpu.memory_space<vmem_shared>> -> memref<3125x32xf32, #tpu.memory_space<vmem_shared>>
      tpu.enqueue_dma source(%dma_start3A_12 : memref<3125x32xf32, #tpu.memory_space<vmem_shared>>) target(%dma_start3A_10 : memref<3125x32xf32, #tpu.memory_space<hbm>>) target_semaphore(%run_scoped3A : memref<!tpu.dma_semaphore, #tpu.memory_space<semaphore_mem>>)
      %dma_wait3A = arith.constant 0 : i32
      %dma_wait3A_13 = tpu.memref_slice %arg5[%arg0, %mul3A_0, %dma_wait3A] : memref<2x50000x32xf32, #tpu.memory_space<hbm>> -> memref<1x3125x32xf32, #tpu.memory_space<hbm>>
      %dma_wait3A_14 = tpu.memref_squeeze %dma_wait3A_13 : memref<1x3125x32xf32, #tpu.memory_space<hbm>> -> memref<3125x32xf32, #tpu.memory_space<hbm>>
      %dma_wait3A_15 = arith.constant 0 : i32
      %dma_wait3A_16 = tpu.memref_slice %arg6[%mul3A_0, %dma_wait3A_15] : memref<50000x32xf32, #tpu.memory_space<vmem_shared>> -> memref<3125x32xf32, #tpu.memory_space<vmem_shared>>
      tpu.wait_dma2 semaphore(%run_scoped3A : memref<!tpu.dma_semaphore, #tpu.memory_space<semaphore_mem>>) src(%dma_wait3A_16 : memref<3125x32xf32, #tpu.memory_space<vmem_shared>>) dst(%dma_wait3A_14 : memref<3125x32xf32, #tpu.memory_space<hbm>>)
      tpu.yield
    }) : () -> ()
    return
  }
}

#map = affine_map<(d0, d1) -> (0, 0)>
#map1 = affine_map<(d0, d1) -> (0)>
module attributes {stable_mosaic.version = 14 : i64} {
  func.func @gather_k(%arg0: i32, %arg1: i32, %arg2: memref<50000x64xf32, #tpu.memory_space<hbm>>, %arg3: memref<800000xi32, #tpu.memory_space<hbm>>, %arg4: memref<800000x64xf32, #tpu.memory_space<hbm>>, %arg5: memref<1000xi32, #tpu.memory_space<vmem>>, %arg6: memref<1000x64xf32, #tpu.memory_space<vmem>>, %arg7: memref<!tpu.dma_semaphore, #tpu.memory_space<semaphore_mem>>) attributes {dimension_semantics = [#tpu.dimension_semantics<core_parallel>, #tpu.dimension_semantics<subcore_parallel>], iteration_bounds = array<i64: 2, 16>, scalar_prefetch = 0 : i64, scratch_operands = 3 : i64, tpu.core_type = #tpu.core_type<sc_vector_subcore>, window_params = [{transform_indices = #map}, {transform_indices = #map1}, {transform_indices = #map}]} {
    %mul3A = arith.constant 2 : i32
    %mul3A_0 = arith.muli %arg1, %mul3A : i32
    %add3A = arith.addi %mul3A_0, %arg0 : i32
    %mul3A_1 = arith.constant 25000 : i32
    %mul3A_2 = arith.muli %add3A, %mul3A_1 : i32
    %scan3A = arith.constant 0 : i32
    %scan3A_3 = arith.constant 0 : i32
    %scan3A_4 = arith.constant 25 : i32
    %scan3A_5 = arith.addi %scan3A_3, %scan3A_4 : i32
    %scan3A_6 = arith.constant 1 : i32
    scf.for %scan3A_8 = %scan3A_3 to %scan3A_5 step %scan3A_6  : i32 {
      %mul3A_9 = arith.constant 1000 : i32
      %mul3A_10 = arith.muli %scan3A_8, %mul3A_9 : i32
      %add3A_11 = arith.addi %mul3A_2, %mul3A_10 : i32
      "tpu.region"() ({
        %run_scoped3A = tpu.sem_alloc : memref<!tpu.dma_semaphore, #tpu.memory_space<semaphore_mem>>
        %dma_start3A_16 = tpu.memref_slice %arg3[%add3A_11] : memref<800000xi32, #tpu.memory_space<hbm>> -> memref<1000xi32, #tpu.memory_space<hbm>>
        %dma_start3A_17 = tpu.memref_slice %arg3[%add3A_11] : memref<800000xi32, #tpu.memory_space<hbm>> -> memref<1000xi32, #tpu.memory_space<hbm>>
        tpu.enqueue_dma source(%dma_start3A_17 : memref<1000xi32, #tpu.memory_space<hbm>>) target(%arg5 : memref<1000xi32, #tpu.memory_space<vmem>>) target_semaphore(%run_scoped3A : memref<!tpu.dma_semaphore, #tpu.memory_space<semaphore_mem>>)
        %dma_wait3A_18 = tpu.memref_slice %arg3[%add3A_11] : memref<800000xi32, #tpu.memory_space<hbm>> -> memref<1000xi32, #tpu.memory_space<hbm>>
        %dma_wait3A_19 = tpu.memref_slice %arg3[%add3A_11] : memref<800000xi32, #tpu.memory_space<hbm>> -> memref<1000xi32, #tpu.memory_space<hbm>>
        tpu.wait_dma2 semaphore(%run_scoped3A : memref<!tpu.dma_semaphore, #tpu.memory_space<semaphore_mem>>) src(%dma_wait3A_19 : memref<1000xi32, #tpu.memory_space<hbm>>) dst(%arg5 : memref<1000xi32, #tpu.memory_space<vmem>>)
        tpu.yield
      }) : () -> ()
      %dma_start3A = arith.constant 0 : i32
      %dma_start3A_12 = arith.constant 0 : i32
      %dma_start3A_13 = tpu.memref_slice %arg2[%dma_start3A, %dma_start3A_12] : memref<50000x64xf32, #tpu.memory_space<hbm>> -> memref<50000x64xf32, #tpu.memory_space<hbm>>
      tpu.enqueue_indirect_dma source(%dma_start3A_13 : memref<50000x64xf32, #tpu.memory_space<hbm>>) target(%arg6 : memref<1000x64xf32, #tpu.memory_space<vmem>>) offsets(%arg5 : memref<1000xi32, #tpu.memory_space<vmem>>) semaphore(%arg7 : memref<!tpu.dma_semaphore, #tpu.memory_space<semaphore_mem>>)
      %dma_wait3A = arith.constant 0 : i32
      %dma_wait3A_14 = arith.constant 0 : i32
      %dma_wait3A_15 = tpu.memref_slice %arg2[%dma_wait3A, %dma_wait3A_14] : memref<50000x64xf32, #tpu.memory_space<hbm>> -> memref<50000x64xf32, #tpu.memory_space<hbm>>
      tpu.wait_indirect_dma semaphore(%arg7 : memref<!tpu.dma_semaphore, #tpu.memory_space<semaphore_mem>>) src(%dma_wait3A_15 : memref<50000x64xf32, #tpu.memory_space<hbm>>) dst(%arg6 : memref<1000x64xf32, #tpu.memory_space<vmem>>)
      "tpu.region"() ({
        %run_scoped3A = tpu.sem_alloc : memref<!tpu.dma_semaphore, #tpu.memory_space<semaphore_mem>>
        %dma_start3A_16 = arith.constant 0 : i32
        %dma_start3A_17 = tpu.memref_slice %arg4[%add3A_11, %dma_start3A_16] : memref<800000x64xf32, #tpu.memory_space<hbm>> -> memref<1000x64xf32, #tpu.memory_space<hbm>>
        %dma_start3A_18 = arith.constant 0 : i32
        %dma_start3A_19 = tpu.memref_slice %arg4[%add3A_11, %dma_start3A_18] : memref<800000x64xf32, #tpu.memory_space<hbm>> -> memref<1000x64xf32, #tpu.memory_space<hbm>>
        tpu.enqueue_dma source(%arg6 : memref<1000x64xf32, #tpu.memory_space<vmem>>) target(%dma_start3A_19 : memref<1000x64xf32, #tpu.memory_space<hbm>>) target_semaphore(%run_scoped3A : memref<!tpu.dma_semaphore, #tpu.memory_space<semaphore_mem>>)
        %dma_wait3A_20 = arith.constant 0 : i32
        %dma_wait3A_21 = tpu.memref_slice %arg4[%add3A_11, %dma_wait3A_20] : memref<800000x64xf32, #tpu.memory_space<hbm>> -> memref<1000x64xf32, #tpu.memory_space<hbm>>
        %dma_wait3A_22 = arith.constant 0 : i32
        %dma_wait3A_23 = tpu.memref_slice %arg4[%add3A_11, %dma_wait3A_22] : memref<800000x64xf32, #tpu.memory_space<hbm>> -> memref<1000x64xf32, #tpu.memory_space<hbm>>
        tpu.wait_dma2 semaphore(%run_scoped3A : memref<!tpu.dma_semaphore, #tpu.memory_space<semaphore_mem>>) src(%arg6 : memref<1000x64xf32, #tpu.memory_space<vmem>>) dst(%dma_wait3A_23 : memref<1000x64xf32, #tpu.memory_space<hbm>>)
        tpu.yield
      }) : () -> ()
    }
    %scan3A_7 = arith.constant 25 : i32
    return
  }
}

#map = affine_map<(d0, d1) -> (0, 0)>
#map1 = affine_map<(d0, d1) -> (0)>
#map2 = affine_map<(d0, d1) -> (0, 0, 0)>
module attributes {stable_mosaic.version = 14 : i64} {
  func.func @scatter_k(%arg0: i32, %arg1: i32, %arg2: memref<800000x64xf32, #tpu.memory_space<hbm>>, %arg3: memref<800000xi32, #tpu.memory_space<hbm>>, %arg4: memref<3125x32xf32, #tpu.memory_space<hbm>>, %arg5: memref<2x50000x32xf32, #tpu.memory_space<hbm>>, %arg6: memref<50000x32xf32, #tpu.memory_space<vmem_shared>>, %arg7: memref<400xi32, #tpu.memory_space<vmem>>, %arg8: memref<400x32xf32, #tpu.memory_space<vmem>>) attributes {dimension_semantics = [#tpu.dimension_semantics<core_parallel>, #tpu.dimension_semantics<subcore_parallel>], iteration_bounds = array<i64: 2, 16>, scalar_prefetch = 0 : i64, scratch_operands = 3 : i64, tpu.core_type = #tpu.core_type<sc_vector_subcore>, window_params = [{transform_indices = #map}, {transform_indices = #map1}, {transform_indices = #map}, {transform_indices = #map2}]} {
    %mul3A = arith.constant 3125 : i32
    %mul3A_0 = arith.muli %arg1, %mul3A : i32
    "tpu.region"() ({
      %run_scoped3A = tpu.sem_alloc : memref<!tpu.dma_semaphore, #tpu.memory_space<semaphore_mem>>
      %dma_start3A = arith.constant 0 : i32
      %dma_start3A_9 = tpu.memref_slice %arg6[%mul3A_0, %dma_start3A] : memref<50000x32xf32, #tpu.memory_space<vmem_shared>> -> memref<3125x32xf32, #tpu.memory_space<vmem_shared>>
      %dma_start3A_10 = arith.constant 0 : i32
      %dma_start3A_11 = arith.constant 0 : i32
      %dma_start3A_12 = tpu.memref_slice %arg4[%dma_start3A_10, %dma_start3A_11] : memref<3125x32xf32, #tpu.memory_space<hbm>> -> memref<3125x32xf32, #tpu.memory_space<hbm>>
      tpu.enqueue_dma source(%dma_start3A_12 : memref<3125x32xf32, #tpu.memory_space<hbm>>) target(%dma_start3A_9 : memref<3125x32xf32, #tpu.memory_space<vmem_shared>>) target_semaphore(%run_scoped3A : memref<!tpu.dma_semaphore, #tpu.memory_space<semaphore_mem>>)
      %dma_wait3A = arith.constant 0 : i32
      %dma_wait3A_13 = tpu.memref_slice %arg6[%mul3A_0, %dma_wait3A] : memref<50000x32xf32, #tpu.memory_space<vmem_shared>> -> memref<3125x32xf32, #tpu.memory_space<vmem_shared>>
      %dma_wait3A_14 = arith.constant 0 : i32
      %dma_wait3A_15 = arith.constant 0 : i32
      %dma_wait3A_16 = tpu.memref_slice %arg4[%dma_wait3A_14, %dma_wait3A_15] : memref<3125x32xf32, #tpu.memory_space<hbm>> -> memref<3125x32xf32, #tpu.memory_space<hbm>>
      tpu.wait_dma2 semaphore(%run_scoped3A : memref<!tpu.dma_semaphore, #tpu.memory_space<semaphore_mem>>) src(%dma_wait3A_16 : memref<3125x32xf32, #tpu.memory_space<hbm>>) dst(%dma_wait3A_13 : memref<3125x32xf32, #tpu.memory_space<vmem_shared>>)
      tpu.yield
    }) : () -> ()
    %barrier3A = arith.constant 0 : index
    tpu.barrier barrier_id(%barrier3A)
    %mul3A_1 = arith.constant 50000 : i32
    %mul3A_2 = arith.muli %arg1, %mul3A_1 : i32
    %scan3A = arith.constant 0 : i32
    %scan3A_3 = arith.constant 0 : i32
    %scan3A_4 = arith.constant 125 : i32
    %scan3A_5 = arith.addi %scan3A_3, %scan3A_4 : i32
    %scan3A_6 = arith.constant 1 : i32
    scf.for %scan3A_9 = %scan3A_3 to %scan3A_5 step %scan3A_6  : i32 {
      %mul3A_10 = arith.constant 400 : i32
      %mul3A_11 = arith.muli %scan3A_9, %mul3A_10 : i32
      %add3A = arith.addi %mul3A_2, %mul3A_11 : i32
      "tpu.region"() ({
        %run_scoped3A = tpu.sem_alloc : memref<!tpu.dma_semaphore, #tpu.memory_space<semaphore_mem>>
        %dma_start3A = tpu.memref_slice %arg3[%add3A] : memref<800000xi32, #tpu.memory_space<hbm>> -> memref<400xi32, #tpu.memory_space<hbm>>
        %dma_start3A_14 = tpu.memref_slice %arg3[%add3A] : memref<800000xi32, #tpu.memory_space<hbm>> -> memref<400xi32, #tpu.memory_space<hbm>>
        tpu.enqueue_dma source(%dma_start3A_14 : memref<400xi32, #tpu.memory_space<hbm>>) target(%arg7 : memref<400xi32, #tpu.memory_space<vmem>>) target_semaphore(%run_scoped3A : memref<!tpu.dma_semaphore, #tpu.memory_space<semaphore_mem>>)
        %dma_wait3A = tpu.memref_slice %arg3[%add3A] : memref<800000xi32, #tpu.memory_space<hbm>> -> memref<400xi32, #tpu.memory_space<hbm>>
        %dma_wait3A_15 = tpu.memref_slice %arg3[%add3A] : memref<800000xi32, #tpu.memory_space<hbm>> -> memref<400xi32, #tpu.memory_space<hbm>>
        tpu.wait_dma2 semaphore(%run_scoped3A : memref<!tpu.dma_semaphore, #tpu.memory_space<semaphore_mem>>) src(%dma_wait3A_15 : memref<400xi32, #tpu.memory_space<hbm>>) dst(%arg7 : memref<400xi32, #tpu.memory_space<vmem>>)
        tpu.yield
      }) : () -> ()
      %mul3A_12 = arith.constant 32 : i32
      %mul3A_13 = arith.muli %arg0, %mul3A_12 : i32
      "tpu.region"() ({
        %run_scoped3A = tpu.sem_alloc : memref<!tpu.dma_semaphore, #tpu.memory_space<semaphore_mem>>
        %dma_start3A = tpu.memref_slice %arg2[%add3A, %mul3A_13] : memref<800000x64xf32, #tpu.memory_space<hbm>> -> memref<400x32xf32, #tpu.memory_space<hbm>>
        %dma_start3A_14 = tpu.memref_slice %arg2[%add3A, %mul3A_13] : memref<800000x64xf32, #tpu.memory_space<hbm>> -> memref<400x32xf32, #tpu.memory_space<hbm>>
        tpu.enqueue_dma source(%dma_start3A_14 : memref<400x32xf32, #tpu.memory_space<hbm>>) target(%arg8 : memref<400x32xf32, #tpu.memory_space<vmem>>) target_semaphore(%run_scoped3A : memref<!tpu.dma_semaphore, #tpu.memory_space<semaphore_mem>>)
        %dma_wait3A = tpu.memref_slice %arg2[%add3A, %mul3A_13] : memref<800000x64xf32, #tpu.memory_space<hbm>> -> memref<400x32xf32, #tpu.memory_space<hbm>>
        %dma_wait3A_15 = tpu.memref_slice %arg2[%add3A, %mul3A_13] : memref<800000x64xf32, #tpu.memory_space<hbm>> -> memref<400x32xf32, #tpu.memory_space<hbm>>
        tpu.wait_dma2 semaphore(%run_scoped3A : memref<!tpu.dma_semaphore, #tpu.memory_space<semaphore_mem>>) src(%dma_wait3A_15 : memref<400x32xf32, #tpu.memory_space<hbm>>) dst(%arg8 : memref<400x32xf32, #tpu.memory_space<vmem>>)
        tpu.yield
      }) : () -> ()
      "tpu.region"() ({
        %run_scoped3A = tpu.sem_alloc : memref<!tpu.dma_semaphore, #tpu.memory_space<semaphore_mem>>
        %dma_start3A = arith.constant 0 : i32
        %dma_start3A_14 = arith.constant 0 : i32
        %dma_start3A_15 = tpu.memref_slice %arg6[%dma_start3A, %dma_start3A_14] : memref<50000x32xf32, #tpu.memory_space<vmem_shared>> -> memref<50000x32xf32, #tpu.memory_space<vmem_shared>>
        tpu.enqueue_indirect_dma source(%arg8 : memref<400x32xf32, #tpu.memory_space<vmem>>) target(%dma_start3A_15 : memref<50000x32xf32, #tpu.memory_space<vmem_shared>>) offsets(%arg7 : memref<400xi32, #tpu.memory_space<vmem>>) semaphore(%run_scoped3A : memref<!tpu.dma_semaphore, #tpu.memory_space<semaphore_mem>>) {add = true}
        %dma_wait3A = arith.constant 0 : i32
        %dma_wait3A_16 = arith.constant 0 : i32
        %dma_wait3A_17 = tpu.memref_slice %arg6[%dma_wait3A, %dma_wait3A_16] : memref<50000x32xf32, #tpu.memory_space<vmem_shared>> -> memref<50000x32xf32, #tpu.memory_space<vmem_shared>>
        tpu.wait_indirect_dma semaphore(%run_scoped3A : memref<!tpu.dma_semaphore, #tpu.memory_space<semaphore_mem>>) src(%arg8 : memref<400x32xf32, #tpu.memory_space<vmem>>) dst(%dma_wait3A_17 : memref<50000x32xf32, #tpu.memory_space<vmem_shared>>)
        tpu.yield
      }) : () -> ()
    }
    %scan3A_7 = arith.constant 125 : i32
    %barrier3A_8 = arith.constant 0 : index
    tpu.barrier barrier_id(%barrier3A_8)
    "tpu.region"() ({
      %run_scoped3A = tpu.sem_alloc : memref<!tpu.dma_semaphore, #tpu.memory_space<semaphore_mem>>
      %dma_start3A = arith.constant 0 : i32
      %dma_start3A_9 = tpu.memref_slice %arg5[%arg0, %mul3A_0, %dma_start3A] : memref<2x50000x32xf32, #tpu.memory_space<hbm>> -> memref<1x3125x32xf32, #tpu.memory_space<hbm>>
      %dma_start3A_10 = tpu.memref_squeeze %dma_start3A_9 : memref<1x3125x32xf32, #tpu.memory_space<hbm>> -> memref<3125x32xf32, #tpu.memory_space<hbm>>
      %dma_start3A_11 = arith.constant 0 : i32
      %dma_start3A_12 = tpu.memref_slice %arg6[%mul3A_0, %dma_start3A_11] : memref<50000x32xf32, #tpu.memory_space<vmem_shared>> -> memref<3125x32xf32, #tpu.memory_space<vmem_shared>>
      tpu.enqueue_dma source(%dma_start3A_12 : memref<3125x32xf32, #tpu.memory_space<vmem_shared>>) target(%dma_start3A_10 : memref<3125x32xf32, #tpu.memory_space<hbm>>) target_semaphore(%run_scoped3A : memref<!tpu.dma_semaphore, #tpu.memory_space<semaphore_mem>>)
      %dma_wait3A = arith.constant 0 : i32
      %dma_wait3A_13 = tpu.memref_slice %arg5[%arg0, %mul3A_0, %dma_wait3A] : memref<2x50000x32xf32, #tpu.memory_space<hbm>> -> memref<1x3125x32xf32, #tpu.memory_space<hbm>>
      %dma_wait3A_14 = tpu.memref_squeeze %dma_wait3A_13 : memref<1x3125x32xf32, #tpu.memory_space<hbm>> -> memref<3125x32xf32, #tpu.memory_space<hbm>>
      %dma_wait3A_15 = arith.constant 0 : i32
      %dma_wait3A_16 = tpu.memref_slice %arg6[%mul3A_0, %dma_wait3A_15] : memref<50000x32xf32, #tpu.memory_space<vmem_shared>> -> memref<3125x32xf32, #tpu.memory_space<vmem_shared>>
      tpu.wait_dma2 semaphore(%run_scoped3A : memref<!tpu.dma_semaphore, #tpu.memory_space<semaphore_mem>>) src(%dma_wait3A_16 : memref<3125x32xf32, #tpu.memory_space<vmem_shared>>) dst(%dma_wait3A_14 : memref<3125x32xf32, #tpu.memory_space<hbm>>)
      tpu.yield
    }) : () -> ()
    return
  }
}

#map = affine_map<(d0, d1) -> (0, 0)>
#map1 = affine_map<(d0, d1) -> (0)>
module attributes {stable_mosaic.version = 14 : i64} {
  func.func @gather_k(%arg0: i32, %arg1: i32, %arg2: memref<50000x64xf32, #tpu.memory_space<hbm>>, %arg3: memref<800000xi32, #tpu.memory_space<hbm>>, %arg4: memref<800000x64xf32, #tpu.memory_space<hbm>>, %arg5: memref<1000xi32, #tpu.memory_space<vmem>>, %arg6: memref<1000x64xf32, #tpu.memory_space<vmem>>, %arg7: memref<!tpu.dma_semaphore, #tpu.memory_space<semaphore_mem>>) attributes {dimension_semantics = [#tpu.dimension_semantics<core_parallel>, #tpu.dimension_semantics<subcore_parallel>], iteration_bounds = array<i64: 2, 16>, scalar_prefetch = 0 : i64, scratch_operands = 3 : i64, tpu.core_type = #tpu.core_type<sc_vector_subcore>, window_params = [{transform_indices = #map}, {transform_indices = #map1}, {transform_indices = #map}]} {
    %mul3A = arith.constant 2 : i32
    %mul3A_0 = arith.muli %arg1, %mul3A : i32
    %add3A = arith.addi %mul3A_0, %arg0 : i32
    %mul3A_1 = arith.constant 25000 : i32
    %mul3A_2 = arith.muli %add3A, %mul3A_1 : i32
    %scan3A = arith.constant 0 : i32
    %scan3A_3 = arith.constant 0 : i32
    %scan3A_4 = arith.constant 25 : i32
    %scan3A_5 = arith.addi %scan3A_3, %scan3A_4 : i32
    %scan3A_6 = arith.constant 1 : i32
    scf.for %scan3A_8 = %scan3A_3 to %scan3A_5 step %scan3A_6  : i32 {
      %mul3A_9 = arith.constant 1000 : i32
      %mul3A_10 = arith.muli %scan3A_8, %mul3A_9 : i32
      %add3A_11 = arith.addi %mul3A_2, %mul3A_10 : i32
      "tpu.region"() ({
        %run_scoped3A = tpu.sem_alloc : memref<!tpu.dma_semaphore, #tpu.memory_space<semaphore_mem>>
        %dma_start3A_16 = tpu.memref_slice %arg3[%add3A_11] : memref<800000xi32, #tpu.memory_space<hbm>> -> memref<1000xi32, #tpu.memory_space<hbm>>
        %dma_start3A_17 = tpu.memref_slice %arg3[%add3A_11] : memref<800000xi32, #tpu.memory_space<hbm>> -> memref<1000xi32, #tpu.memory_space<hbm>>
        tpu.enqueue_dma source(%dma_start3A_17 : memref<1000xi32, #tpu.memory_space<hbm>>) target(%arg5 : memref<1000xi32, #tpu.memory_space<vmem>>) target_semaphore(%run_scoped3A : memref<!tpu.dma_semaphore, #tpu.memory_space<semaphore_mem>>)
        %dma_wait3A_18 = tpu.memref_slice %arg3[%add3A_11] : memref<800000xi32, #tpu.memory_space<hbm>> -> memref<1000xi32, #tpu.memory_space<hbm>>
        %dma_wait3A_19 = tpu.memref_slice %arg3[%add3A_11] : memref<800000xi32, #tpu.memory_space<hbm>> -> memref<1000xi32, #tpu.memory_space<hbm>>
        tpu.wait_dma2 semaphore(%run_scoped3A : memref<!tpu.dma_semaphore, #tpu.memory_space<semaphore_mem>>) src(%dma_wait3A_19 : memref<1000xi32, #tpu.memory_space<hbm>>) dst(%arg5 : memref<1000xi32, #tpu.memory_space<vmem>>)
        tpu.yield
      }) : () -> ()
      %dma_start3A = arith.constant 0 : i32
      %dma_start3A_12 = arith.constant 0 : i32
      %dma_start3A_13 = tpu.memref_slice %arg2[%dma_start3A, %dma_start3A_12] : memref<50000x64xf32, #tpu.memory_space<hbm>> -> memref<50000x64xf32, #tpu.memory_space<hbm>>
      tpu.enqueue_indirect_dma source(%dma_start3A_13 : memref<50000x64xf32, #tpu.memory_space<hbm>>) target(%arg6 : memref<1000x64xf32, #tpu.memory_space<vmem>>) offsets(%arg5 : memref<1000xi32, #tpu.memory_space<vmem>>) semaphore(%arg7 : memref<!tpu.dma_semaphore, #tpu.memory_space<semaphore_mem>>)
      %dma_wait3A = arith.constant 0 : i32
      %dma_wait3A_14 = arith.constant 0 : i32
      %dma_wait3A_15 = tpu.memref_slice %arg2[%dma_wait3A, %dma_wait3A_14] : memref<50000x64xf32, #tpu.memory_space<hbm>> -> memref<50000x64xf32, #tpu.memory_space<hbm>>
      tpu.wait_indirect_dma semaphore(%arg7 : memref<!tpu.dma_semaphore, #tpu.memory_space<semaphore_mem>>) src(%dma_wait3A_15 : memref<50000x64xf32, #tpu.memory_space<hbm>>) dst(%arg6 : memref<1000x64xf32, #tpu.memory_space<vmem>>)
      "tpu.region"() ({
        %run_scoped3A = tpu.sem_alloc : memref<!tpu.dma_semaphore, #tpu.memory_space<semaphore_mem>>
        %dma_start3A_16 = arith.constant 0 : i32
        %dma_start3A_17 = tpu.memref_slice %arg4[%add3A_11, %dma_start3A_16] : memref<800000x64xf32, #tpu.memory_space<hbm>> -> memref<1000x64xf32, #tpu.memory_space<hbm>>
        %dma_start3A_18 = arith.constant 0 : i32
        %dma_start3A_19 = tpu.memref_slice %arg4[%add3A_11, %dma_start3A_18] : memref<800000x64xf32, #tpu.memory_space<hbm>> -> memref<1000x64xf32, #tpu.memory_space<hbm>>
        tpu.enqueue_dma source(%arg6 : memref<1000x64xf32, #tpu.memory_space<vmem>>) target(%dma_start3A_19 : memref<1000x64xf32, #tpu.memory_space<hbm>>) target_semaphore(%run_scoped3A : memref<!tpu.dma_semaphore, #tpu.memory_space<semaphore_mem>>)
        %dma_wait3A_20 = arith.constant 0 : i32
        %dma_wait3A_21 = tpu.memref_slice %arg4[%add3A_11, %dma_wait3A_20] : memref<800000x64xf32, #tpu.memory_space<hbm>> -> memref<1000x64xf32, #tpu.memory_space<hbm>>
        %dma_wait3A_22 = arith.constant 0 : i32
        %dma_wait3A_23 = tpu.memref_slice %arg4[%add3A_11, %dma_wait3A_22] : memref<800000x64xf32, #tpu.memory_space<hbm>> -> memref<1000x64xf32, #tpu.memory_space<hbm>>
        tpu.wait_dma2 semaphore(%run_scoped3A : memref<!tpu.dma_semaphore, #tpu.memory_space<semaphore_mem>>) src(%arg6 : memref<1000x64xf32, #tpu.memory_space<vmem>>) dst(%dma_wait3A_23 : memref<1000x64xf32, #tpu.memory_space<hbm>>)
        tpu.yield
      }) : () -> ()
    }
    %scan3A_7 = arith.constant 25 : i32
    return
  }
}

#map = affine_map<(d0, d1) -> (0, 0)>
#map1 = affine_map<(d0, d1) -> (0)>
#map2 = affine_map<(d0, d1) -> (0, 0, 0)>
module attributes {stable_mosaic.version = 14 : i64} {
  func.func @scatter_k(%arg0: i32, %arg1: i32, %arg2: memref<800000x64xf32, #tpu.memory_space<hbm>>, %arg3: memref<800000xi32, #tpu.memory_space<hbm>>, %arg4: memref<3125x32xf32, #tpu.memory_space<hbm>>, %arg5: memref<2x50000x32xf32, #tpu.memory_space<hbm>>, %arg6: memref<50000x32xf32, #tpu.memory_space<vmem_shared>>, %arg7: memref<400xi32, #tpu.memory_space<vmem>>, %arg8: memref<400x32xf32, #tpu.memory_space<vmem>>) attributes {dimension_semantics = [#tpu.dimension_semantics<core_parallel>, #tpu.dimension_semantics<subcore_parallel>], iteration_bounds = array<i64: 2, 16>, scalar_prefetch = 0 : i64, scratch_operands = 3 : i64, tpu.core_type = #tpu.core_type<sc_vector_subcore>, window_params = [{transform_indices = #map}, {transform_indices = #map1}, {transform_indices = #map}, {transform_indices = #map2}]} {
    %mul3A = arith.constant 3125 : i32
    %mul3A_0 = arith.muli %arg1, %mul3A : i32
    "tpu.region"() ({
      %run_scoped3A = tpu.sem_alloc : memref<!tpu.dma_semaphore, #tpu.memory_space<semaphore_mem>>
      %dma_start3A = arith.constant 0 : i32
      %dma_start3A_9 = tpu.memref_slice %arg6[%mul3A_0, %dma_start3A] : memref<50000x32xf32, #tpu.memory_space<vmem_shared>> -> memref<3125x32xf32, #tpu.memory_space<vmem_shared>>
      %dma_start3A_10 = arith.constant 0 : i32
      %dma_start3A_11 = arith.constant 0 : i32
      %dma_start3A_12 = tpu.memref_slice %arg4[%dma_start3A_10, %dma_start3A_11] : memref<3125x32xf32, #tpu.memory_space<hbm>> -> memref<3125x32xf32, #tpu.memory_space<hbm>>
      tpu.enqueue_dma source(%dma_start3A_12 : memref<3125x32xf32, #tpu.memory_space<hbm>>) target(%dma_start3A_9 : memref<3125x32xf32, #tpu.memory_space<vmem_shared>>) target_semaphore(%run_scoped3A : memref<!tpu.dma_semaphore, #tpu.memory_space<semaphore_mem>>)
      %dma_wait3A = arith.constant 0 : i32
      %dma_wait3A_13 = tpu.memref_slice %arg6[%mul3A_0, %dma_wait3A] : memref<50000x32xf32, #tpu.memory_space<vmem_shared>> -> memref<3125x32xf32, #tpu.memory_space<vmem_shared>>
      %dma_wait3A_14 = arith.constant 0 : i32
      %dma_wait3A_15 = arith.constant 0 : i32
      %dma_wait3A_16 = tpu.memref_slice %arg4[%dma_wait3A_14, %dma_wait3A_15] : memref<3125x32xf32, #tpu.memory_space<hbm>> -> memref<3125x32xf32, #tpu.memory_space<hbm>>
      tpu.wait_dma2 semaphore(%run_scoped3A : memref<!tpu.dma_semaphore, #tpu.memory_space<semaphore_mem>>) src(%dma_wait3A_16 : memref<3125x32xf32, #tpu.memory_space<hbm>>) dst(%dma_wait3A_13 : memref<3125x32xf32, #tpu.memory_space<vmem_shared>>)
      tpu.yield
    }) : () -> ()
    %barrier3A = arith.constant 0 : index
    tpu.barrier barrier_id(%barrier3A)
    %mul3A_1 = arith.constant 50000 : i32
    %mul3A_2 = arith.muli %arg1, %mul3A_1 : i32
    %scan3A = arith.constant 0 : i32
    %scan3A_3 = arith.constant 0 : i32
    %scan3A_4 = arith.constant 125 : i32
    %scan3A_5 = arith.addi %scan3A_3, %scan3A_4 : i32
    %scan3A_6 = arith.constant 1 : i32
    scf.for %scan3A_9 = %scan3A_3 to %scan3A_5 step %scan3A_6  : i32 {
      %mul3A_10 = arith.constant 400 : i32
      %mul3A_11 = arith.muli %scan3A_9, %mul3A_10 : i32
      %add3A = arith.addi %mul3A_2, %mul3A_11 : i32
      "tpu.region"() ({
        %run_scoped3A = tpu.sem_alloc : memref<!tpu.dma_semaphore, #tpu.memory_space<semaphore_mem>>
        %dma_start3A = tpu.memref_slice %arg3[%add3A] : memref<800000xi32, #tpu.memory_space<hbm>> -> memref<400xi32, #tpu.memory_space<hbm>>
        %dma_start3A_14 = tpu.memref_slice %arg3[%add3A] : memref<800000xi32, #tpu.memory_space<hbm>> -> memref<400xi32, #tpu.memory_space<hbm>>
        tpu.enqueue_dma source(%dma_start3A_14 : memref<400xi32, #tpu.memory_space<hbm>>) target(%arg7 : memref<400xi32, #tpu.memory_space<vmem>>) target_semaphore(%run_scoped3A : memref<!tpu.dma_semaphore, #tpu.memory_space<semaphore_mem>>)
        %dma_wait3A = tpu.memref_slice %arg3[%add3A] : memref<800000xi32, #tpu.memory_space<hbm>> -> memref<400xi32, #tpu.memory_space<hbm>>
        %dma_wait3A_15 = tpu.memref_slice %arg3[%add3A] : memref<800000xi32, #tpu.memory_space<hbm>> -> memref<400xi32, #tpu.memory_space<hbm>>
        tpu.wait_dma2 semaphore(%run_scoped3A : memref<!tpu.dma_semaphore, #tpu.memory_space<semaphore_mem>>) src(%dma_wait3A_15 : memref<400xi32, #tpu.memory_space<hbm>>) dst(%arg7 : memref<400xi32, #tpu.memory_space<vmem>>)
        tpu.yield
      }) : () -> ()
      %mul3A_12 = arith.constant 32 : i32
      %mul3A_13 = arith.muli %arg0, %mul3A_12 : i32
      "tpu.region"() ({
        %run_scoped3A = tpu.sem_alloc : memref<!tpu.dma_semaphore, #tpu.memory_space<semaphore_mem>>
        %dma_start3A = tpu.memref_slice %arg2[%add3A, %mul3A_13] : memref<800000x64xf32, #tpu.memory_space<hbm>> -> memref<400x32xf32, #tpu.memory_space<hbm>>
        %dma_start3A_14 = tpu.memref_slice %arg2[%add3A, %mul3A_13] : memref<800000x64xf32, #tpu.memory_space<hbm>> -> memref<400x32xf32, #tpu.memory_space<hbm>>
        tpu.enqueue_dma source(%dma_start3A_14 : memref<400x32xf32, #tpu.memory_space<hbm>>) target(%arg8 : memref<400x32xf32, #tpu.memory_space<vmem>>) target_semaphore(%run_scoped3A : memref<!tpu.dma_semaphore, #tpu.memory_space<semaphore_mem>>)
        %dma_wait3A = tpu.memref_slice %arg2[%add3A, %mul3A_13] : memref<800000x64xf32, #tpu.memory_space<hbm>> -> memref<400x32xf32, #tpu.memory_space<hbm>>
        %dma_wait3A_15 = tpu.memref_slice %arg2[%add3A, %mul3A_13] : memref<800000x64xf32, #tpu.memory_space<hbm>> -> memref<400x32xf32, #tpu.memory_space<hbm>>
        tpu.wait_dma2 semaphore(%run_scoped3A : memref<!tpu.dma_semaphore, #tpu.memory_space<semaphore_mem>>) src(%dma_wait3A_15 : memref<400x32xf32, #tpu.memory_space<hbm>>) dst(%arg8 : memref<400x32xf32, #tpu.memory_space<vmem>>)
        tpu.yield
      }) : () -> ()
      "tpu.region"() ({
        %run_scoped3A = tpu.sem_alloc : memref<!tpu.dma_semaphore, #tpu.memory_space<semaphore_mem>>
        %dma_start3A = arith.constant 0 : i32
        %dma_start3A_14 = arith.constant 0 : i32
        %dma_start3A_15 = tpu.memref_slice %arg6[%dma_start3A, %dma_start3A_14] : memref<50000x32xf32, #tpu.memory_space<vmem_shared>> -> memref<50000x32xf32, #tpu.memory_space<vmem_shared>>
        tpu.enqueue_indirect_dma source(%arg8 : memref<400x32xf32, #tpu.memory_space<vmem>>) target(%dma_start3A_15 : memref<50000x32xf32, #tpu.memory_space<vmem_shared>>) offsets(%arg7 : memref<400xi32, #tpu.memory_space<vmem>>) semaphore(%run_scoped3A : memref<!tpu.dma_semaphore, #tpu.memory_space<semaphore_mem>>) {add = true}
        %dma_wait3A = arith.constant 0 : i32
        %dma_wait3A_16 = arith.constant 0 : i32
        %dma_wait3A_17 = tpu.memref_slice %arg6[%dma_wait3A, %dma_wait3A_16] : memref<50000x32xf32, #tpu.memory_space<vmem_shared>> -> memref<50000x32xf32, #tpu.memory_space<vmem_shared>>
        tpu.wait_indirect_dma semaphore(%run_scoped3A : memref<!tpu.dma_semaphore, #tpu.memory_space<semaphore_mem>>) src(%arg8 : memref<400x32xf32, #tpu.memory_space<vmem>>) dst(%dma_wait3A_17 : memref<50000x32xf32, #tpu.memory_space<vmem_shared>>)
        tpu.yield
      }) : () -> ()
    }
    %scan3A_7 = arith.constant 125 : i32
    %barrier3A_8 = arith.constant 0 : index
    tpu.barrier barrier_id(%barrier3A_8)
    "tpu.region"() ({
      %run_scoped3A = tpu.sem_alloc : memref<!tpu.dma_semaphore, #tpu.memory_space<semaphore_mem>>
      %dma_start3A = arith.constant 0 : i32
      %dma_start3A_9 = tpu.memref_slice %arg5[%arg0, %mul3A_0, %dma_start3A] : memref<2x50000x32xf32, #tpu.memory_space<hbm>> -> memref<1x3125x32xf32, #tpu.memory_space<hbm>>
      %dma_start3A_10 = tpu.memref_squeeze %dma_start3A_9 : memref<1x3125x32xf32, #tpu.memory_space<hbm>> -> memref<3125x32xf32, #tpu.memory_space<hbm>>
      %dma_start3A_11 = arith.constant 0 : i32
      %dma_start3A_12 = tpu.memref_slice %arg6[%mul3A_0, %dma_start3A_11] : memref<50000x32xf32, #tpu.memory_space<vmem_shared>> -> memref<3125x32xf32, #tpu.memory_space<vmem_shared>>
      tpu.enqueue_dma source(%dma_start3A_12 : memref<3125x32xf32, #tpu.memory_space<vmem_shared>>) target(%dma_start3A_10 : memref<3125x32xf32, #tpu.memory_space<hbm>>) target_semaphore(%run_scoped3A : memref<!tpu.dma_semaphore, #tpu.memory_space<semaphore_mem>>)
      %dma_wait3A = arith.constant 0 : i32
      %dma_wait3A_13 = tpu.memref_slice %arg5[%arg0, %mul3A_0, %dma_wait3A] : memref<2x50000x32xf32, #tpu.memory_space<hbm>> -> memref<1x3125x32xf32, #tpu.memory_space<hbm>>
      %dma_wait3A_14 = tpu.memref_squeeze %dma_wait3A_13 : memref<1x3125x32xf32, #tpu.memory_space<hbm>> -> memref<3125x32xf32, #tpu.memory_space<hbm>>
      %dma_wait3A_15 = arith.constant 0 : i32
      %dma_wait3A_16 = tpu.memref_slice %arg6[%mul3A_0, %dma_wait3A_15] : memref<50000x32xf32, #tpu.memory_space<vmem_shared>> -> memref<3125x32xf32, #tpu.memory_space<vmem_shared>>
      tpu.wait_dma2 semaphore(%run_scoped3A : memref<!tpu.dma_semaphore, #tpu.memory_space<semaphore_mem>>) src(%dma_wait3A_16 : memref<3125x32xf32, #tpu.memory_space<vmem_shared>>) dst(%dma_wait3A_14 : memref<3125x32xf32, #tpu.memory_space<hbm>>)
      tpu.yield
    }) : () -> ()
    return
  }
}

#map = affine_map<(d0, d1) -> (0, 0)>
#map1 = affine_map<(d0, d1) -> (0)>
module attributes {stable_mosaic.version = 14 : i64} {
  func.func @gather_k(%arg0: i32, %arg1: i32, %arg2: memref<50000x64xf32, #tpu.memory_space<hbm>>, %arg3: memref<800000xi32, #tpu.memory_space<hbm>>, %arg4: memref<800000x64xf32, #tpu.memory_space<hbm>>, %arg5: memref<1000xi32, #tpu.memory_space<vmem>>, %arg6: memref<1000x64xf32, #tpu.memory_space<vmem>>, %arg7: memref<!tpu.dma_semaphore, #tpu.memory_space<semaphore_mem>>) attributes {dimension_semantics = [#tpu.dimension_semantics<core_parallel>, #tpu.dimension_semantics<subcore_parallel>], iteration_bounds = array<i64: 2, 16>, scalar_prefetch = 0 : i64, scratch_operands = 3 : i64, tpu.core_type = #tpu.core_type<sc_vector_subcore>, window_params = [{transform_indices = #map}, {transform_indices = #map1}, {transform_indices = #map}]} {
    %mul3A = arith.constant 2 : i32
    %mul3A_0 = arith.muli %arg1, %mul3A : i32
    %add3A = arith.addi %mul3A_0, %arg0 : i32
    %mul3A_1 = arith.constant 25000 : i32
    %mul3A_2 = arith.muli %add3A, %mul3A_1 : i32
    %scan3A = arith.constant 0 : i32
    %scan3A_3 = arith.constant 0 : i32
    %scan3A_4 = arith.constant 25 : i32
    %scan3A_5 = arith.addi %scan3A_3, %scan3A_4 : i32
    %scan3A_6 = arith.constant 1 : i32
    scf.for %scan3A_8 = %scan3A_3 to %scan3A_5 step %scan3A_6  : i32 {
      %mul3A_9 = arith.constant 1000 : i32
      %mul3A_10 = arith.muli %scan3A_8, %mul3A_9 : i32
      %add3A_11 = arith.addi %mul3A_2, %mul3A_10 : i32
      "tpu.region"() ({
        %run_scoped3A = tpu.sem_alloc : memref<!tpu.dma_semaphore, #tpu.memory_space<semaphore_mem>>
        %dma_start3A_16 = tpu.memref_slice %arg3[%add3A_11] : memref<800000xi32, #tpu.memory_space<hbm>> -> memref<1000xi32, #tpu.memory_space<hbm>>
        %dma_start3A_17 = tpu.memref_slice %arg3[%add3A_11] : memref<800000xi32, #tpu.memory_space<hbm>> -> memref<1000xi32, #tpu.memory_space<hbm>>
        tpu.enqueue_dma source(%dma_start3A_17 : memref<1000xi32, #tpu.memory_space<hbm>>) target(%arg5 : memref<1000xi32, #tpu.memory_space<vmem>>) target_semaphore(%run_scoped3A : memref<!tpu.dma_semaphore, #tpu.memory_space<semaphore_mem>>)
        %dma_wait3A_18 = tpu.memref_slice %arg3[%add3A_11] : memref<800000xi32, #tpu.memory_space<hbm>> -> memref<1000xi32, #tpu.memory_space<hbm>>
        %dma_wait3A_19 = tpu.memref_slice %arg3[%add3A_11] : memref<800000xi32, #tpu.memory_space<hbm>> -> memref<1000xi32, #tpu.memory_space<hbm>>
        tpu.wait_dma2 semaphore(%run_scoped3A : memref<!tpu.dma_semaphore, #tpu.memory_space<semaphore_mem>>) src(%dma_wait3A_19 : memref<1000xi32, #tpu.memory_space<hbm>>) dst(%arg5 : memref<1000xi32, #tpu.memory_space<vmem>>)
        tpu.yield
      }) : () -> ()
      %dma_start3A = arith.constant 0 : i32
      %dma_start3A_12 = arith.constant 0 : i32
      %dma_start3A_13 = tpu.memref_slice %arg2[%dma_start3A, %dma_start3A_12] : memref<50000x64xf32, #tpu.memory_space<hbm>> -> memref<50000x64xf32, #tpu.memory_space<hbm>>
      tpu.enqueue_indirect_dma source(%dma_start3A_13 : memref<50000x64xf32, #tpu.memory_space<hbm>>) target(%arg6 : memref<1000x64xf32, #tpu.memory_space<vmem>>) offsets(%arg5 : memref<1000xi32, #tpu.memory_space<vmem>>) semaphore(%arg7 : memref<!tpu.dma_semaphore, #tpu.memory_space<semaphore_mem>>)
      %dma_wait3A = arith.constant 0 : i32
      %dma_wait3A_14 = arith.constant 0 : i32
      %dma_wait3A_15 = tpu.memref_slice %arg2[%dma_wait3A, %dma_wait3A_14] : memref<50000x64xf32, #tpu.memory_space<hbm>> -> memref<50000x64xf32, #tpu.memory_space<hbm>>
      tpu.wait_indirect_dma semaphore(%arg7 : memref<!tpu.dma_semaphore, #tpu.memory_space<semaphore_mem>>) src(%dma_wait3A_15 : memref<50000x64xf32, #tpu.memory_space<hbm>>) dst(%arg6 : memref<1000x64xf32, #tpu.memory_space<vmem>>)
      "tpu.region"() ({
        %run_scoped3A = tpu.sem_alloc : memref<!tpu.dma_semaphore, #tpu.memory_space<semaphore_mem>>
        %dma_start3A_16 = arith.constant 0 : i32
        %dma_start3A_17 = tpu.memref_slice %arg4[%add3A_11, %dma_start3A_16] : memref<800000x64xf32, #tpu.memory_space<hbm>> -> memref<1000x64xf32, #tpu.memory_space<hbm>>
        %dma_start3A_18 = arith.constant 0 : i32
        %dma_start3A_19 = tpu.memref_slice %arg4[%add3A_11, %dma_start3A_18] : memref<800000x64xf32, #tpu.memory_space<hbm>> -> memref<1000x64xf32, #tpu.memory_space<hbm>>
        tpu.enqueue_dma source(%arg6 : memref<1000x64xf32, #tpu.memory_space<vmem>>) target(%dma_start3A_19 : memref<1000x64xf32, #tpu.memory_space<hbm>>) target_semaphore(%run_scoped3A : memref<!tpu.dma_semaphore, #tpu.memory_space<semaphore_mem>>)
        %dma_wait3A_20 = arith.constant 0 : i32
        %dma_wait3A_21 = tpu.memref_slice %arg4[%add3A_11, %dma_wait3A_20] : memref<800000x64xf32, #tpu.memory_space<hbm>> -> memref<1000x64xf32, #tpu.memory_space<hbm>>
        %dma_wait3A_22 = arith.constant 0 : i32
        %dma_wait3A_23 = tpu.memref_slice %arg4[%add3A_11, %dma_wait3A_22] : memref<800000x64xf32, #tpu.memory_space<hbm>> -> memref<1000x64xf32, #tpu.memory_space<hbm>>
        tpu.wait_dma2 semaphore(%run_scoped3A : memref<!tpu.dma_semaphore, #tpu.memory_space<semaphore_mem>>) src(%arg6 : memref<1000x64xf32, #tpu.memory_space<vmem>>) dst(%dma_wait3A_23 : memref<1000x64xf32, #tpu.memory_space<hbm>>)
        tpu.yield
      }) : () -> ()
    }
    %scan3A_7 = arith.constant 25 : i32
    return
  }
}

#map = affine_map<(d0, d1) -> (0, 0)>
#map1 = affine_map<(d0, d1) -> (0)>
#map2 = affine_map<(d0, d1) -> (0, 0, 0)>
module attributes {stable_mosaic.version = 14 : i64} {
  func.func @scatter_k(%arg0: i32, %arg1: i32, %arg2: memref<800000x64xf32, #tpu.memory_space<hbm>>, %arg3: memref<800000xi32, #tpu.memory_space<hbm>>, %arg4: memref<3125x32xf32, #tpu.memory_space<hbm>>, %arg5: memref<2x50000x32xf32, #tpu.memory_space<hbm>>, %arg6: memref<50000x32xf32, #tpu.memory_space<vmem_shared>>, %arg7: memref<400xi32, #tpu.memory_space<vmem>>, %arg8: memref<400x32xf32, #tpu.memory_space<vmem>>) attributes {dimension_semantics = [#tpu.dimension_semantics<core_parallel>, #tpu.dimension_semantics<subcore_parallel>], iteration_bounds = array<i64: 2, 16>, scalar_prefetch = 0 : i64, scratch_operands = 3 : i64, tpu.core_type = #tpu.core_type<sc_vector_subcore>, window_params = [{transform_indices = #map}, {transform_indices = #map1}, {transform_indices = #map}, {transform_indices = #map2}]} {
    %mul3A = arith.constant 3125 : i32
    %mul3A_0 = arith.muli %arg1, %mul3A : i32
    "tpu.region"() ({
      %run_scoped3A = tpu.sem_alloc : memref<!tpu.dma_semaphore, #tpu.memory_space<semaphore_mem>>
      %dma_start3A = arith.constant 0 : i32
      %dma_start3A_9 = tpu.memref_slice %arg6[%mul3A_0, %dma_start3A] : memref<50000x32xf32, #tpu.memory_space<vmem_shared>> -> memref<3125x32xf32, #tpu.memory_space<vmem_shared>>
      %dma_start3A_10 = arith.constant 0 : i32
      %dma_start3A_11 = arith.constant 0 : i32
      %dma_start3A_12 = tpu.memref_slice %arg4[%dma_start3A_10, %dma_start3A_11] : memref<3125x32xf32, #tpu.memory_space<hbm>> -> memref<3125x32xf32, #tpu.memory_space<hbm>>
      tpu.enqueue_dma source(%dma_start3A_12 : memref<3125x32xf32, #tpu.memory_space<hbm>>) target(%dma_start3A_9 : memref<3125x32xf32, #tpu.memory_space<vmem_shared>>) target_semaphore(%run_scoped3A : memref<!tpu.dma_semaphore, #tpu.memory_space<semaphore_mem>>)
      %dma_wait3A = arith.constant 0 : i32
      %dma_wait3A_13 = tpu.memref_slice %arg6[%mul3A_0, %dma_wait3A] : memref<50000x32xf32, #tpu.memory_space<vmem_shared>> -> memref<3125x32xf32, #tpu.memory_space<vmem_shared>>
      %dma_wait3A_14 = arith.constant 0 : i32
      %dma_wait3A_15 = arith.constant 0 : i32
      %dma_wait3A_16 = tpu.memref_slice %arg4[%dma_wait3A_14, %dma_wait3A_15] : memref<3125x32xf32, #tpu.memory_space<hbm>> -> memref<3125x32xf32, #tpu.memory_space<hbm>>
      tpu.wait_dma2 semaphore(%run_scoped3A : memref<!tpu.dma_semaphore, #tpu.memory_space<semaphore_mem>>) src(%dma_wait3A_16 : memref<3125x32xf32, #tpu.memory_space<hbm>>) dst(%dma_wait3A_13 : memref<3125x32xf32, #tpu.memory_space<vmem_shared>>)
      tpu.yield
    }) : () -> ()
    %barrier3A = arith.constant 0 : index
    tpu.barrier barrier_id(%barrier3A)
    %mul3A_1 = arith.constant 50000 : i32
    %mul3A_2 = arith.muli %arg1, %mul3A_1 : i32
    %scan3A = arith.constant 0 : i32
    %scan3A_3 = arith.constant 0 : i32
    %scan3A_4 = arith.constant 125 : i32
    %scan3A_5 = arith.addi %scan3A_3, %scan3A_4 : i32
    %scan3A_6 = arith.constant 1 : i32
    scf.for %scan3A_9 = %scan3A_3 to %scan3A_5 step %scan3A_6  : i32 {
      %mul3A_10 = arith.constant 400 : i32
      %mul3A_11 = arith.muli %scan3A_9, %mul3A_10 : i32
      %add3A = arith.addi %mul3A_2, %mul3A_11 : i32
      "tpu.region"() ({
        %run_scoped3A = tpu.sem_alloc : memref<!tpu.dma_semaphore, #tpu.memory_space<semaphore_mem>>
        %dma_start3A = tpu.memref_slice %arg3[%add3A] : memref<800000xi32, #tpu.memory_space<hbm>> -> memref<400xi32, #tpu.memory_space<hbm>>
        %dma_start3A_14 = tpu.memref_slice %arg3[%add3A] : memref<800000xi32, #tpu.memory_space<hbm>> -> memref<400xi32, #tpu.memory_space<hbm>>
        tpu.enqueue_dma source(%dma_start3A_14 : memref<400xi32, #tpu.memory_space<hbm>>) target(%arg7 : memref<400xi32, #tpu.memory_space<vmem>>) target_semaphore(%run_scoped3A : memref<!tpu.dma_semaphore, #tpu.memory_space<semaphore_mem>>)
        %dma_wait3A = tpu.memref_slice %arg3[%add3A] : memref<800000xi32, #tpu.memory_space<hbm>> -> memref<400xi32, #tpu.memory_space<hbm>>
        %dma_wait3A_15 = tpu.memref_slice %arg3[%add3A] : memref<800000xi32, #tpu.memory_space<hbm>> -> memref<400xi32, #tpu.memory_space<hbm>>
        tpu.wait_dma2 semaphore(%run_scoped3A : memref<!tpu.dma_semaphore, #tpu.memory_space<semaphore_mem>>) src(%dma_wait3A_15 : memref<400xi32, #tpu.memory_space<hbm>>) dst(%arg7 : memref<400xi32, #tpu.memory_space<vmem>>)
        tpu.yield
      }) : () -> ()
      %mul3A_12 = arith.constant 32 : i32
      %mul3A_13 = arith.muli %arg0, %mul3A_12 : i32
      "tpu.region"() ({
        %run_scoped3A = tpu.sem_alloc : memref<!tpu.dma_semaphore, #tpu.memory_space<semaphore_mem>>
        %dma_start3A = tpu.memref_slice %arg2[%add3A, %mul3A_13] : memref<800000x64xf32, #tpu.memory_space<hbm>> -> memref<400x32xf32, #tpu.memory_space<hbm>>
        %dma_start3A_14 = tpu.memref_slice %arg2[%add3A, %mul3A_13] : memref<800000x64xf32, #tpu.memory_space<hbm>> -> memref<400x32xf32, #tpu.memory_space<hbm>>
        tpu.enqueue_dma source(%dma_start3A_14 : memref<400x32xf32, #tpu.memory_space<hbm>>) target(%arg8 : memref<400x32xf32, #tpu.memory_space<vmem>>) target_semaphore(%run_scoped3A : memref<!tpu.dma_semaphore, #tpu.memory_space<semaphore_mem>>)
        %dma_wait3A = tpu.memref_slice %arg2[%add3A, %mul3A_13] : memref<800000x64xf32, #tpu.memory_space<hbm>> -> memref<400x32xf32, #tpu.memory_space<hbm>>
        %dma_wait3A_15 = tpu.memref_slice %arg2[%add3A, %mul3A_13] : memref<800000x64xf32, #tpu.memory_space<hbm>> -> memref<400x32xf32, #tpu.memory_space<hbm>>
        tpu.wait_dma2 semaphore(%run_scoped3A : memref<!tpu.dma_semaphore, #tpu.memory_space<semaphore_mem>>) src(%dma_wait3A_15 : memref<400x32xf32, #tpu.memory_space<hbm>>) dst(%arg8 : memref<400x32xf32, #tpu.memory_space<vmem>>)
        tpu.yield
      }) : () -> ()
      "tpu.region"() ({
        %run_scoped3A = tpu.sem_alloc : memref<!tpu.dma_semaphore, #tpu.memory_space<semaphore_mem>>
        %dma_start3A = arith.constant 0 : i32
        %dma_start3A_14 = arith.constant 0 : i32
        %dma_start3A_15 = tpu.memref_slice %arg6[%dma_start3A, %dma_start3A_14] : memref<50000x32xf32, #tpu.memory_space<vmem_shared>> -> memref<50000x32xf32, #tpu.memory_space<vmem_shared>>
        tpu.enqueue_indirect_dma source(%arg8 : memref<400x32xf32, #tpu.memory_space<vmem>>) target(%dma_start3A_15 : memref<50000x32xf32, #tpu.memory_space<vmem_shared>>) offsets(%arg7 : memref<400xi32, #tpu.memory_space<vmem>>) semaphore(%run_scoped3A : memref<!tpu.dma_semaphore, #tpu.memory_space<semaphore_mem>>) {add = true}
        %dma_wait3A = arith.constant 0 : i32
        %dma_wait3A_16 = arith.constant 0 : i32
        %dma_wait3A_17 = tpu.memref_slice %arg6[%dma_wait3A, %dma_wait3A_16] : memref<50000x32xf32, #tpu.memory_space<vmem_shared>> -> memref<50000x32xf32, #tpu.memory_space<vmem_shared>>
        tpu.wait_indirect_dma semaphore(%run_scoped3A : memref<!tpu.dma_semaphore, #tpu.memory_space<semaphore_mem>>) src(%arg8 : memref<400x32xf32, #tpu.memory_space<vmem>>) dst(%dma_wait3A_17 : memref<50000x32xf32, #tpu.memory_space<vmem_shared>>)
        tpu.yield
      }) : () -> ()
    }
    %scan3A_7 = arith.constant 125 : i32
    %barrier3A_8 = arith.constant 0 : index
    tpu.barrier barrier_id(%barrier3A_8)
    "tpu.region"() ({
      %run_scoped3A = tpu.sem_alloc : memref<!tpu.dma_semaphore, #tpu.memory_space<semaphore_mem>>
      %dma_start3A = arith.constant 0 : i32
      %dma_start3A_9 = tpu.memref_slice %arg5[%arg0, %mul3A_0, %dma_start3A] : memref<2x50000x32xf32, #tpu.memory_space<hbm>> -> memref<1x3125x32xf32, #tpu.memory_space<hbm>>
      %dma_start3A_10 = tpu.memref_squeeze %dma_start3A_9 : memref<1x3125x32xf32, #tpu.memory_space<hbm>> -> memref<3125x32xf32, #tpu.memory_space<hbm>>
      %dma_start3A_11 = arith.constant 0 : i32
      %dma_start3A_12 = tpu.memref_slice %arg6[%mul3A_0, %dma_start3A_11] : memref<50000x32xf32, #tpu.memory_space<vmem_shared>> -> memref<3125x32xf32, #tpu.memory_space<vmem_shared>>
      tpu.enqueue_dma source(%dma_start3A_12 : memref<3125x32xf32, #tpu.memory_space<vmem_shared>>) target(%dma_start3A_10 : memref<3125x32xf32, #tpu.memory_space<hbm>>) target_semaphore(%run_scoped3A : memref<!tpu.dma_semaphore, #tpu.memory_space<semaphore_mem>>)
      %dma_wait3A = arith.constant 0 : i32
      %dma_wait3A_13 = tpu.memref_slice %arg5[%arg0, %mul3A_0, %dma_wait3A] : memref<2x50000x32xf32, #tpu.memory_space<hbm>> -> memref<1x3125x32xf32, #tpu.memory_space<hbm>>
      %dma_wait3A_14 = tpu.memref_squeeze %dma_wait3A_13 : memref<1x3125x32xf32, #tpu.memory_space<hbm>> -> memref<3125x32xf32, #tpu.memory_space<hbm>>
      %dma_wait3A_15 = arith.constant 0 : i32
      %dma_wait3A_16 = tpu.memref_slice %arg6[%mul3A_0, %dma_wait3A_15] : memref<50000x32xf32, #tpu.memory_space<vmem_shared>> -> memref<3125x32xf32, #tpu.memory_space<vmem_shared>>
      tpu.wait_dma2 semaphore(%run_scoped3A : memref<!tpu.dma_semaphore, #tpu.memory_space<semaphore_mem>>) src(%dma_wait3A_16 : memref<3125x32xf32, #tpu.memory_space<vmem_shared>>) dst(%dma_wait3A_14 : memref<3125x32xf32, #tpu.memory_space<hbm>>)
      tpu.yield
    }) : () -> ()
    return
  }
}

module attributes {stable_mosaic.version = 14 : i64} {
  func.func @_tp_body(%arg0: i32, %arg1: memref<128000xf32, #tpu.memory_space<vmem>>, %arg2: memref<1000x8xf32, #tpu.memory_space<vmem>>, %arg3: memref<4x128x128xf32, #tpu.memory_space<vmem>>, %arg4: memref<128000xf32, #tpu.memory_space<vmem>>) attributes {dimension_semantics = [#tpu.dimension_semantics<arbitrary>], iteration_bounds = array<i64: 400>, scalar_prefetch = 0 : i64, scratch_operands = 0 : i64, tpu.core_type = #tpu.core_type<tc>, window_params = [{transform_indices = @transform_0, window_bounds = array<i64: 128000>}, {transform_indices = @transform_1, window_bounds = array<i64: 1000, 8>}, {pipeline_mode = #tpu.pipeline_mode<synchronous>, transform_indices = @transform_2, window_bounds = array<i64: 4, 128, 128>}, {transform_indices = @transform_3, window_bounds = array<i64: 128000>}]} {
    %get3A = arith.constant 0 : index
    %get3A_0 = vector.load %arg1[%get3A] : memref<128000xf32, #tpu.memory_space<vmem>>, vector<128000xf32>
    %reshape3A = vector.shape_cast %get3A_0 : vector<128000xf32> to vector<1000x128xf32>
    %get3A_1 = arith.constant 0 : index
    %get3A_2 = arith.constant 0 : index
    %get3A_3 = vector.load %arg2[%get3A_1, %get3A_2] : memref<1000x8xf32, #tpu.memory_space<vmem>>, vector<1000x8xf32>
    %broadcast_in_dim3A = arith.constant 0.000000e+00 : f32
    %broadcast_in_dim3A_4 = vector.broadcast %broadcast_in_dim3A : f32 to vector<1000x128xf32>
    %slice3A = vector.extract_strided_slice %get3A_3 {offsets = [0, 0], sizes = [1000, 1], strides = [1, 1]} : vector<1000x8xf32> to vector<1000x1xf32>
    %broadcast_in_dim3A_5 = vector.shape_cast %slice3A : vector<1000x1xf32> to vector<1000x1xf32>
    %broadcast_in_dim3A_6 = vector.broadcast %broadcast_in_dim3A_5 : vector<1000x1xf32> to vector<1000x64xf32>
    %slice3A_7 = vector.extract_strided_slice %get3A_3 {offsets = [0, 4], sizes = [1000, 1], strides = [1, 1]} : vector<1000x8xf32> to vector<1000x1xf32>
    %broadcast_in_dim3A_8 = vector.shape_cast %slice3A_7 : vector<1000x1xf32> to vector<1000x1xf32>
    %broadcast_in_dim3A_9 = vector.broadcast %broadcast_in_dim3A_8 : vector<1000x1xf32> to vector<1000x64xf32>
    %concatenate3A = tpu.concatenate %broadcast_in_dim3A_6, %broadcast_in_dim3A_9 in 1 : vector<1000x64xf32>, vector<1000x64xf32> -> vector<1000x128xf32>
    %get3A_10 = arith.constant 0 : index
    %get3A_11 = arith.constant 0 : index
    %get3A_12 = arith.constant 0 : index
    %get3A_13 = vector.load %arg3[%get3A_10, %get3A_11, %get3A_12] : memref<4x128x128xf32, #tpu.memory_space<vmem>>, vector<1x1x64xf32>
    %get3A_14 = vector.shape_cast %get3A_13 : vector<1x1x64xf32> to vector<64xf32>
    %slice3A_15 = vector.extract_strided_slice %reshape3A {offsets = [0, 0], sizes = [1000, 1], strides = [1, 1]} : vector<1000x128xf32> to vector<1000x1xf32>
    %broadcast_in_dim3A_16 = vector.shape_cast %get3A_14 : vector<64xf32> to vector<1x64xf32>
    %mul3A = vector.broadcast %slice3A_15 : vector<1000x1xf32> to vector<1000x64xf32>
    %mul3A_17 = vector.broadcast %broadcast_in_dim3A_16 : vector<1x64xf32> to vector<1000x64xf32>
    %mul3A_18 = arith.mulf %mul3A, %mul3A_17 : vector<1000x64xf32>
    %slice3A_19 = vector.extract_strided_slice %reshape3A {offsets = [0, 64], sizes = [1000, 1], strides = [1, 1]} : vector<1000x128xf32> to vector<1000x1xf32>
    %broadcast_in_dim3A_20 = vector.shape_cast %get3A_14 : vector<64xf32> to vector<1x64xf32>
    %mul3A_21 = vector.broadcast %slice3A_19 : vector<1000x1xf32> to vector<1000x64xf32>
    %mul3A_22 = vector.broadcast %broadcast_in_dim3A_20 : vector<1x64xf32> to vector<1000x64xf32>
    %mul3A_23 = arith.mulf %mul3A_21, %mul3A_22 : vector<1000x64xf32>
    %concatenate3A_24 = tpu.concatenate %mul3A_18, %mul3A_23 in 1 : vector<1000x64xf32>, vector<1000x64xf32> -> vector<1000x128xf32>
    %mul3A_25 = arith.mulf %concatenate3A_24, %concatenate3A : vector<1000x128xf32>
    %add3A = arith.addf %broadcast_in_dim3A_4, %mul3A_25 : vector<1000x128xf32>
    %slice3A_26 = vector.extract_strided_slice %get3A_3 {offsets = [0, 1], sizes = [1000, 1], strides = [1, 1]} : vector<1000x8xf32> to vector<1000x1xf32>
    %broadcast_in_dim3A_27 = vector.shape_cast %slice3A_26 : vector<1000x1xf32> to vector<1000x1xf32>
    %broadcast_in_dim3A_28 = vector.broadcast %broadcast_in_dim3A_27 : vector<1000x1xf32> to vector<1000x64xf32>
    %slice3A_29 = vector.extract_strided_slice %get3A_3 {offsets = [0, 5], sizes = [1000, 1], strides = [1, 1]} : vector<1000x8xf32> to vector<1000x1xf32>
    %broadcast_in_dim3A_30 = vector.shape_cast %slice3A_29 : vector<1000x1xf32> to vector<1000x1xf32>
    %broadcast_in_dim3A_31 = vector.broadcast %broadcast_in_dim3A_30 : vector<1000x1xf32> to vector<1000x64xf32>
    %concatenate3A_32 = tpu.concatenate %broadcast_in_dim3A_28, %broadcast_in_dim3A_31 in 1 : vector<1000x64xf32>, vector<1000x64xf32> -> vector<1000x128xf32>
    %get3A_33 = arith.constant 1 : index
    %get3A_34 = arith.constant 0 : index
    %get3A_35 = arith.constant 0 : index
    %get3A_36 = vector.load %arg3[%get3A_33, %get3A_34, %get3A_35] : memref<4x128x128xf32, #tpu.memory_space<vmem>>, vector<1x1x64xf32>
    %get3A_37 = vector.shape_cast %get3A_36 : vector<1x1x64xf32> to vector<64xf32>
    %slice3A_38 = vector.extract_strided_slice %reshape3A {offsets = [0, 0], sizes = [1000, 1], strides = [1, 1]} : vector<1000x128xf32> to vector<1000x1xf32>
    %broadcast_in_dim3A_39 = vector.shape_cast %get3A_37 : vector<64xf32> to vector<1x64xf32>
    %mul3A_40 = vector.broadcast %slice3A_38 : vector<1000x1xf32> to vector<1000x64xf32>
    %mul3A_41 = vector.broadcast %broadcast_in_dim3A_39 : vector<1x64xf32> to vector<1000x64xf32>
    %mul3A_42 = arith.mulf %mul3A_40, %mul3A_41 : vector<1000x64xf32>
    %slice3A_43 = vector.extract_strided_slice %reshape3A {offsets = [0, 64], sizes = [1000, 1], strides = [1, 1]} : vector<1000x128xf32> to vector<1000x1xf32>
    %broadcast_in_dim3A_44 = vector.shape_cast %get3A_37 : vector<64xf32> to vector<1x64xf32>
    %mul3A_45 = vector.broadcast %slice3A_43 : vector<1000x1xf32> to vector<1000x64xf32>
    %mul3A_46 = vector.broadcast %broadcast_in_dim3A_44 : vector<1x64xf32> to vector<1000x64xf32>
    %mul3A_47 = arith.mulf %mul3A_45, %mul3A_46 : vector<1000x64xf32>
    %concatenate3A_48 = tpu.concatenate %mul3A_42, %mul3A_47 in 1 : vector<1000x64xf32>, vector<1000x64xf32> -> vector<1000x128xf32>
    %mul3A_49 = arith.mulf %concatenate3A_48, %concatenate3A_32 : vector<1000x128xf32>
    %add3A_50 = arith.addf %add3A, %mul3A_49 : vector<1000x128xf32>
    %slice3A_51 = vector.extract_strided_slice %get3A_3 {offsets = [0, 2], sizes = [1000, 1], strides = [1, 1]} : vector<1000x8xf32> to vector<1000x1xf32>
    %broadcast_in_dim3A_52 = vector.shape_cast %slice3A_51 : vector<1000x1xf32> to vector<1000x1xf32>
    %broadcast_in_dim3A_53 = vector.broadcast %broadcast_in_dim3A_52 : vector<1000x1xf32> to vector<1000x64xf32>
    %slice3A_54 = vector.extract_strided_slice %get3A_3 {offsets = [0, 6], sizes = [1000, 1], strides = [1, 1]} : vector<1000x8xf32> to vector<1000x1xf32>
    %broadcast_in_dim3A_55 = vector.shape_cast %slice3A_54 : vector<1000x1xf32> to vector<1000x1xf32>
    %broadcast_in_dim3A_56 = vector.broadcast %broadcast_in_dim3A_55 : vector<1000x1xf32> to vector<1000x64xf32>
    %concatenate3A_57 = tpu.concatenate %broadcast_in_dim3A_53, %broadcast_in_dim3A_56 in 1 : vector<1000x64xf32>, vector<1000x64xf32> -> vector<1000x128xf32>
    %get3A_58 = arith.constant 2 : index
    %get3A_59 = arith.constant 0 : index
    %get3A_60 = arith.constant 0 : index
    %get3A_61 = vector.load %arg3[%get3A_58, %get3A_59, %get3A_60] : memref<4x128x128xf32, #tpu.memory_space<vmem>>, vector<1x1x64xf32>
    %get3A_62 = vector.shape_cast %get3A_61 : vector<1x1x64xf32> to vector<64xf32>
    %slice3A_63 = vector.extract_strided_slice %reshape3A {offsets = [0, 0], sizes = [1000, 1], strides = [1, 1]} : vector<1000x128xf32> to vector<1000x1xf32>
    %broadcast_in_dim3A_64 = vector.shape_cast %get3A_62 : vector<64xf32> to vector<1x64xf32>
    %mul3A_65 = vector.broadcast %slice3A_63 : vector<1000x1xf32> to vector<1000x64xf32>
    %mul3A_66 = vector.broadcast %broadcast_in_dim3A_64 : vector<1x64xf32> to vector<1000x64xf32>
    %mul3A_67 = arith.mulf %mul3A_65, %mul3A_66 : vector<1000x64xf32>
    %slice3A_68 = vector.extract_strided_slice %reshape3A {offsets = [0, 64], sizes = [1000, 1], strides = [1, 1]} : vector<1000x128xf32> to vector<1000x1xf32>
    %broadcast_in_dim3A_69 = vector.shape_cast %get3A_62 : vector<64xf32> to vector<1x64xf32>
    %mul3A_70 = vector.broadcast %slice3A_68 : vector<1000x1xf32> to vector<1000x64xf32>
    %mul3A_71 = vector.broadcast %broadcast_in_dim3A_69 : vector<1x64xf32> to vector<1000x64xf32>
    %mul3A_72 = arith.mulf %mul3A_70, %mul3A_71 : vector<1000x64xf32>
    %concatenate3A_73 = tpu.concatenate %mul3A_67, %mul3A_72 in 1 : vector<1000x64xf32>, vector<1000x64xf32> -> vector<1000x128xf32>
    %mul3A_74 = arith.mulf %concatenate3A_73, %concatenate3A_57 : vector<1000x128xf32>
    %add3A_75 = arith.addf %add3A_50, %mul3A_74 : vector<1000x128xf32>
    %slice3A_76 = vector.extract_strided_slice %get3A_3 {offsets = [0, 3], sizes = [1000, 1], strides = [1, 1]} : vector<1000x8xf32> to vector<1000x1xf32>
    %broadcast_in_dim3A_77 = vector.shape_cast %slice3A_76 : vector<1000x1xf32> to vector<1000x1xf32>
    %broadcast_in_dim3A_78 = vector.broadcast %broadcast_in_dim3A_77 : vector<1000x1xf32> to vector<1000x64xf32>
    %slice3A_79 = vector.extract_strided_slice %get3A_3 {offsets = [0, 7], sizes = [1000, 1], strides = [1, 1]} : vector<1000x8xf32> to vector<1000x1xf32>
    %broadcast_in_dim3A_80 = vector.shape_cast %slice3A_79 : vector<1000x1xf32> to vector<1000x1xf32>
    %broadcast_in_dim3A_81 = vector.broadcast %broadcast_in_dim3A_80 : vector<1000x1xf32> to vector<1000x64xf32>
    %concatenate3A_82 = tpu.concatenate %broadcast_in_dim3A_78, %broadcast_in_dim3A_81 in 1 : vector<1000x64xf32>, vector<1000x64xf32> -> vector<1000x128xf32>
    %get3A_83 = arith.constant 3 : index
    %get3A_84 = arith.constant 0 : index
    %get3A_85 = arith.constant 0 : index
    %get3A_86 = vector.load %arg3[%get3A_83, %get3A_84, %get3A_85] : memref<4x128x128xf32, #tpu.memory_space<vmem>>, vector<1x1x64xf32>
    %get3A_87 = vector.shape_cast %get3A_86 : vector<1x1x64xf32> to vector<64xf32>
    %slice3A_88 = vector.extract_strided_slice %reshape3A {offsets = [0, 0], sizes = [1000, 1], strides = [1, 1]} : vector<1000x128xf32> to vector<1000x1xf32>
    %broadcast_in_dim3A_89 = vector.shape_cast %get3A_87 : vector<64xf32> to vector<1x64xf32>
    %mul3A_90 = vector.broadcast %slice3A_88 : vector<1000x1xf32> to vector<1000x64xf32>
    %mul3A_91 = vector.broadcast %broadcast_in_dim3A_89 : vector<1x64xf32> to vector<1000x64xf32>
    %mul3A_92 = arith.mulf %mul3A_90, %mul3A_91 : vector<1000x64xf32>
    %slice3A_93 = vector.extract_strided_slice %reshape3A {offsets = [0, 64], sizes = [1000, 1], strides = [1, 1]} : vector<1000x128xf32> to vector<1000x1xf32>
    %broadcast_in_dim3A_94 = vector.shape_cast %get3A_87 : vector<64xf32> to vector<1x64xf32>
    %mul3A_95 = vector.broadcast %slice3A_93 : vector<1000x1xf32> to vector<1000x64xf32>
    %mul3A_96 = vector.broadcast %broadcast_in_dim3A_94 : vector<1x64xf32> to vector<1000x64xf32>
    %mul3A_97 = arith.mulf %mul3A_95, %mul3A_96 : vector<1000x64xf32>
    %concatenate3A_98 = tpu.concatenate %mul3A_92, %mul3A_97 in 1 : vector<1000x64xf32>, vector<1000x64xf32> -> vector<1000x128xf32>
    %mul3A_99 = arith.mulf %concatenate3A_98, %concatenate3A_82 : vector<1000x128xf32>
    %add3A_100 = arith.addf %add3A_75, %mul3A_99 : vector<1000x128xf32>
    %reshape3A_101 = vector.shape_cast %add3A_100 : vector<1000x128xf32> to vector<128000xf32>
    %swap3A = arith.constant 0 : index
    %swap3A_102 = vector.load %arg4[%swap3A] : memref<128000xf32, #tpu.memory_space<vmem>>, vector<128000xf32>
    tpu.vector_store %arg4[%swap3A], %reshape3A_101 {strides = array<i32>} : memref<128000xf32, #tpu.memory_space<vmem>>, vector<128000xf32>,
    return
  }
  func.func @transform_0(%arg0: i32) -> i32 {
    %c0_i32 = arith.constant 0 : i32
    return %arg0 : i32
  }
  func.func @transform_1(%arg0: i32) -> (i32, i32) {
    %c0_i32 = arith.constant 0 : i32
    %c0_i32_0 = arith.constant 0 : i32
    return %arg0, %c0_i32 : i32, i32
  }
  func.func @transform_2(%arg0: i32) -> (i32, i32, i32) {
    %c0_i32 = arith.constant 0 : i32
    %c0_i32_0 = arith.constant 0 : i32
    %c0_i32_1 = arith.constant 0 : i32
    %c0_i32_2 = arith.constant 0 : i32
    return %c0_i32, %c0_i32_0, %c0_i32_1 : i32, i32, i32
  }
  func.func @transform_3(%arg0: i32) -> i32 {
    %c0_i32 = arith.constant 0 : i32
    return %arg0 : i32
  }
}

module attributes {stable_mosaic.version = 14 : i64} {
  func.func @_gate_mid_body(%arg0: i32, %arg1: memref<2000x32xf32, #tpu.memory_space<vmem>>, %arg2: memref<2000x32xf32, #tpu.memory_space<vmem>>, %arg3: memref<2000x64xf32, #tpu.memory_space<vmem>>) attributes {dimension_semantics = [#tpu.dimension_semantics<arbitrary>], iteration_bounds = array<i64: 25>, scalar_prefetch = 0 : i64, scratch_operands = 0 : i64, tpu.core_type = #tpu.core_type<tc>, window_params = [{transform_indices = @transform_0, window_bounds = array<i64: 2000, 32>}, {transform_indices = @transform_1, window_bounds = array<i64: 2000, 32>}, {transform_indices = @transform_2, window_bounds = array<i64: 2000, 64>}]} {
    %get3A = arith.constant 0 : index
    %get3A_0 = arith.constant 0 : index
    %get3A_1 = vector.load %arg1[%get3A, %get3A_0] : memref<2000x32xf32, #tpu.memory_space<vmem>>, vector<2000x32xf32>
    %get3A_2 = arith.constant 0 : index
    %get3A_3 = arith.constant 0 : index
    %get3A_4 = vector.load %arg2[%get3A_2, %get3A_3] : memref<2000x32xf32, #tpu.memory_space<vmem>>, vector<2000x28xf32>
    %concatenate3A = tpu.concatenate %get3A_1, %get3A_4 in 1 : vector<2000x32xf32>, vector<2000x28xf32> -> vector<2000x60xf32>
    %mul3A = arith.constant 0.816496611 : f32
    %mul3A_5 = vector.broadcast %mul3A : f32 to vector<2000x60xf32>
    %mul3A_6 = arith.mulf %concatenate3A, %mul3A_5 : vector<2000x60xf32>
    %slice3A = vector.extract_strided_slice %mul3A_6 {offsets = [0, 0], sizes = [2000, 10], strides = [1, 1]} : vector<2000x60xf32> to vector<2000x10xf32>
    %integer_pow3A = arith.mulf %slice3A, %slice3A : vector<2000x10xf32>
    %integer_pow3A_7 = arith.mulf %slice3A, %integer_pow3A : vector<2000x10xf32>
    %mul3A_8 = arith.constant 4.471500e-02 : f32
    %mul3A_9 = vector.broadcast %mul3A_8 : f32 to vector<2000x10xf32>
    %mul3A_10 = arith.mulf %mul3A_9, %integer_pow3A_7 : vector<2000x10xf32>
    %add3A = arith.addf %slice3A, %mul3A_10 : vector<2000x10xf32>
    %mul3A_11 = arith.constant 0.797884583 : f32
    %mul3A_12 = vector.broadcast %mul3A_11 : f32 to vector<2000x10xf32>
    %mul3A_13 = arith.mulf %mul3A_12, %add3A : vector<2000x10xf32>
    %tanh3A = math.tanh %mul3A_13 : vector<2000x10xf32>
    %add3A_14 = arith.constant 1.000000e+00 : f32
    %add3A_15 = vector.broadcast %add3A_14 : f32 to vector<2000x10xf32>
    %add3A_16 = arith.addf %add3A_15, %tanh3A : vector<2000x10xf32>
    %mul3A_17 = arith.constant 5.000000e-01 : f32
    %mul3A_18 = vector.broadcast %mul3A_17 : f32 to vector<2000x10xf32>
    %mul3A_19 = arith.mulf %mul3A_18, %add3A_16 : vector<2000x10xf32>
    %mul3A_20 = arith.mulf %slice3A, %mul3A_19 : vector<2000x10xf32>
    %slice3A_21 = vector.extract_strided_slice %mul3A_6 {offsets = [0, 10], sizes = [2000, 10], strides = [1, 1]} : vector<2000x60xf32> to vector<2000x10xf32>
    %tanh3A_22 = math.tanh %slice3A_21 : vector<2000x10xf32>
    %slice3A_23 = vector.extract_strided_slice %mul3A_6 {offsets = [0, 20], sizes = [2000, 10], strides = [1, 1]} : vector<2000x60xf32> to vector<2000x10xf32>
    %logistic3A = arith.negf %slice3A_23 : vector<2000x10xf32>
    %logistic3A_24 = math.exp %logistic3A : vector<2000x10xf32>
    %logistic3A_25 = arith.constant 1.000000e+00 : f32
    %logistic3A_26 = vector.broadcast %logistic3A_25 : f32 to vector<2000x10xf32>
    %logistic3A_27 = arith.addf %logistic3A_26, %logistic3A_24 : vector<2000x10xf32>
    %logistic3A_28 = arith.divf %logistic3A_26, %logistic3A_27 : vector<2000x10xf32>
    %slice3A_29 = vector.extract_strided_slice %mul3A_6 {offsets = [0, 30], sizes = [2000, 30], strides = [1, 1]} : vector<2000x60xf32> to vector<2000x30xf32>
    %reshape3A = vector.shape_cast %slice3A_29 : vector<2000x30xf32> to vector<2000x10x3xf32>
    %broadcast_in_dim3A = vector.shape_cast %logistic3A_28 : vector<2000x10xf32> to vector<2000x10x1xf32>
    %mul3A_30 = vector.broadcast %broadcast_in_dim3A : vector<2000x10x1xf32> to vector<2000x10x3xf32>
    %mul3A_31 = arith.mulf %reshape3A, %mul3A_30 : vector<2000x10x3xf32>
    %reshape3A_32 = vector.shape_cast %mul3A_31 : vector<2000x10x3xf32> to vector<2000x30xf32>
    %broadcast_in_dim3A_33 = arith.constant 0.000000e+00 : f32
    %broadcast_in_dim3A_34 = vector.broadcast %broadcast_in_dim3A_33 : f32 to vector<2000x14xf32>
    %concatenate3A_35 = tpu.concatenate %mul3A_20, %tanh3A_22, %reshape3A_32, %broadcast_in_dim3A_34 in 1 : vector<2000x10xf32>, vector<2000x10xf32>, vector<2000x30xf32>, vector<2000x14xf32> -> vector<2000x64xf32>
    %swap3A = arith.constant 0 : index
    %swap3A_36 = arith.constant 0 : index
    %swap3A_37 = vector.load %arg3[%swap3A, %swap3A_36] : memref<2000x64xf32, #tpu.memory_space<vmem>>, vector<2000x64xf32>
    tpu.vector_store %arg3[%swap3A, %swap3A_36], %concatenate3A_35 {strides = array<i32>} : memref<2000x64xf32, #tpu.memory_space<vmem>>, vector<2000x64xf32>,
    return
  }
  func.func @transform_0(%arg0: i32) -> (i32, i32) {
    %c0_i32 = arith.constant 0 : i32
    %c0_i32_0 = arith.constant 0 : i32
    return %arg0, %c0_i32 : i32, i32
  }
  func.func @transform_1(%arg0: i32) -> (i32, i32) {
    %c0_i32 = arith.constant 0 : i32
    %c0_i32_0 = arith.constant 0 : i32
    return %arg0, %c0_i32 : i32, i32
  }
  func.func @transform_2(%arg0: i32) -> (i32, i32) {
    %c0_i32 = arith.constant 0 : i32
    %c0_i32_0 = arith.constant 0 : i32
    return %arg0, %c0_i32 : i32, i32
  }
}

module attributes {stable_mosaic.version = 14 : i64} {
  func.func @_tp_body(%arg0: i32, %arg1: memref<128000xf32, #tpu.memory_space<vmem>>, %arg2: memref<1000x8xf32, #tpu.memory_space<vmem>>, %arg3: memref<4x128x128xf32, #tpu.memory_space<vmem>>, %arg4: memref<128000xf32, #tpu.memory_space<vmem>>) attributes {dimension_semantics = [#tpu.dimension_semantics<arbitrary>], iteration_bounds = array<i64: 400>, scalar_prefetch = 0 : i64, scratch_operands = 0 : i64, tpu.core_type = #tpu.core_type<tc>, window_params = [{transform_indices = @transform_0, window_bounds = array<i64: 128000>}, {transform_indices = @transform_1, window_bounds = array<i64: 1000, 8>}, {pipeline_mode = #tpu.pipeline_mode<synchronous>, transform_indices = @transform_2, window_bounds = array<i64: 4, 128, 128>}, {transform_indices = @transform_3, window_bounds = array<i64: 128000>}]} {
    %get3A = arith.constant 0 : index
    %get3A_0 = vector.load %arg1[%get3A] : memref<128000xf32, #tpu.memory_space<vmem>>, vector<128000xf32>
    %reshape3A = vector.shape_cast %get3A_0 : vector<128000xf32> to vector<1000x128xf32>
    %get3A_1 = arith.constant 0 : index
    %get3A_2 = arith.constant 0 : index
    %get3A_3 = vector.load %arg2[%get3A_1, %get3A_2] : memref<1000x8xf32, #tpu.memory_space<vmem>>, vector<1000x8xf32>
    %broadcast_in_dim3A = arith.constant 0.000000e+00 : f32
    %broadcast_in_dim3A_4 = vector.broadcast %broadcast_in_dim3A : f32 to vector<1000x128xf32>
    %slice3A = vector.extract_strided_slice %get3A_3 {offsets = [0, 0], sizes = [1000, 1], strides = [1, 1]} : vector<1000x8xf32> to vector<1000x1xf32>
    %broadcast_in_dim3A_5 = vector.shape_cast %slice3A : vector<1000x1xf32> to vector<1000x1xf32>
    %broadcast_in_dim3A_6 = vector.broadcast %broadcast_in_dim3A_5 : vector<1000x1xf32> to vector<1000x64xf32>
    %slice3A_7 = vector.extract_strided_slice %get3A_3 {offsets = [0, 4], sizes = [1000, 1], strides = [1, 1]} : vector<1000x8xf32> to vector<1000x1xf32>
    %broadcast_in_dim3A_8 = vector.shape_cast %slice3A_7 : vector<1000x1xf32> to vector<1000x1xf32>
    %broadcast_in_dim3A_9 = vector.broadcast %broadcast_in_dim3A_8 : vector<1000x1xf32> to vector<1000x64xf32>
    %concatenate3A = tpu.concatenate %broadcast_in_dim3A_6, %broadcast_in_dim3A_9 in 1 : vector<1000x64xf32>, vector<1000x64xf32> -> vector<1000x128xf32>
    %get3A_10 = arith.constant 0 : index
    %get3A_11 = arith.constant 0 : index
    %get3A_12 = arith.constant 0 : index
    %get3A_13 = vector.load %arg3[%get3A_10, %get3A_11, %get3A_12] : memref<4x128x128xf32, #tpu.memory_space<vmem>>, vector<1x128x128xf32>
    %get3A_14 = vector.shape_cast %get3A_13 : vector<1x128x128xf32> to vector<128x128xf32>
    %dot_general3A = arith.constant dense<0.000000e+00> : vector<1000x128xf32>
    %dot_general3A_15 = tpu.matmul %reshape3A, %get3A_14, %dot_general3A {dimension_numbers = #tpu.dot_dimension_numbers<[1], [0], [0], [1], [0, 0, 1, 1], [], []>, transpose_lhs_hint = false} : vector<1000x128xf32>, vector<128x128xf32>, vector<1000x128xf32> -> vector<1000x128xf32>
    %mul3A = arith.mulf %dot_general3A_15, %concatenate3A : vector<1000x128xf32>
    %add3A = arith.addf %broadcast_in_dim3A_4, %mul3A : vector<1000x128xf32>
    %slice3A_16 = vector.extract_strided_slice %get3A_3 {offsets = [0, 1], sizes = [1000, 1], strides = [1, 1]} : vector<1000x8xf32> to vector<1000x1xf32>
    %broadcast_in_dim3A_17 = vector.shape_cast %slice3A_16 : vector<1000x1xf32> to vector<1000x1xf32>
    %broadcast_in_dim3A_18 = vector.broadcast %broadcast_in_dim3A_17 : vector<1000x1xf32> to vector<1000x64xf32>
    %slice3A_19 = vector.extract_strided_slice %get3A_3 {offsets = [0, 5], sizes = [1000, 1], strides = [1, 1]} : vector<1000x8xf32> to vector<1000x1xf32>
    %broadcast_in_dim3A_20 = vector.shape_cast %slice3A_19 : vector<1000x1xf32> to vector<1000x1xf32>
    %broadcast_in_dim3A_21 = vector.broadcast %broadcast_in_dim3A_20 : vector<1000x1xf32> to vector<1000x64xf32>
    %concatenate3A_22 = tpu.concatenate %broadcast_in_dim3A_18, %broadcast_in_dim3A_21 in 1 : vector<1000x64xf32>, vector<1000x64xf32> -> vector<1000x128xf32>
    %get3A_23 = arith.constant 1 : index
    %get3A_24 = arith.constant 0 : index
    %get3A_25 = arith.constant 0 : index
    %get3A_26 = vector.load %arg3[%get3A_23, %get3A_24, %get3A_25] : memref<4x128x128xf32, #tpu.memory_space<vmem>>, vector<1x128x128xf32>
    %get3A_27 = vector.shape_cast %get3A_26 : vector<1x128x128xf32> to vector<128x128xf32>
    %dot_general3A_28 = arith.constant dense<0.000000e+00> : vector<1000x128xf32>
    %dot_general3A_29 = tpu.matmul %reshape3A, %get3A_27, %dot_general3A_28 {dimension_numbers = #tpu.dot_dimension_numbers<[1], [0], [0], [1], [0, 0, 1, 1], [], []>, transpose_lhs_hint = false} : vector<1000x128xf32>, vector<128x128xf32>, vector<1000x128xf32> -> vector<1000x128xf32>
    %mul3A_30 = arith.mulf %dot_general3A_29, %concatenate3A_22 : vector<1000x128xf32>
    %add3A_31 = arith.addf %add3A, %mul3A_30 : vector<1000x128xf32>
    %slice3A_32 = vector.extract_strided_slice %get3A_3 {offsets = [0, 2], sizes = [1000, 1], strides = [1, 1]} : vector<1000x8xf32> to vector<1000x1xf32>
    %broadcast_in_dim3A_33 = vector.shape_cast %slice3A_32 : vector<1000x1xf32> to vector<1000x1xf32>
    %broadcast_in_dim3A_34 = vector.broadcast %broadcast_in_dim3A_33 : vector<1000x1xf32> to vector<1000x64xf32>
    %slice3A_35 = vector.extract_strided_slice %get3A_3 {offsets = [0, 6], sizes = [1000, 1], strides = [1, 1]} : vector<1000x8xf32> to vector<1000x1xf32>
    %broadcast_in_dim3A_36 = vector.shape_cast %slice3A_35 : vector<1000x1xf32> to vector<1000x1xf32>
    %broadcast_in_dim3A_37 = vector.broadcast %broadcast_in_dim3A_36 : vector<1000x1xf32> to vector<1000x64xf32>
    %concatenate3A_38 = tpu.concatenate %broadcast_in_dim3A_34, %broadcast_in_dim3A_37 in 1 : vector<1000x64xf32>, vector<1000x64xf32> -> vector<1000x128xf32>
    %get3A_39 = arith.constant 2 : index
    %get3A_40 = arith.constant 0 : index
    %get3A_41 = arith.constant 0 : index
    %get3A_42 = vector.load %arg3[%get3A_39, %get3A_40, %get3A_41] : memref<4x128x128xf32, #tpu.memory_space<vmem>>, vector<1x128x128xf32>
    %get3A_43 = vector.shape_cast %get3A_42 : vector<1x128x128xf32> to vector<128x128xf32>
    %dot_general3A_44 = arith.constant dense<0.000000e+00> : vector<1000x128xf32>
    %dot_general3A_45 = tpu.matmul %reshape3A, %get3A_43, %dot_general3A_44 {dimension_numbers = #tpu.dot_dimension_numbers<[1], [0], [0], [1], [0, 0, 1, 1], [], []>, transpose_lhs_hint = false} : vector<1000x128xf32>, vector<128x128xf32>, vector<1000x128xf32> -> vector<1000x128xf32>
    %mul3A_46 = arith.mulf %dot_general3A_45, %concatenate3A_38 : vector<1000x128xf32>
    %add3A_47 = arith.addf %add3A_31, %mul3A_46 : vector<1000x128xf32>
    %slice3A_48 = vector.extract_strided_slice %get3A_3 {offsets = [0, 3], sizes = [1000, 1], strides = [1, 1]} : vector<1000x8xf32> to vector<1000x1xf32>
    %broadcast_in_dim3A_49 = vector.shape_cast %slice3A_48 : vector<1000x1xf32> to vector<1000x1xf32>
    %broadcast_in_dim3A_50 = vector.broadcast %broadcast_in_dim3A_49 : vector<1000x1xf32> to vector<1000x64xf32>
    %slice3A_51 = vector.extract_strided_slice %get3A_3 {offsets = [0, 7], sizes = [1000, 1], strides = [1, 1]} : vector<1000x8xf32> to vector<1000x1xf32>
    %broadcast_in_dim3A_52 = vector.shape_cast %slice3A_51 : vector<1000x1xf32> to vector<1000x1xf32>
    %broadcast_in_dim3A_53 = vector.broadcast %broadcast_in_dim3A_52 : vector<1000x1xf32> to vector<1000x64xf32>
    %concatenate3A_54 = tpu.concatenate %broadcast_in_dim3A_50, %broadcast_in_dim3A_53 in 1 : vector<1000x64xf32>, vector<1000x64xf32> -> vector<1000x128xf32>
    %get3A_55 = arith.constant 3 : index
    %get3A_56 = arith.constant 0 : index
    %get3A_57 = arith.constant 0 : index
    %get3A_58 = vector.load %arg3[%get3A_55, %get3A_56, %get3A_57] : memref<4x128x128xf32, #tpu.memory_space<vmem>>, vector<1x128x128xf32>
    %get3A_59 = vector.shape_cast %get3A_58 : vector<1x128x128xf32> to vector<128x128xf32>
    %dot_general3A_60 = arith.constant dense<0.000000e+00> : vector<1000x128xf32>
    %dot_general3A_61 = tpu.matmul %reshape3A, %get3A_59, %dot_general3A_60 {dimension_numbers = #tpu.dot_dimension_numbers<[1], [0], [0], [1], [0, 0, 1, 1], [], []>, transpose_lhs_hint = false} : vector<1000x128xf32>, vector<128x128xf32>, vector<1000x128xf32> -> vector<1000x128xf32>
    %mul3A_62 = arith.mulf %dot_general3A_61, %concatenate3A_54 : vector<1000x128xf32>
    %add3A_63 = arith.addf %add3A_47, %mul3A_62 : vector<1000x128xf32>
    %reshape3A_64 = vector.shape_cast %add3A_63 : vector<1000x128xf32> to vector<128000xf32>
    %swap3A = arith.constant 0 : index
    %swap3A_65 = vector.load %arg4[%swap3A] : memref<128000xf32, #tpu.memory_space<vmem>>, vector<128000xf32>
    tpu.vector_store %arg4[%swap3A], %reshape3A_64 {strides = array<i32>} : memref<128000xf32, #tpu.memory_space<vmem>>, vector<128000xf32>,
    return
  }
  func.func @transform_0(%arg0: i32) -> i32 {
    %c0_i32 = arith.constant 0 : i32
    return %arg0 : i32
  }
  func.func @transform_1(%arg0: i32) -> (i32, i32) {
    %c0_i32 = arith.constant 0 : i32
    %c0_i32_0 = arith.constant 0 : i32
    return %arg0, %c0_i32 : i32, i32
  }
  func.func @transform_2(%arg0: i32) -> (i32, i32, i32) {
    %c0_i32 = arith.constant 0 : i32
    %c0_i32_0 = arith.constant 0 : i32
    %c0_i32_1 = arith.constant 0 : i32
    %c0_i32_2 = arith.constant 0 : i32
    return %c0_i32, %c0_i32_0, %c0_i32_1 : i32, i32, i32
  }
  func.func @transform_3(%arg0: i32) -> i32 {
    %c0_i32 = arith.constant 0 : i32
    return %arg0 : i32
  }
}

module attributes {stable_mosaic.version = 14 : i64} {
  func.func @_gate_l4_body(%arg0: i32, %arg1: memref<2000x32xf32, #tpu.memory_space<vmem>>, %arg2: memref<2000x32xf32, #tpu.memory_space<vmem>>, %arg3: memref<2000x7xf32, #tpu.memory_space<vmem>>) attributes {dimension_semantics = [#tpu.dimension_semantics<arbitrary>], iteration_bounds = array<i64: 25>, scalar_prefetch = 0 : i64, scratch_operands = 0 : i64, tpu.core_type = #tpu.core_type<tc>, window_params = [{transform_indices = @transform_0, window_bounds = array<i64: 2000, 32>}, {transform_indices = @transform_1, window_bounds = array<i64: 2000, 32>}, {transform_indices = @transform_2, window_bounds = array<i64: 2000, 7>}]} {
    %get3A = arith.constant 0 : index
    %get3A_0 = arith.constant 0 : index
    %get3A_1 = vector.load %arg1[%get3A, %get3A_0] : memref<2000x32xf32, #tpu.memory_space<vmem>>, vector<2000x7xf32>
    %get3A_2 = arith.constant 0 : index
    %get3A_3 = arith.constant 0 : index
    %get3A_4 = vector.load %arg2[%get3A_2, %get3A_3] : memref<2000x32xf32, #tpu.memory_space<vmem>>, vector<2000x7xf32>
    %add3A = arith.addf %get3A_1, %get3A_4 : vector<2000x7xf32>
    %mul3A = arith.constant 0.816496611 : f32
    %mul3A_5 = vector.broadcast %mul3A : f32 to vector<2000x7xf32>
    %mul3A_6 = arith.mulf %add3A, %mul3A_5 : vector<2000x7xf32>
    %swap3A = arith.constant 0 : index
    %swap3A_7 = arith.constant 0 : index
    %swap3A_8 = vector.load %arg3[%swap3A, %swap3A_7] : memref<2000x7xf32, #tpu.memory_space<vmem>>, vector<2000x7xf32>
    tpu.vector_store %arg3[%swap3A, %swap3A_7], %mul3A_6 {strides = array<i32>} : memref<2000x7xf32, #tpu.memory_space<vmem>>, vector<2000x7xf32>,
    return
  }
  func.func @transform_0(%arg0: i32) -> (i32, i32) {
    %c0_i32 = arith.constant 0 : i32
    %c0_i32_0 = arith.constant 0 : i32
    return %arg0, %c0_i32 : i32, i32
  }
  func.func @transform_1(%arg0: i32) -> (i32, i32) {
    %c0_i32 = arith.constant 0 : i32
    %c0_i32_0 = arith.constant 0 : i32
    return %arg0, %c0_i32 : i32, i32
  }
  func.func @transform_2(%arg0: i32) -> (i32, i32) {
    %c0_i32 = arith.constant 0 : i32
    %c0_i32_0 = arith.constant 0 : i32
    return %arg0, %c0_i32 : i32, i32
  }
}

</mosaic_0001>

<sc_bundles>
// kernel: kernel.22.cloned.1.call-start
scs
__scs_entry_jumppad:
0x0: {  	(pc) =	sbr.rel $0x88, $3  }
0x1: {  	(tag) =	ssettag $0x0;
	lr =	simm.s32 $0x1  }
0x2: {  	[smem:$0x3F98] =	sst lr;
	_ =	strace $0xD0000000  }
0x3: {  	_ = 	snop  }
0x4: {  	_ = 	snop  }
0x5: {  	_ = 	snop  }
0x6: {  	_ = 	snop  }
0x7: {  	_ = 	snop  }
__scs_overlays_trampoline_lowered:
0x8: {  	[smem:$0x3FA7] =	sst s0  }
0x9: {  	[smem:$0x3FA8] =	sst s1  }
0xa: {  	[smem:$0x3FA9] =	sst s2  }
0xb: {  	[smem:$0x3FAA] =	sst s3  }
0xc: {  	[smem:$0x3FAB] =	sst s4  }
0xd: {  	[smem:$0x3FAC] =	sst s5  }
0xe: {  	[smem:$0x3FAD] =	sst s6  }
0xf: {  	[smem:$0x3FAE] =	sst s7  }
0x10: {  	[smem:$0x3FAF] =	sst s8  }
0x11: {  	[smem:$0x3FB0] =	sst s9;
	s0 =	simm.s32 @!p0 $0x0  }
0x12: {  	s1 =	sld [smem:$0x3F96];
	s0 =	simm.s32 @p0 $0x1  }
0x13: {  	[smem:$0x3FB1] =	sst s0;
	s0 =	simm.s32 @!p1 $0x0  }
0x14: {  	s2 =	sld [smem:$0x3F95];
	s0 =	simm.s32 @p1 $0x1  }
0x15: {  	[smem:$0x3FB2] =	sst s0;
	s0 =	simm.s32 @!p2 $0x0  }
0x16: {  	s3 =	sld [smem:$0x3FDB];
	s0 =	simm.s32 @p2 $0x1  }
0x17: {  	s4 =	simm.s32 $0x1BF5;
	[smem:$0x3FB4] =	sst s0  }
0x18: {  	s0 =	sld [smem:$0x3F97];
	_ =	swait.ge [sflag:s4], $0x0  }
0x19: {  	s7 =	sld [smem:$0x3F98]  }
0x1a: {  	s8 =	sadd.s32 $0xFFFFE003, lr  }
0x1b: {  	s9 =	sadd.s32 $0xFFFFFEF7, lr;
	s5 =	simm.s32 $0xFFFFFFFF;
	p2 =	slt.u32 s8, $0xFFFFF086  }
0x1c: {  	p1 =	slt.u32 s9, $0xF7A;
	s5 =	simm.s32 @!p2 $0x0  }
0x1d: {  	s5 =	simm.s32 @p1 $0x1;
	p0 =	seq.s32 s7, s2  }
0x1e: {  	s7 =	smul.u32 @!p0 $0xF7A, s2;
	p2 =	seq.s32 @!p0 s5, $0x0  }
0x1f: {  	s9 =	smul.u32 $0xF7A, s1;
	s8 =	simm.s32 @!p0 $0x1BF5;
	p2 =	por !p2, p0  }
0x20: {  	[sflag:s8] =	ssyncset.s32 @!p0 $0xFFFFF086;
	s6 =	sadd.s32 @!p0 s3, s7;
	s7 =	simm.s32 @!p0 $0x108  }
0x21: {  	s3 =	sadd.s32 s3, s9;
	s6 =	sadd.s32 @!p0 $0x88, s6;
	s7 =	simm.s32 @p2 $0x1082  }
0x22: {  	[simem:s7], [sflag:s8] =	dma.local @!p0 [hbm:s6], $0xF7A  }
0x23: {  	s9 =	sor.u32 $0xD0000000, s2;
	s6 =	simm.s32 $0x108;
	_ =	swait.ge @!p0 [sflag:s8], $0x0  }
0x24: {  	s3 =	sadd.s32 $0x88, s3;
	s6 =	simm.s32 @!p1 $0x1082;
	[sflag:s4] =	ssyncset.s32 $0xFFFFF086  }
0x25: {  	[simem:s6], [sflag:s4] =	dma.local [hbm:s3], $0xF7A  }
0x26: {  	[smem:$0x3F98] =	sst s1;
	(tag) =	ssettag s2;
	_ =	strace s9  }
0x27: {  	s1 =	sld [smem:$0x3FA8]  }
0x28: {  	s2 =	sld [smem:$0x3FA9]  }
0x29: {  	s4 =	sld [smem:$0x3FAB]  }
0x2a: {  	p0 =	seq.s32 s5, $0x0;
	s5 =	sld [smem:$0x3FAC]  }
0x2b: {  	s6 =	sld [smem:$0x3FAD]  }
0x2c: {  	s7 =	sld [smem:$0x3FAE]  }
0x2d: {  	s3 =	simm.s32 $0x108;
	s8 =	sld [smem:$0x3FAF]  }
0x2e: {  	s3 =	simm.s32 @!p0 $0x1082;
	s9 =	sld [smem:$0x3FB0]  }
0x2f: {  	lr =	sadd.s32 s0, s3;
	s0 =	sld [smem:$0x3FA7]  }
0x30: {  	s3 =	sld [smem:$0x3FAA]  }
0x31: {  	[smem:$0x3FB3] =	sst s10  }
0x32: {  	s10 =	sld [smem:$0x3FB1];
	_ =	sdelay $0x3  }
0x33: {  	p0 =	seq.s32 s10, $0x1;
	s10 =	sld [smem:$0x3FB3];
	_ =	sdelay $0x3  }
0x34: {  	[smem:$0x3FB3] =	sst s10  }
0x35: {  	s10 =	sld [smem:$0x3FB2];
	_ =	sdelay $0x3  }
0x36: {  	p1 =	seq.s32 s10, $0x1;
	s10 =	sld [smem:$0x3FB3];
	_ =	sdelay $0x3  }
0x37: {  	[smem:$0x3FB3] =	sst s10  }
0x38: {  	s10 =	sld [smem:$0x3FB4]  }
0x39: {  	_ = 	snop;
	(pc) =	sbr.ind lr, $3  }
0x3a: {  	_ = 	snop  }
0x3b: {  	_ = 	snop  }
0x3c: {  	p2 =	seq.s32 s10, $0x1;
	s10 =	sld [smem:$0x3FB3]  }
0x3d: {  	_ =	shalt  }
0x3e: {  	_ =	shalt  }
0x3f: {  	_ =	shalt  }
0x40: {  	_ =	shalt  }
0x41: {  	_ =	shalt  }
0x42: {  	_ =	shalt  }
0x43: {  	_ =	shalt  }
0x44: {  	_ =	shalt  }
0x45: {  	_ =	shalt  }
0x46: {  	_ =	shalt  }
0x47: {  	_ =	shalt  }
0x48: {  	_ =	shalt  }
0x49: {  	_ =	shalt  }
0x4a: {  	_ =	shalt  }
0x4b: {  	_ =	shalt  }
0x4c: {  	_ =	shalt  }
0x4d: {  	_ =	shalt  }
0x4e: {  	_ =	shalt  }
0x4f: {  	_ =	shalt  }
0x50: {  	_ =	shalt  }
0x51: {  	_ =	shalt  }
0x52: {  	_ =	shalt  }
0x53: {  	_ =	shalt  }
0x54: {  	_ =	shalt  }
0x55: {  	_ =	shalt  }
0x56: {  	_ =	shalt  }
0x57: {  	_ =	shalt  }
0x58: {  	_ =	shalt  }
0x59: {  	_ =	shalt  }
0x5a: {  	_ =	shalt  }
0x5b: {  	_ =	shalt  }
0x5c: {  	_ =	shalt  }
0x5d: {  	_ =	shalt  }
0x5e: {  	_ =	shalt  }
0x5f: {  	_ =	shalt  }
0x60: {  	_ =	shalt  }
0x61: {  	_ =	shalt  }
0x62: {  	_ =	shalt  }
0x63: {  	_ =	shalt  }
0x64: {  	_ =	shalt  }
0x65: {  	_ =	shalt  }
0x66: {  	_ =	shalt  }
0x67: {  	_ =	shalt  }
0x68: {  	_ =	shalt  }
0x69: {  	_ =	shalt  }
0x6a: {  	_ =	shalt  }
0x6b: {  	_ =	shalt  }
0x6c: {  	_ =	shalt  }
0x6d: {  	_ =	shalt  }
0x6e: {  	_ =	shalt  }
0x6f: {  	_ =	shalt  }
0x70: {  	_ =	shalt  }
0x71: {  	_ =	shalt  }
0x72: {  	_ =	shalt  }
0x73: {  	_ =	shalt  }
0x74: {  	_ =	shalt  }
0x75: {  	_ =	shalt  }
0x76: {  	_ =	shalt  }
0x77: {  	_ =	shalt  }
0x78: {  	_ =	shalt  }
0x79: {  	_ =	shalt  }
0x7a: {  	_ =	shalt  }
0x7b: {  	_ =	shalt  }
0x7c: {  	_ =	shalt  }
0x7d: {  	_ =	shalt  }
0x7e: {  	_ =	shalt  }
0x7f: {  	_ =	shalt  }
0x80: {  	_ =	shalt  }
0x81: {  	_ =	shalt  }
0x82: {  	_ =	shalt  }
0x83: {  	_ =	shalt  }
0x84: {  	_ =	shalt  }
0x85: {  	_ =	shalt  }
0x86: {  	_ =	shalt  }
0x87: {  	_ =	shalt  }
.Lfunc_end0:
.L_simem_size_0:
called_computation_lowered:
.L_overlay_start_0:
0x88: {  	s2 =	sld [smem:$0x3FD9]  }
0x89: {  	s3 =	sld [smem:$0x3FFE];
	_ =	sdelay $0x1  }
0x8a: {  	s1 =	srdreg.scid  }
0x8b: {  	s0 =	sand.u32 $0x1, s1  }
0x8c: {  	s17 =	sshll.u32 s0, $0xA;
	s2 =	sadd.s32 s3, s2  }
0x8d: {  	s2 =	sadd.s32 s2, s17  }
0x8e: {  	[smem:$0x3FBF] =	sst s2  }
0x8f: {  	_ = 	snop  }
0x90: {  	s2 =	sld [smem:$0x3FC8];
	(tm) =	ssettm $0x1  }
0x91: {  	s18 =	sld [smem:$0x3FFB];
	_ =	sdelay $0x3  }
0x92: {  	_ =	strace s18  }
0x93: {  	s3 =	sld [smem:$0x3FFC];
	_ =	sdelay $0x3  }
0x94: {  	_ =	strace s3  }
0x95: {  	s3 =	sld [smem:$0x3FFD];
	_ =	sdelay $0x3  }
0x96: {  	_ =	strace s3  }
0x97: {  	_ =	strace $0x8FFFFFFF  }
0x98: {  	s19 =	sld [smem:$0x3FDB];
	_ =	sdelay $0x1  }
0x99: {  	s4 =	simm.s32 $_scs_section_size  }
0x9a: {  	s5 =	simm.s32 $_size__tile_overlayer_lowered;
	s6 =	simm.s32 $_tile_overlayer_lowered  }
0x9b: {  	s22 =	simm.s32 $0x1BFF;
	s21 =	sshll.u32 s6, $0x1;
	s3 =	sadd.s32 s4, s19  }
0x9c: {  	s7 =	simm.s32 $0x0;
	s20 =	sshll.u32 s5, $0x1;
	s5 =	sadd.s32 s21, s3  }
0x9d: {  	[timem:s7], [sflag:s22] =	dma.local [hbm:s5], s20  }
0x9e: {  	_ =	swait.ge [sflag:s22], s20  }
0x9f: {  	s4 =	ssub.s32 $0x0, s20;
	[sflag:s22] =	ssyncset.done $0x0  }
0xa0: {  	[sflag:s22] =	ssyncadd.s32 s4;
	_ =	sdelay $0x1  }
0xa1: {  	s23 =	simm.s32 $0x1B8B  }
0xa2: {  	_ =	swait.ge [sflag:s23], $0x1  }
0xa3: {  	[sflag:s23] =	ssyncset.done $0x0  }
0xa4: {  	s25 =	simm.s32 $0x1B8E;
	s24 =	sld [smem:$0x3FFE];
	[sflag:s23] =	ssyncadd.s32 $0xFFFFFFFF  }
0xa5: {  	s26 =	simm.s32 $execute0_lowered;
	[smem:$0x3FD2] =	sst s25  }
0xa6: {  	s5 =	sshll.u32 s26, $0x1;
	_ =	strace $0x80000046;
	[dreg:$0x1] =	wrdreg $0xFFFFFFFF  }
0xa7: {  	s28 =	simm.s32 $_size_execute0_lowered;
	s3 =	sadd.s32 s3, s5;
	[dreg:$0x0] =	wrdreg $0x0  }
0xa8: {  	s5 =	sshll.u32 s28, $0x1;
	[dreg:$0x2] =	wrdreg s3  }
0xa9: {  	[dreg:$0x3] =	wrdreg s5  }
0xaa: {  	[dreg:$0x4] =	wrdreg $0xC0  }
0xab: {  	_ =	task [dreg:s7], $0x5FFFF  }
0xac: {  	[dreg:$0x1] =	wrdreg $0xFFFFFFFF  }
0xad: {  	[dreg:$0x0] =	wrdreg $0x60  }
0xae: {  	[dreg:$0x2] =	wrdreg s24  }
0xaf: {  	[dreg:$0x3] =	wrdreg s2  }
0xb0: {  	[dreg:$0x4] =	wrdreg $0x9  }
0xb1: {  	_ =	task.clear_ibuf [dreg:s7], $0x5FFFF;
	_ =	strace $0x90000046  }
0xb2: {  	s29 =	simm.s32 $0x9;
	_ =	strace $0x80000048  }
0xb3: {  	_ =	swait.ge [sflag:s29], $0x1  }
0xb4: {  	[sflag:s29] =	ssyncadd.s32 $0xFFFFFFFF  }
0xb5: {  	_ =	strace $0x90000048  }
0xb6: {  	_ =	sfence  }
0xb7: {  	s30 =	sld [smem:$0x0];
	_ =	sdelay $0x2  }
0xb8: {  	s31 =	sshll.u32 s1, $0xD;
	s1 =	sshrl.u32 s1, $0x2  }
0xb9: {  	s3 =	sand.u32 $0x4000, s31;
	s1 =	sadd.s32 s1, s30  }
0xba: {  	s0 =	sor.u32 s3, s0;
	s1 =	sshll.u32 s1, $0x11  }
0xbb: {  	s0 =	sor.u32 s1, s0  }
0xbc: {  	s0 =	sadd.s32 $0x8F2B, s0  }
0xbd: {  	[sflag:s0] =	ssyncadd.remote.s32 $0x1  }
0xbe: {  	_ =	sfence.sel $0xFFFF  }
0xbf: {  	[dreg:$0x0] =	wrdreg $0xFFFFFFFF;
	(pc) =	sbr.abs _section_cstart, $3  }
0xc0: {  	[dreg:$0x1] =	wrdreg $0xFFFFFFFF  }
0xc1: {  	_ =	task.clear_ibuf [dreg:s7], $0x2FFFF;
	_ =	strace $0x9FFFFFFF  }
0xc2: {  	(tm) =	ssettm $0x7FFFFFFF  }
0xc3: {  	_ =	shalt  }
tec
execute0_lowered:
.L_overlay_start_1:
0x0: {  	(tag) =	ssettag $0x1  }
0x1: {  	s3 =	rddreg [dreg:$0x0]  }
0x2: {  	s6 =	rddreg [dreg:$0x1]  }
0x3: {  	s0 =	rddreg [dreg:$0x2];
	s1 =	stileid.u32  }
0x4: {  	s2 =	simm.s32 $0x0;
	s5 =	srdreg.scid;
	s4 =	smul.u32 $0x61A80, s1  }
0x5: {  	[smem:$0x7FF] =	sst s2;
	s5 =	sand.u32 $0x1, s5;
	s7 =	smul.u32 $0xC350, s1  }
0x6: {  	_ =	strace $0x80000047;
	s8 =	ssub.s32 $0x2, s5;
	s9 =	smul.u32 $0x61A8, s5  }
0x7: {  	s5 =	smul.u32 $0x30D40, s5;
	s10 =	sadd.s32 s4, s3;
	s31 =	sshrl.u32 s8, $0x1  }
0x8: {  	s3 =	sadd.s32 $0x3E00, s3;
	s4 =	ssub.s32 s8, s31;
	s7 =	sadd.s32 s9, s7  }
0x9: {  	s5 =	sadd.s32 s5, s10;
	s8 =	simm.s32 $0x3E8;
	s9 =	simm.s32 $0x1  }
0xa: {  	s10 =	simm.s32 $0x0;
	s4 =	smax.u32 s4, $0x1;
	s7 =	sshrl.u32 s7, $0x3  }
0xb: {  	s5 =	sadd.s32 $0x65A00, s5;
	s6 =	sadd.s32 s7, s6;
	s7 =	simm.s32 $0x2  }
.LBB2_1:
0xc: {  	s11 =	sadd.s32 $0x0, s6  }
0xd: {  	[tilespmem:s2], [sflag:$0x2] =	stream.linear.gather [hbm4b:s11+s2], $0x3E8, $0x38;
	[tilespmem:$0xFDE8] =	vst v63  }
0xe: {  	_ =	swait.ge [sflag:s7], $0x3E8  }
0xf: {  	[sflag:s7] =	ssyncset.done $0x0  }
0x10: {  	[sflag:s7] =	ssyncadd.s32 $0xFFFFFC18  }
0x11: {  	[tilespmem:s8], [sflag:$0x1] =	stream.indirect.gather [hbm4b:s3+s8], $0x40, s2, s8, $0xb8;
	[tilespmem:$0xFDE8] =	vst v63  }
0x12: {  	_ =	swait.ge [sflag:s9], $0xFA00  }
0x13: {  	[sflag:s9] =	ssyncset.done $0x0  }
0x14: {  	[sflag:s9] =	ssyncadd.s32 $0xFFFF0600  }
0x15: {  	[hbm4b:s5+s2] =	stream.linear.scatter [tilespmem:s8], [sflag:$0x2], $0xFA00, $0x38;
	[tilespmem:$0xFDE8] =	vst v63  }
0x16: {  	s12 =	simm.s32 $0x7D;
	_ =	swait.ge [sflag:s7], $0xFA00  }
0x17: {  	s13 =	simm.s32 $0xFA;
	s11 =	sadd.s32 $0x1F40, s5;
	[sflag:s7] =	ssyncset.done $0x0  }
.LBB2_2:
0x18: {  	s14 =	sadd.s32 s12, s6  }
0x19: {  	[sflag:s7] =	ssyncadd.s32 $0xFFFF0600;
	s12 =	smov.u32 s13;
	s15 =	sadd.s32 $0x7D, s13  }
0x1a: {  	[tilespmem:s2], [sflag:$0x2] =	stream.linear.gather [hbm4b:s14+s2], $0x3E8, $0x38;
	[tilespmem:$0xFDE8] =	vst v63  }
0x1b: {  	p0 =	sne.s32 s13, $0xBB8;
	_ =	swait.ge [sflag:s7], $0x3E8  }
0x1c: {  	[sflag:s7] =	ssyncset.done $0x0  }
0x1d: {  	[sflag:s7] =	ssyncadd.s32 $0xFFFFFC18  }
0x1e: {  	[tilespmem:s8], [sflag:$0x1] =	stream.indirect.gather [hbm4b:s3+s8], $0x40, s2, s8, $0xb8;
	[tilespmem:$0xFDE8] =	vst v63  }
0x1f: {  	_ =	swait.ge [sflag:s9], $0xFA00  }
.Ltmp0:
0x20: {  	[sflag:s9] =	ssyncset.done $0x0;
	(pc) =	sbr.rel @p0 .LBB2_2-.Ltmp0, $4  }
0x21: {  	[sflag:s9] =	ssyncadd.s32 $0xFFFF0600  }
0x22: {  	[hbm4b:s11+s2] =	stream.linear.scatter [tilespmem:s8], [sflag:$0x2], $0xFA00, $0x38;
	[tilespmem:$0xFDE8] =	vst v63  }
0x23: {  	_ =	swait.ge [sflag:s7], $0xFA00  }
0x24: {  	s13 =	smov.u32 s15;
	s11 =	sadd.s32 $0x1F40, s11;
	[sflag:s7] =	ssyncset.done $0x0  }
0x25: {  	s12 =	sadd.s32 s12, s6;
	[sflag:s7] =	ssyncadd.s32 $0xFFFF0600  }
0x26: {  	[tilespmem:s2], [sflag:$0x2] =	stream.linear.gather [hbm4b:s12+s2], $0x3E8, $0x38;
	[tilespmem:$0xFDE8] =	vst v63  }
0x27: {  	_ =	swait.ge [sflag:s7], $0x3E8  }
0x28: {  	[sflag:s7] =	ssyncset.done $0x0  }
0x29: {  	[sflag:s7] =	ssyncadd.s32 $0xFFFFFC18  }
0x2a: {  	[tilespmem:s8], [sflag:$0x1] =	stream.indirect.gather [hbm4b:s3+s8], $0x40, s2, s8, $0xb8;
	[tilespmem:$0xFDE8] =	vst v63  }
0x2b: {  	s10 =	sadd.s32 $0x1, s10;
	_ =	swait.ge [sflag:s9], $0xFA00  }
0x2c: {  	p0 =	sne.s32 s10, s4;
	[sflag:s9] =	ssyncset.done $0x0  }
.Ltmp1:
0x2d: {  	[sflag:s9] =	ssyncadd.s32 $0xFFFF0600;
	(pc) =	sbr.rel @p0 .LBB2_1-.Ltmp1, $4  }
0x2e: {  	[hbm4b:s11+s2] =	stream.linear.scatter [tilespmem:s8], [sflag:$0x2], $0xFA00, $0x38;
	[tilespmem:$0xFDE8] =	vst v63  }
0x2f: {  	_ =	swait.ge [sflag:s7], $0xFA00  }
0x30: {  	[sflag:s7] =	ssyncset.done $0x0  }
0x31: {  	[sflag:s7] =	ssyncadd.s32 $0xFFFF0600  }
0x32: {  	_ =	sfence.sel $0x180000  }
0x33: {  	[bflag:$0x0] =	sbarrier.arrive $0xFFFF  }
0x34: {  	p0 =	sne.s32 s1, $0x0;
	_ =	strace $0x90000047  }
0x35: {  	s0 =	sadd.s32 @!p0 $0x100000, s0;
	[bflag:$0x2] =	sbarrier.arrive $0xFFFF  }
0x36: {  	[sflag:s0] =	ssyncadd.tile.s32 @!p0 $0x1;
	_ =	shalt  }
.Lfunc_end2:
_tile_overlayer_lowered:
.L_overlay_start_2:
0x37: {  	(tag) =	ssettag $0x2  }
0x38: {  	s0 =	rddreg [dreg:$0x0];
	s2 =	stileid.u32  }
0x39: {  	s1 =	rddreg [dreg:$0x1];
	p0 =	sne.s32 s2, $0x0  }
0x3a: {  	s3 =	rddreg [dreg:$0x2];
	[bflag:$0x3] =	sbarrier.arrive $0xFFFF;
	s2 =	simm.s32 @!p0 $0x1C02  }
0x3b: {  	[timem:s3], [sflag:s2] =	dma.local @!p0 [hbm:s0], s1  }
0x3c: {  	s0 =	simm.s32 @!p0 $0x2  }
0x3d: {  	_ =	swait.ge @!p0 [sflag:s0], s1  }
0x3e: {  	s1 =	ssub.s32 @!p0 $0x0, s1;
	[sflag:s0] =	ssyncset.done @!p0 $0x0  }
0x3f: {  	[sflag:s0] =	ssyncadd.s32 @!p0 s1  }
0x40: {  	[bflag:$0x3] =	sbarrier.arrive $0xFFFF  }
0x41: {  	_ =	shalt  }

// kernel: kernel.25.cloned.1.call-start
scs
__scs_entry_jumppad:
0x0: {  	(pc) =	sbr.rel $0x88, $3  }
0x1: {  	(tag) =	ssettag $0x0;
	lr =	simm.s32 $0x1  }
0x2: {  	[smem:$0x3F98] =	sst lr;
	_ =	strace $0xD0000000  }
0x3: {  	_ = 	snop  }
0x4: {  	_ = 	snop  }
0x5: {  	_ = 	snop  }
0x6: {  	_ = 	snop  }
0x7: {  	_ = 	snop  }
__scs_overlays_trampoline_lowered:
0x8: {  	[smem:$0x3FA7] =	sst s0  }
0x9: {  	[smem:$0x3FA8] =	sst s1  }
0xa: {  	[smem:$0x3FA9] =	sst s2  }
0xb: {  	[smem:$0x3FAA] =	sst s3  }
0xc: {  	[smem:$0x3FAB] =	sst s4  }
0xd: {  	[smem:$0x3FAC] =	sst s5  }
0xe: {  	[smem:$0x3FAD] =	sst s6  }
0xf: {  	[smem:$0x3FAE] =	sst s7  }
0x10: {  	[smem:$0x3FAF] =	sst s8  }
0x11: {  	[smem:$0x3FB0] =	sst s9;
	s0 =	simm.s32 @!p0 $0x0  }
0x12: {  	s1 =	sld [smem:$0x3F96];
	s0 =	simm.s32 @p0 $0x1  }
0x13: {  	[smem:$0x3FB1] =	sst s0;
	s0 =	simm.s32 @!p1 $0x0  }
0x14: {  	s2 =	sld [smem:$0x3F95];
	s0 =	simm.s32 @p1 $0x1  }
0x15: {  	[smem:$0x3FB2] =	sst s0;
	s0 =	simm.s32 @!p2 $0x0  }
0x16: {  	s3 =	sld [smem:$0x3FDB];
	s0 =	simm.s32 @p2 $0x1  }
0x17: {  	s4 =	simm.s32 $0x1BF5;
	[smem:$0x3FB4] =	sst s0  }
0x18: {  	s0 =	sld [smem:$0x3F97];
	_ =	swait.ge [sflag:s4], $0x0  }
0x19: {  	s7 =	sld [smem:$0x3F98]  }
0x1a: {  	s8 =	sadd.s32 $0xFFFFE003, lr  }
0x1b: {  	s9 =	sadd.s32 $0xFFFFFEF7, lr;
	s5 =	simm.s32 $0xFFFFFFFF;
	p2 =	slt.u32 s8, $0xFFFFF086  }
0x1c: {  	p1 =	slt.u32 s9, $0xF7A;
	s5 =	simm.s32 @!p2 $0x0  }
0x1d: {  	s5 =	simm.s32 @p1 $0x1;
	p0 =	seq.s32 s7, s2  }
0x1e: {  	s7 =	smul.u32 @!p0 $0xF7A, s2;
	p2 =	seq.s32 @!p0 s5, $0x0  }
0x1f: {  	s9 =	smul.u32 $0xF7A, s1;
	s8 =	simm.s32 @!p0 $0x1BF5;
	p2 =	por !p2, p0  }
0x20: {  	[sflag:s8] =	ssyncset.s32 @!p0 $0xFFFFF086;
	s6 =	sadd.s32 @!p0 s3, s7;
	s7 =	simm.s32 @!p0 $0x108  }
0x21: {  	s3 =	sadd.s32 s3, s9;
	s6 =	sadd.s32 @!p0 $0x88, s6;
	s7 =	simm.s32 @p2 $0x1082  }
0x22: {  	[simem:s7], [sflag:s8] =	dma.local @!p0 [hbm:s6], $0xF7A  }
0x23: {  	s9 =	sor.u32 $0xD0000000, s2;
	s6 =	simm.s32 $0x108;
	_ =	swait.ge @!p0 [sflag:s8], $0x0  }
0x24: {  	s3 =	sadd.s32 $0x88, s3;
	s6 =	simm.s32 @!p1 $0x1082;
	[sflag:s4] =	ssyncset.s32 $0xFFFFF086  }
0x25: {  	[simem:s6], [sflag:s4] =	dma.local [hbm:s3], $0xF7A  }
0x26: {  	[smem:$0x3F98] =	sst s1;
	(tag) =	ssettag s2;
	_ =	strace s9  }
0x27: {  	s1 =	sld [smem:$0x3FA8]  }
0x28: {  	s2 =	sld [smem:$0x3FA9]  }
0x29: {  	s4 =	sld [smem:$0x3FAB]  }
0x2a: {  	p0 =	seq.s32 s5, $0x0;
	s5 =	sld [smem:$0x3FAC]  }
0x2b: {  	s6 =	sld [smem:$0x3FAD]  }
0x2c: {  	s7 =	sld [smem:$0x3FAE]  }
0x2d: {  	s3 =	simm.s32 $0x108;
	s8 =	sld [smem:$0x3FAF]  }
0x2e: {  	s3 =	simm.s32 @!p0 $0x1082;
	s9 =	sld [smem:$0x3FB0]  }
0x2f: {  	lr =	sadd.s32 s0, s3;
	s0 =	sld [smem:$0x3FA7]  }
0x30: {  	s3 =	sld [smem:$0x3FAA]  }
0x31: {  	[smem:$0x3FB3] =	sst s10  }
0x32: {  	s10 =	sld [smem:$0x3FB1];
	_ =	sdelay $0x3  }
0x33: {  	p0 =	seq.s32 s10, $0x1;
	s10 =	sld [smem:$0x3FB3];
	_ =	sdelay $0x3  }
0x34: {  	[smem:$0x3FB3] =	sst s10  }
0x35: {  	s10 =	sld [smem:$0x3FB2];
	_ =	sdelay $0x3  }
0x36: {  	p1 =	seq.s32 s10, $0x1;
	s10 =	sld [smem:$0x3FB3];
	_ =	sdelay $0x3  }
0x37: {  	[smem:$0x3FB3] =	sst s10  }
0x38: {  	s10 =	sld [smem:$0x3FB4]  }
0x39: {  	_ = 	snop;
	(pc) =	sbr.ind lr, $3  }
0x3a: {  	_ = 	snop  }
0x3b: {  	_ = 	snop  }
0x3c: {  	p2 =	seq.s32 s10, $0x1;
	s10 =	sld [smem:$0x3FB3]  }
0x3d: {  	_ =	shalt  }
0x3e: {  	_ =	shalt  }
0x3f: {  	_ =	shalt  }
0x40: {  	_ =	shalt  }
0x41: {  	_ =	shalt  }
0x42: {  	_ =	shalt  }
0x43: {  	_ =	shalt  }
0x44: {  	_ =	shalt  }
0x45: {  	_ =	shalt  }
0x46: {  	_ =	shalt  }
0x47: {  	_ =	shalt  }
0x48: {  	_ =	shalt  }
0x49: {  	_ =	shalt  }
0x4a: {  	_ =	shalt  }
0x4b: {  	_ =	shalt  }
0x4c: {  	_ =	shalt  }
0x4d: {  	_ =	shalt  }
0x4e: {  	_ =	shalt  }
0x4f: {  	_ =	shalt  }
0x50: {  	_ =	shalt  }
0x51: {  	_ =	shalt  }
0x52: {  	_ =	shalt  }
0x53: {  	_ =	shalt  }
0x54: {  	_ =	shalt  }
0x55: {  	_ =	shalt  }
0x56: {  	_ =	shalt  }
0x57: {  	_ =	shalt  }
0x58: {  	_ =	shalt  }
0x59: {  	_ =	shalt  }
0x5a: {  	_ =	shalt  }
0x5b: {  	_ =	shalt  }
0x5c: {  	_ =	shalt  }
0x5d: {  	_ =	shalt  }
0x5e: {  	_ =	shalt  }
0x5f: {  	_ =	shalt  }
0x60: {  	_ =	shalt  }
0x61: {  	_ =	shalt  }
0x62: {  	_ =	shalt  }
0x63: {  	_ =	shalt  }
0x64: {  	_ =	shalt  }
0x65: {  	_ =	shalt  }
0x66: {  	_ =	shalt  }
0x67: {  	_ =	shalt  }
0x68: {  	_ =	shalt  }
0x69: {  	_ =	shalt  }
0x6a: {  	_ =	shalt  }
0x6b: {  	_ =	shalt  }
0x6c: {  	_ =	shalt  }
0x6d: {  	_ =	shalt  }
0x6e: {  	_ =	shalt  }
0x6f: {  	_ =	shalt  }
0x70: {  	_ =	shalt  }
0x71: {  	_ =	shalt  }
0x72: {  	_ =	shalt  }
0x73: {  	_ =	shalt  }
0x74: {  	_ =	shalt  }
0x75: {  	_ =	shalt  }
0x76: {  	_ =	shalt  }
0x77: {  	_ =	shalt  }
0x78: {  	_ =	shalt  }
0x79: {  	_ =	shalt  }
0x7a: {  	_ =	shalt  }
0x7b: {  	_ =	shalt  }
0x7c: {  	_ =	shalt  }
0x7d: {  	_ =	shalt  }
0x7e: {  	_ =	shalt  }
0x7f: {  	_ =	shalt  }
0x80: {  	_ =	shalt  }
0x81: {  	_ =	shalt  }
0x82: {  	_ =	shalt  }
0x83: {  	_ =	shalt  }
0x84: {  	_ =	shalt  }
0x85: {  	_ =	shalt  }
0x86: {  	_ =	shalt  }
0x87: {  	_ =	shalt  }
.Lfunc_end0:
.L_simem_size_0:
called_computation.1_lowered:
.L_overlay_start_0:
0x88: {  	s2 =	sld [smem:$0x3FD9]  }
0x89: {  	s3 =	sld [smem:$0x3FFE];
	_ =	sdelay $0x1  }
0x8a: {  	s1 =	srdreg.scid  }
0x8b: {  	s0 =	sand.u32 $0x1, s1  }
0x8c: {  	s17 =	sshll.u32 s0, $0xA;
	s2 =	sadd.s32 s3, s2  }
0x8d: {  	s2 =	sadd.s32 s2, s17  }
0x8e: {  	[smem:$0x3FBF] =	sst s2  }
0x8f: {  	_ = 	snop  }
0x90: {  	s2 =	sld [smem:$0x3FC7]  }
0x91: {  	s18 =	sld [smem:$0x3FD0];
	(tm) =	ssettm $0x1  }
0x92: {  	s4 =	sld [smem:$0x3FFB];
	_ =	sdelay $0x3  }
0x93: {  	_ =	strace s4  }
0x94: {  	s4 =	sld [smem:$0x3FFC];
	_ =	sdelay $0x3  }
0x95: {  	_ =	strace s4  }
0x96: {  	s4 =	sld [smem:$0x3FFD];
	_ =	sdelay $0x3  }
0x97: {  	_ =	strace s4  }
0x98: {  	_ =	strace $0x8FFFFFFF  }
0x99: {  	s19 =	sld [smem:$0x3FDB];
	_ =	sdelay $0x1  }
0x9a: {  	s5 =	simm.s32 $_scs_section_size  }
0x9b: {  	s6 =	simm.s32 $_size__tile_overlayer_lowered;
	s7 =	simm.s32 $_tile_overlayer_lowered  }
0x9c: {  	s22 =	simm.s32 $0x1BFF;
	s21 =	sshll.u32 s7, $0x1;
	s4 =	sadd.s32 s5, s19  }
0x9d: {  	s8 =	simm.s32 $0x0;
	s20 =	sshll.u32 s6, $0x1;
	s6 =	sadd.s32 s21, s4  }
0x9e: {  	[timem:s8], [sflag:s22] =	dma.local [hbm:s6], s20  }
0x9f: {  	_ =	swait.ge [sflag:s22], s20  }
0xa0: {  	s5 =	ssub.s32 $0x0, s20;
	[sflag:s22] =	ssyncset.done $0x0  }
0xa1: {  	[sflag:s22] =	ssyncadd.s32 s5;
	_ =	sdelay $0x1  }
0xa2: {  	s23 =	simm.s32 $0x1B8B  }
0xa3: {  	_ =	swait.ge [sflag:s23], $0x1  }
0xa4: {  	[sflag:s23] =	ssyncset.done $0x0  }
0xa5: {  	s25 =	simm.s32 $0x1B8E;
	s24 =	sld [smem:$0x3FFE];
	[sflag:s23] =	ssyncadd.s32 $0xFFFFFFFF  }
0xa6: {  	s26 =	simm.s32 $execute0_lowered;
	[smem:$0x3FD2] =	sst s25  }
0xa7: {  	s6 =	sshll.u32 s26, $0x1;
	_ =	strace $0x80000049;
	[dreg:$0x1] =	wrdreg $0xFFFFFFFF  }
0xa8: {  	s28 =	simm.s32 $_size_execute0_lowered;
	s4 =	sadd.s32 s4, s6;
	[dreg:$0x0] =	wrdreg $0x0  }
0xa9: {  	s6 =	sshll.u32 s28, $0x1;
	[dreg:$0x2] =	wrdreg s4  }
0xaa: {  	[dreg:$0x3] =	wrdreg s6  }
0xab: {  	[dreg:$0x4] =	wrdreg $0xC0  }
0xac: {  	_ =	task [dreg:s8], $0x5FFFF  }
0xad: {  	[dreg:$0x1] =	wrdreg $0xFFFFFFFF  }
0xae: {  	[dreg:$0x0] =	wrdreg $0x60  }
0xaf: {  	[dreg:$0x2] =	wrdreg s24  }
0xb0: {  	[dreg:$0x3] =	wrdreg s2  }
0xb1: {  	[dreg:$0x4] =	wrdreg s18  }
0xb2: {  	[dreg:$0x5] =	wrdreg $0x0  }
0xb3: {  	[dreg:$0x6] =	wrdreg $0x9  }
0xb4: {  	_ =	task.clear_ibuf [dreg:s8], $0x7FFFF;
	_ =	strace $0x90000049  }
0xb5: {  	s29 =	simm.s32 $0x9;
	_ =	strace $0x8000004B  }
0xb6: {  	_ =	swait.ge [sflag:s29], $0x1  }
0xb7: {  	[sflag:s29] =	ssyncadd.s32 $0xFFFFFFFF  }
0xb8: {  	_ =	strace $0x9000004B  }
0xb9: {  	_ =	sfence  }
0xba: {  	s30 =	sld [smem:$0x0];
	_ =	sdelay $0x2  }
0xbb: {  	s31 =	sshll.u32 s1, $0xD;
	s1 =	sshrl.u32 s1, $0x2  }
0xbc: {  	s3 =	sand.u32 $0x4000, s31;
	s1 =	sadd.s32 s1, s30  }
0xbd: {  	s0 =	sor.u32 s3, s0;
	s1 =	sshll.u32 s1, $0x11  }
0xbe: {  	s0 =	sor.u32 s1, s0  }
0xbf: {  	s0 =	sadd.s32 $0x8F2B, s0  }
0xc0: {  	[sflag:s0] =	ssyncadd.remote.s32 $0x1  }
0xc1: {  	_ =	sfence.sel $0xFFFF  }
0xc2: {  	[dreg:$0x0] =	wrdreg $0xFFFFFFFF;
	(pc) =	sbr.abs _section_cstart, $3  }
0xc3: {  	[dreg:$0x1] =	wrdreg $0xFFFFFFFF  }
0xc4: {  	_ =	task.clear_ibuf [dreg:s8], $0x2FFFF;
	_ =	strace $0x9FFFFFFF  }
0xc5: {  	(tm) =	ssettm $0x7FFFFFFF  }
tec
execute0_lowered:
.L_overlay_start_1:
0x0: {  	(tag) =	ssettag $0x1  }
0x1: {  	s5 =	rddreg [dreg:$0x0]  }
0x2: {  	s9 =	rddreg [dreg:$0x1]  }
0x3: {  	s2 =	rddreg [dreg:$0x2];
	s0 =	stileid.u32  }
0x4: {  	s1 =	srdreg.scid;
	s3 =	rddreg [dreg:$0x3]  }
0x5: {  	s4 =	simm.s32 $0x0;
	s14 =	simm.s32 $0x40;
	s15 =	simm.s32 $0x18830  }
0x6: {  	s16 =	simm.s32 $0x190;
	s17 =	simm.s32 $0x0;
	s7 =	smul.u32 $0x186A0, s0  }
0x7: {  	s6 =	sand.u32 $0x1, s1;
	s1 =	rddreg [dreg:$0x4];
	s10 =	smul.u32 $0x61A80, s0  }
0x8: {  	[smem:$0x7FF] =	sst s4;
	s31 =	sshll.u32 s0, $0x6;
	s13 =	smul.u32 $0x186A, s0  }
0x9: {  	s8 =	smul.u32 $0x186A00, s6;
	s11 =	ssub.s32 $0x2, s6;
	_ =	strace $0x8000004A  }
0xa: {  	s6 =	sshll.u32 s6, $0x2;
	s12 =	sshrl.u32 s11, $0x1;
	s10 =	sadd.s32 s10, s5  }
0xb: {  	s30 =	sadd.s32 s7, s3;
	s9 =	sadd.s32 s13, s9;
	s13 =	simm.s32 $0x20  }
0xc: {  	s8 =	sadd.s32 s7, s8;
	s11 =	ssub.s32 s11, s12;
	s10 =	sadd.s32 s6, s10  }
0xd: {  	s12 =	simm.s32 $0x186A0;
	s8 =	sshrl.u32 s8, $0x3;
	s7 =	smax.u32 s11, $0x1  }
0xe: {  	s11 =	simm.s32 $0x1;
	s8 =	sadd.s32 s8, s5;
	s5 =	sor.u32 $0x1C01, s31  }
0xf: {  	s6 =	sadd.s32 $0xC9AA00, s8;
	s8 =	sadd.s32 $0x680200, s10;
	s10 =	sshrl.u32 s30, $0x3  }
.LBB2_1:
0x10: {  	[spmem:s10], [sflag:s5] =	dma.local [hbm:s2], $0x30D4  }
0x11: {  	_ =	swait.ge [sflag:s11], $0x30D4  }
0x12: {  	[sflag:s11] =	ssyncset.done $0x0  }
0x13: {  	[sflag:s11] =	ssyncadd.s32 $0xFFFFCF2C  }
0x14: {  	s18 =	sadd.s32 $0x0, s9;
	[bflag:$0x0] =	sbarrier.arrive $0xFFFF  }
0x15: {  	[tilespmem:s12], [sflag:$0x1] =	stream.linear.gather [hbm4b:s18+s4], $0x190, $0x38;
	[tilespmem:$0x1BA30] =	vst v63  }
0x16: {  	_ =	swait.ge [sflag:s11], $0x190  }
0x17: {  	[sflag:s11] =	ssyncset.done $0x0  }
0x18: {  	[sflag:s11] =	ssyncadd.s32 $0xFFFFFE70  }
0x19: {  	[tilespmem:s15], [sflag:$0x1] =	stream.strided.gather [hbm4b:s8+s13], $0x3200, s14, s13, $0x38;
	[tilespmem:$0x1BA30] =	vst v63  }
0x1a: {  	_ =	swait.ge [sflag:s11], $0x3200  }
0x1b: {  	[sflag:s11] =	ssyncset.done $0x0  }
0x1c: {  	[sflag:s11] =	ssyncadd.s32 $0xFFFFCE00  }
0x1d: {  	[spmem:s3] =	stream.indirect.scatter.add.f32 [tilespmem:s15], [sflag:$0x1], $0x20, s12, s16, $0xb8;
	[tilespmem:$0x1BA30] =	vst v63  }
0x1e: {  	s19 =	simm.s32 $0x32;
	_ =	swait.ge [sflag:s11], $0x3200  }
0x1f: {  	s20 =	simm.s32 $0x64;
	s18 =	sadd.s32 $0xC80, s8;
	[sflag:s11] =	ssyncset.done $0x0  }
.LBB2_2:
0x20: {  	s21 =	sadd.s32 s19, s9  }
0x21: {  	[sflag:s11] =	ssyncadd.s32 $0xFFFFCE00;
	s19 =	smov.u32 s20;
	s22 =	sadd.s32 $0x32, s20  }
0x22: {  	[tilespmem:s12], [sflag:$0x1] =	stream.linear.gather [hbm4b:s21+s4], $0x190, $0x38;
	[tilespmem:$0x1BA30] =	vst v63  }
0x23: {  	p0 =	sne.s32 s20, $0x1838;
	_ =	swait.ge [sflag:s11], $0x190  }
0x24: {  	[sflag:s11] =	ssyncset.done $0x0  }
0x25: {  	[sflag:s11] =	ssyncadd.s32 $0xFFFFFE70  }
0x26: {  	[tilespmem:s15], [sflag:$0x1] =	stream.strided.gather [hbm4b:s18+s13], $0x3200, s14, s13, $0x38;
	[tilespmem:$0x1BA30] =	vst v63  }
0x27: {  	_ =	swait.ge [sflag:s11], $0x3200  }
.Ltmp0:
0x28: {  	[sflag:s11] =	ssyncset.done $0x0;
	(pc) =	sbr.rel @p0 .LBB2_2-.Ltmp0, $4  }
0x29: {  	[sflag:s11] =	ssyncadd.s32 $0xFFFFCE00  }
0x2a: {  	[spmem:s3] =	stream.indirect.scatter.add.f32 [tilespmem:s15], [sflag:$0x1], $0x20, s12, s16, $0xb8;
	[tilespmem:$0x1BA30] =	vst v63  }
0x2b: {  	_ =	swait.ge [sflag:s11], $0x3200  }
0x2c: {  	s20 =	smov.u32 s22;
	s18 =	sadd.s32 $0xC80, s18;
	[sflag:s11] =	ssyncset.done $0x0  }
0x2d: {  	s19 =	sadd.s32 s19, s9;
	[sflag:s11] =	ssyncadd.s32 $0xFFFFCE00  }
0x2e: {  	[tilespmem:s12], [sflag:$0x1] =	stream.linear.gather [hbm4b:s19+s4], $0x190, $0x38;
	[tilespmem:$0x1BA30] =	vst v63  }
0x2f: {  	_ =	swait.ge [sflag:s11], $0x190  }
0x30: {  	[sflag:s11] =	ssyncset.done $0x0  }
0x31: {  	[sflag:s11] =	ssyncadd.s32 $0xFFFFFE70  }
0x32: {  	[tilespmem:s15], [sflag:$0x1] =	stream.strided.gather [hbm4b:s18+s13], $0x3200, s14, s13, $0x38;
	[tilespmem:$0x1BA30] =	vst v63  }
0x33: {  	_ =	swait.ge [sflag:s11], $0x3200  }
0x34: {  	[sflag:s11] =	ssyncset.done $0x0  }
0x35: {  	[sflag:s11] =	ssyncadd.s32 $0xFFFFCE00  }
0x36: {  	[spmem:s3] =	stream.indirect.scatter.add.f32 [tilespmem:s15], [sflag:$0x1], $0x20, s12, s16, $0xb8;
	[tilespmem:$0x1BA30] =	vst v63  }
0x37: {  	_ =	swait.ge [sflag:s11], $0x3200  }
0x38: {  	s17 =	sadd.s32 $0x1, s17;
	[sflag:s11] =	ssyncset.done $0x0  }
0x39: {  	p0 =	sne.s32 s17, s7;
	[sflag:s11] =	ssyncadd.s32 $0xFFFFCE00  }
.Ltmp1:
0x3a: {  	[bflag:$0x0] =	sbarrier.arrive $0xFFFF;
	(pc) =	sbr.rel @p0 .LBB2_1-.Ltmp1, $4  }
0x3b: {  	[hbm:s6], [sflag:s5] =	dma.local [spmem:s10], $0x30D4  }
0x3c: {  	_ =	swait.ge [sflag:s11], $0x30D4  }
0x3d: {  	[sflag:s11] =	ssyncset.done $0x0  }
0x3e: {  	[sflag:s11] =	ssyncadd.s32 $0xFFFFCF2C  }
0x3f: {  	_ =	sfence.sel $0x180000  }
0x40: {  	[bflag:$0x0] =	sbarrier.arrive $0xFFFF  }
0x41: {  	p0 =	sne.s32 s0, $0x0;
	_ =	strace $0x9000004A  }
0x42: {  	s0 =	sadd.s32 @!p0 $0x100000, s1;
	[bflag:$0x2] =	sbarrier.arrive $0xFFFF  }
0x43: {  	[sflag:s0] =	ssyncadd.tile.s32 @!p0 $0x1;
	_ =	shalt  }
.Lfunc_end2:
_tile_overlayer_lowered:
.L_overlay_start_2:
0x44: {  	(tag) =	ssettag $0x2  }
0x45: {  	s0 =	rddreg [dreg:$0x0];
	s2 =	stileid.u32  }
0x46: {  	s1 =	rddreg [dreg:$0x1];
	p0 =	sne.s32 s2, $0x0  }
0x47: {  	s3 =	rddreg [dreg:$0x2];
	[bflag:$0x3] =	sbarrier.arrive $0xFFFF;
	s2 =	simm.s32 @!p0 $0x1C01  }
0x48: {  	[timem:s3], [sflag:s2] =	dma.local @!p0 [hbm:s0], s1  }
0x49: {  	s0 =	simm.s32 @!p0 $0x1  }
0x4a: {  	_ =	swait.ge @!p0 [sflag:s0], s1  }
0x4b: {  	s1 =	ssub.s32 @!p0 $0x0, s1;
	[sflag:s0] =	ssyncset.done @!p0 $0x0  }
0x4c: {  	[sflag:s0] =	ssyncadd.s32 @!p0 s1  }
0x4d: {  	[bflag:$0x3] =	sbarrier.arrive $0xFFFF  }
0x4e: {  	_ =	shalt  }

// kernel: kernel.28.cloned.1.call-start
scs
__scs_entry_jumppad:
0x0: {  	(pc) =	sbr.rel $0x88, $3  }
0x1: {  	(tag) =	ssettag $0x0;
	lr =	simm.s32 $0x1  }
0x2: {  	[smem:$0x3F98] =	sst lr;
	_ =	strace $0xD0000000  }
0x3: {  	_ = 	snop  }
0x4: {  	_ = 	snop  }
0x5: {  	_ = 	snop  }
0x6: {  	_ = 	snop  }
0x7: {  	_ = 	snop  }
__scs_overlays_trampoline_lowered:
0x8: {  	[smem:$0x3FA7] =	sst s0  }
0x9: {  	[smem:$0x3FA8] =	sst s1  }
0xa: {  	[smem:$0x3FA9] =	sst s2  }
0xb: {  	[smem:$0x3FAA] =	sst s3  }
0xc: {  	[smem:$0x3FAB] =	sst s4  }
0xd: {  	[smem:$0x3FAC] =	sst s5  }
0xe: {  	[smem:$0x3FAD] =	sst s6  }
0xf: {  	[smem:$0x3FAE] =	sst s7  }
0x10: {  	[smem:$0x3FAF] =	sst s8  }
0x11: {  	[smem:$0x3FB0] =	sst s9;
	s0 =	simm.s32 @!p0 $0x0  }
0x12: {  	s1 =	sld [smem:$0x3F96];
	s0 =	simm.s32 @p0 $0x1  }
0x13: {  	[smem:$0x3FB1] =	sst s0;
	s0 =	simm.s32 @!p1 $0x0  }
0x14: {  	s2 =	sld [smem:$0x3F95];
	s0 =	simm.s32 @p1 $0x1  }
0x15: {  	[smem:$0x3FB2] =	sst s0;
	s0 =	simm.s32 @!p2 $0x0  }
0x16: {  	s3 =	sld [smem:$0x3FDB];
	s0 =	simm.s32 @p2 $0x1  }
0x17: {  	s4 =	simm.s32 $0x1BF5;
	[smem:$0x3FB4] =	sst s0  }
0x18: {  	s0 =	sld [smem:$0x3F97];
	_ =	swait.ge [sflag:s4], $0x0  }
0x19: {  	s7 =	sld [smem:$0x3F98]  }
0x1a: {  	s8 =	sadd.s32 $0xFFFFE003, lr  }
0x1b: {  	s9 =	sadd.s32 $0xFFFFFEF7, lr;
	s5 =	simm.s32 $0xFFFFFFFF;
	p2 =	slt.u32 s8, $0xFFFFF086  }
0x1c: {  	p1 =	slt.u32 s9, $0xF7A;
	s5 =	simm.s32 @!p2 $0x0  }
0x1d: {  	s5 =	simm.s32 @p1 $0x1;
	p0 =	seq.s32 s7, s2  }
0x1e: {  	s7 =	smul.u32 @!p0 $0xF7A, s2;
	p2 =	seq.s32 @!p0 s5, $0x0  }
0x1f: {  	s9 =	smul.u32 $0xF7A, s1;
	s8 =	simm.s32 @!p0 $0x1BF5;
	p2 =	por !p2, p0  }
0x20: {  	[sflag:s8] =	ssyncset.s32 @!p0 $0xFFFFF086;
	s6 =	sadd.s32 @!p0 s3, s7;
	s7 =	simm.s32 @!p0 $0x108  }
0x21: {  	s3 =	sadd.s32 s3, s9;
	s6 =	sadd.s32 @!p0 $0x88, s6;
	s7 =	simm.s32 @p2 $0x1082  }
0x22: {  	[simem:s7], [sflag:s8] =	dma.local @!p0 [hbm:s6], $0xF7A  }
0x23: {  	s9 =	sor.u32 $0xD0000000, s2;
	s6 =	simm.s32 $0x108;
	_ =	swait.ge @!p0 [sflag:s8], $0x0  }
0x24: {  	s3 =	sadd.s32 $0x88, s3;
	s6 =	simm.s32 @!p1 $0x1082;
	[sflag:s4] =	ssyncset.s32 $0xFFFFF086  }
0x25: {  	[simem:s6], [sflag:s4] =	dma.local [hbm:s3], $0xF7A  }
0x26: {  	[smem:$0x3F98] =	sst s1;
	(tag) =	ssettag s2;
	_ =	strace s9  }
0x27: {  	s1 =	sld [smem:$0x3FA8]  }
0x28: {  	s2 =	sld [smem:$0x3FA9]  }
0x29: {  	s4 =	sld [smem:$0x3FAB]  }
0x2a: {  	p0 =	seq.s32 s5, $0x0;
	s5 =	sld [smem:$0x3FAC]  }
0x2b: {  	s6 =	sld [smem:$0x3FAD]  }
0x2c: {  	s7 =	sld [smem:$0x3FAE]  }
0x2d: {  	s3 =	simm.s32 $0x108;
	s8 =	sld [smem:$0x3FAF]  }
0x2e: {  	s3 =	simm.s32 @!p0 $0x1082;
	s9 =	sld [smem:$0x3FB0]  }
0x2f: {  	lr =	sadd.s32 s0, s3;
	s0 =	sld [smem:$0x3FA7]  }
0x30: {  	s3 =	sld [smem:$0x3FAA]  }
0x31: {  	[smem:$0x3FB3] =	sst s10  }
0x32: {  	s10 =	sld [smem:$0x3FB1];
	_ =	sdelay $0x3  }
0x33: {  	p0 =	seq.s32 s10, $0x1;
	s10 =	sld [smem:$0x3FB3];
	_ =	sdelay $0x3  }
0x34: {  	[smem:$0x3FB3] =	sst s10  }
0x35: {  	s10 =	sld [smem:$0x3FB2];
	_ =	sdelay $0x3  }
0x36: {  	p1 =	seq.s32 s10, $0x1;
	s10 =	sld [smem:$0x3FB3];
	_ =	sdelay $0x3  }
0x37: {  	[smem:$0x3FB3] =	sst s10  }
0x38: {  	s10 =	sld [smem:$0x3FB4]  }
0x39: {  	_ = 	snop;
	(pc) =	sbr.ind lr, $3  }
0x3a: {  	_ = 	snop  }
0x3b: {  	_ = 	snop  }
0x3c: {  	p2 =	seq.s32 s10, $0x1;
	s10 =	sld [smem:$0x3FB3]  }
0x3d: {  	_ =	shalt  }
0x3e: {  	_ =	shalt  }
0x3f: {  	_ =	shalt  }
0x40: {  	_ =	shalt  }
0x41: {  	_ =	shalt  }
0x42: {  	_ =	shalt  }
0x43: {  	_ =	shalt  }
0x44: {  	_ =	shalt  }
0x45: {  	_ =	shalt  }
0x46: {  	_ =	shalt  }
0x47: {  	_ =	shalt  }
0x48: {  	_ =	shalt  }
0x49: {  	_ =	shalt  }
0x4a: {  	_ =	shalt  }
0x4b: {  	_ =	shalt  }
0x4c: {  	_ =	shalt  }
0x4d: {  	_ =	shalt  }
0x4e: {  	_ =	shalt  }
0x4f: {  	_ =	shalt  }
0x50: {  	_ =	shalt  }
0x51: {  	_ =	shalt  }
0x52: {  	_ =	shalt  }
0x53: {  	_ =	shalt  }
0x54: {  	_ =	shalt  }
0x55: {  	_ =	shalt  }
0x56: {  	_ =	shalt  }
0x57: {  	_ =	shalt  }
0x58: {  	_ =	shalt  }
0x59: {  	_ =	shalt  }
0x5a: {  	_ =	shalt  }
0x5b: {  	_ =	shalt  }
0x5c: {  	_ =	shalt  }
0x5d: {  	_ =	shalt  }
0x5e: {  	_ =	shalt  }
0x5f: {  	_ =	shalt  }
0x60: {  	_ =	shalt  }
0x61: {  	_ =	shalt  }
0x62: {  	_ =	shalt  }
0x63: {  	_ =	shalt  }
0x64: {  	_ =	shalt  }
0x65: {  	_ =	shalt  }
0x66: {  	_ =	shalt  }
0x67: {  	_ =	shalt  }
0x68: {  	_ =	shalt  }
0x69: {  	_ =	shalt  }
0x6a: {  	_ =	shalt  }
0x6b: {  	_ =	shalt  }
0x6c: {  	_ =	shalt  }
0x6d: {  	_ =	shalt  }
0x6e: {  	_ =	shalt  }
0x6f: {  	_ =	shalt  }
0x70: {  	_ =	shalt  }
0x71: {  	_ =	shalt  }
0x72: {  	_ =	shalt  }
0x73: {  	_ =	shalt  }
0x74: {  	_ =	shalt  }
0x75: {  	_ =	shalt  }
0x76: {  	_ =	shalt  }
0x77: {  	_ =	shalt  }
0x78: {  	_ =	shalt  }
0x79: {  	_ =	shalt  }
0x7a: {  	_ =	shalt  }
0x7b: {  	_ =	shalt  }
0x7c: {  	_ =	shalt  }
0x7d: {  	_ =	shalt  }
0x7e: {  	_ =	shalt  }
0x7f: {  	_ =	shalt  }
0x80: {  	_ =	shalt  }
0x81: {  	_ =	shalt  }
0x82: {  	_ =	shalt  }
0x83: {  	_ =	shalt  }
0x84: {  	_ =	shalt  }
0x85: {  	_ =	shalt  }
0x86: {  	_ =	shalt  }
0x87: {  	_ =	shalt  }
.Lfunc_end0:
.L_simem_size_0:
called_computation.2_lowered:
.L_overlay_start_0:
0x88: {  	s2 =	sld [smem:$0x3FD9]  }
0x89: {  	s3 =	sld [smem:$0x3FFE];
	_ =	sdelay $0x1  }
0x8a: {  	s1 =	srdreg.scid  }
0x8b: {  	s0 =	sand.u32 $0x1, s1  }
0x8c: {  	s17 =	sshll.u32 s0, $0xA;
	s2 =	sadd.s32 s3, s2  }
0x8d: {  	s2 =	sadd.s32 s2, s17  }
0x8e: {  	[smem:$0x3FBF] =	sst s2  }
0x8f: {  	_ = 	snop  }
0x90: {  	s2 =	sld [smem:$0x3FC8];
	(tm) =	ssettm $0x1  }
0x91: {  	s18 =	sld [smem:$0x3FFB];
	_ =	sdelay $0x3  }
0x92: {  	_ =	strace s18  }
0x93: {  	s3 =	sld [smem:$0x3FFC];
	_ =	sdelay $0x3  }
0x94: {  	_ =	strace s3  }
0x95: {  	s3 =	sld [smem:$0x3FFD];
	_ =	sdelay $0x3  }
0x96: {  	_ =	strace s3  }
0x97: {  	_ =	strace $0x8FFFFFFF  }
0x98: {  	s19 =	sld [smem:$0x3FDB];
	_ =	sdelay $0x1  }
0x99: {  	s4 =	simm.s32 $_scs_section_size  }
0x9a: {  	s5 =	simm.s32 $_size__tile_overlayer_lowered;
	s6 =	simm.s32 $_tile_overlayer_lowered  }
0x9b: {  	s22 =	simm.s32 $0x1BFF;
	s21 =	sshll.u32 s6, $0x1;
	s3 =	sadd.s32 s4, s19  }
0x9c: {  	s7 =	simm.s32 $0x0;
	s20 =	sshll.u32 s5, $0x1;
	s5 =	sadd.s32 s21, s3  }
0x9d: {  	[timem:s7], [sflag:s22] =	dma.local [hbm:s5], s20  }
0x9e: {  	_ =	swait.ge [sflag:s22], s20  }
0x9f: {  	s4 =	ssub.s32 $0x0, s20;
	[sflag:s22] =	ssyncset.done $0x0  }
0xa0: {  	[sflag:s22] =	ssyncadd.s32 s4;
	_ =	sdelay $0x1  }
0xa1: {  	s23 =	simm.s32 $0x1B8B  }
0xa2: {  	_ =	swait.ge [sflag:s23], $0x1  }
0xa3: {  	[sflag:s23] =	ssyncset.done $0x0  }
0xa4: {  	s25 =	simm.s32 $0x1B8E;
	s24 =	sld [smem:$0x3FFE];
	[sflag:s23] =	ssyncadd.s32 $0xFFFFFFFF  }
0xa5: {  	s26 =	simm.s32 $execute0_lowered;
	[smem:$0x3FD2] =	sst s25  }
0xa6: {  	s5 =	sshll.u32 s26, $0x1;
	_ =	strace $0x8000004C;
	[dreg:$0x1] =	wrdreg $0xFFFFFFFF  }
0xa7: {  	s28 =	simm.s32 $_size_execute0_lowered;
	s3 =	sadd.s32 s3, s5;
	[dreg:$0x0] =	wrdreg $0x0  }
0xa8: {  	s5 =	sshll.u32 s28, $0x1;
	[dreg:$0x2] =	wrdreg s3  }
0xa9: {  	[dreg:$0x3] =	wrdreg s5  }
0xaa: {  	[dreg:$0x4] =	wrdreg $0xC0  }
0xab: {  	_ =	task [dreg:s7], $0x5FFFF  }
0xac: {  	[dreg:$0x1] =	wrdreg $0xFFFFFFFF  }
0xad: {  	[dreg:$0x0] =	wrdreg $0x60  }
0xae: {  	[dreg:$0x2] =	wrdreg s24  }
0xaf: {  	[dreg:$0x3] =	wrdreg s2  }
0xb0: {  	[dreg:$0x4] =	wrdreg $0x9  }
0xb1: {  	_ =	task.clear_ibuf [dreg:s7], $0x5FFFF;
	_ =	strace $0x9000004C  }
0xb2: {  	s29 =	simm.s32 $0x9;
	_ =	strace $0x8000004E  }
0xb3: {  	_ =	swait.ge [sflag:s29], $0x1  }
0xb4: {  	[sflag:s29] =	ssyncadd.s32 $0xFFFFFFFF  }
0xb5: {  	_ =	strace $0x9000004E  }
0xb6: {  	_ =	sfence  }
0xb7: {  	s30 =	sld [smem:$0x0];
	_ =	sdelay $0x2  }
0xb8: {  	s31 =	sshll.u32 s1, $0xD;
	s1 =	sshrl.u32 s1, $0x2  }
0xb9: {  	s3 =	sand.u32 $0x4000, s31;
	s1 =	sadd.s32 s1, s30  }
0xba: {  	s0 =	sor.u32 s3, s0;
	s1 =	sshll.u32 s1, $0x11  }
0xbb: {  	s0 =	sor.u32 s1, s0  }
0xbc: {  	s0 =	sadd.s32 $0x8F2B, s0  }
0xbd: {  	[sflag:s0] =	ssyncadd.remote.s32 $0x1  }
0xbe: {  	_ =	sfence.sel $0xFFFF  }
0xbf: {  	[dreg:$0x0] =	wrdreg $0xFFFFFFFF;
	(pc) =	sbr.abs _section_cstart, $3  }
0xc0: {  	[dreg:$0x1] =	wrdreg $0xFFFFFFFF  }
0xc1: {  	_ =	task.clear_ibuf [dreg:s7], $0x2FFFF;
	_ =	strace $0x9FFFFFFF  }
0xc2: {  	(tm) =	ssettm $0x7FFFFFFF  }
0xc3: {  	_ =	shalt  }
tec
execute0_lowered:
.L_overlay_start_1:
0x0: {  	(tag) =	ssettag $0x1  }
0x1: {  	s3 =	rddreg [dreg:$0x0]  }
0x2: {  	s6 =	rddreg [dreg:$0x1]  }
0x3: {  	s0 =	rddreg [dreg:$0x2];
	s1 =	stileid.u32  }
0x4: {  	s2 =	simm.s32 $0x0;
	s5 =	srdreg.scid;
	s4 =	smul.u32 $0x61A80, s1  }
0x5: {  	[smem:$0x7FF] =	sst s2;
	s5 =	sand.u32 $0x1, s5;
	s7 =	smul.u32 $0xC350, s1  }
0x6: {  	_ =	strace $0x8000004D;
	s8 =	ssub.s32 $0x2, s5;
	s9 =	smul.u32 $0x61A8, s5  }
0x7: {  	s5 =	smul.u32 $0x30D40, s5;
	s10 =	sadd.s32 s4, s3;
	s31 =	sshrl.u32 s8, $0x1  }
0x8: {  	s3 =	sadd.s32 $0x10CD200, s3;
	s4 =	ssub.s32 s8, s31;
	s7 =	sadd.s32 s9, s7  }
0x9: {  	s5 =	sadd.s32 s5, s10;
	s8 =	simm.s32 $0x3E8;
	s9 =	simm.s32 $0x1  }
0xa: {  	s10 =	simm.s32 $0x0;
	s4 =	smax.u32 s4, $0x1;
	s7 =	sshrl.u32 s7, $0x3  }
0xb: {  	s5 =	sadd.s32 $0x3E00, s5;
	s6 =	sadd.s32 s7, s6;
	s7 =	simm.s32 $0x2  }
.LBB2_1:
0xc: {  	s11 =	sadd.s32 $0x0, s6  }
0xd: {  	[tilespmem:s2], [sflag:$0x2] =	stream.linear.gather [hbm4b:s11+s2], $0x3E8, $0x38;
	[tilespmem:$0xFDE8] =	vst v63  }
0xe: {  	_ =	swait.ge [sflag:s7], $0x3E8  }
0xf: {  	[sflag:s7] =	ssyncset.done $0x0  }
0x10: {  	[sflag:s7] =	ssyncadd.s32 $0xFFFFFC18  }
0x11: {  	[tilespmem:s8], [sflag:$0x1] =	stream.indirect.gather [hbm4b:s3+s8], $0x40, s2, s8, $0xb8;
	[tilespmem:$0xFDE8] =	vst v63  }
0x12: {  	_ =	swait.ge [sflag:s9], $0xFA00  }
0x13: {  	[sflag:s9] =	ssyncset.done $0x0  }
0x14: {  	[sflag:s9] =	ssyncadd.s32 $0xFFFF0600  }
0x15: {  	[hbm4b:s5+s2] =	stream.linear.scatter [tilespmem:s8], [sflag:$0x2], $0xFA00, $0x38;
	[tilespmem:$0xFDE8] =	vst v63  }
0x16: {  	s12 =	simm.s32 $0x7D;
	_ =	swait.ge [sflag:s7], $0xFA00  }
0x17: {  	s13 =	simm.s32 $0xFA;
	s11 =	sadd.s32 $0x1F40, s5;
	[sflag:s7] =	ssyncset.done $0x0  }
.LBB2_2:
0x18: {  	s14 =	sadd.s32 s12, s6  }
0x19: {  	[sflag:s7] =	ssyncadd.s32 $0xFFFF0600;
	s12 =	smov.u32 s13;
	s15 =	sadd.s32 $0x7D, s13  }
0x1a: {  	[tilespmem:s2], [sflag:$0x2] =	stream.linear.gather [hbm4b:s14+s2], $0x3E8, $0x38;
	[tilespmem:$0xFDE8] =	vst v63  }
0x1b: {  	p0 =	sne.s32 s13, $0xBB8;
	_ =	swait.ge [sflag:s7], $0x3E8  }
0x1c: {  	[sflag:s7] =	ssyncset.done $0x0  }
0x1d: {  	[sflag:s7] =	ssyncadd.s32 $0xFFFFFC18  }
0x1e: {  	[tilespmem:s8], [sflag:$0x1] =	stream.indirect.gather [hbm4b:s3+s8], $0x40, s2, s8, $0xb8;
	[tilespmem:$0xFDE8] =	vst v63  }
0x1f: {  	_ =	swait.ge [sflag:s9], $0xFA00  }
.Ltmp0:
0x20: {  	[sflag:s9] =	ssyncset.done $0x0;
	(pc) =	sbr.rel @p0 .LBB2_2-.Ltmp0, $4  }
0x21: {  	[sflag:s9] =	ssyncadd.s32 $0xFFFF0600  }
0x22: {  	[hbm4b:s11+s2] =	stream.linear.scatter [tilespmem:s8], [sflag:$0x2], $0xFA00, $0x38;
	[tilespmem:$0xFDE8] =	vst v63  }
0x23: {  	_ =	swait.ge [sflag:s7], $0xFA00  }
0x24: {  	s13 =	smov.u32 s15;
	s11 =	sadd.s32 $0x1F40, s11;
	[sflag:s7] =	ssyncset.done $0x0  }
0x25: {  	s12 =	sadd.s32 s12, s6;
	[sflag:s7] =	ssyncadd.s32 $0xFFFF0600  }
0x26: {  	[tilespmem:s2], [sflag:$0x2] =	stream.linear.gather [hbm4b:s12+s2], $0x3E8, $0x38;
	[tilespmem:$0xFDE8] =	vst v63  }
0x27: {  	_ =	swait.ge [sflag:s7], $0x3E8  }
0x28: {  	[sflag:s7] =	ssyncset.done $0x0  }
0x29: {  	[sflag:s7] =	ssyncadd.s32 $0xFFFFFC18  }
0x2a: {  	[tilespmem:s8], [sflag:$0x1] =	stream.indirect.gather [hbm4b:s3+s8], $0x40, s2, s8, $0xb8;
	[tilespmem:$0xFDE8] =	vst v63  }
0x2b: {  	s10 =	sadd.s32 $0x1, s10;
	_ =	swait.ge [sflag:s9], $0xFA00  }
0x2c: {  	p0 =	sne.s32 s10, s4;
	[sflag:s9] =	ssyncset.done $0x0  }
.Ltmp1:
0x2d: {  	[sflag:s9] =	ssyncadd.s32 $0xFFFF0600;
	(pc) =	sbr.rel @p0 .LBB2_1-.Ltmp1, $4  }
0x2e: {  	[hbm4b:s11+s2] =	stream.linear.scatter [tilespmem:s8], [sflag:$0x2], $0xFA00, $0x38;
	[tilespmem:$0xFDE8] =	vst v63  }
0x2f: {  	_ =	swait.ge [sflag:s7], $0xFA00  }
0x30: {  	[sflag:s7] =	ssyncset.done $0x0  }
0x31: {  	[sflag:s7] =	ssyncadd.s32 $0xFFFF0600  }
0x32: {  	_ =	sfence.sel $0x180000  }
0x33: {  	[bflag:$0x0] =	sbarrier.arrive $0xFFFF  }
0x34: {  	p0 =	sne.s32 s1, $0x0;
	_ =	strace $0x9000004D  }
0x35: {  	s0 =	sadd.s32 @!p0 $0x100000, s0;
	[bflag:$0x2] =	sbarrier.arrive $0xFFFF  }
0x36: {  	[sflag:s0] =	ssyncadd.tile.s32 @!p0 $0x1;
	_ =	shalt  }
.Lfunc_end2:
_tile_overlayer_lowered:
.L_overlay_start_2:
0x37: {  	(tag) =	ssettag $0x2  }
0x38: {  	s0 =	rddreg [dreg:$0x0];
	s2 =	stileid.u32  }
0x39: {  	s1 =	rddreg [dreg:$0x1];
	p0 =	sne.s32 s2, $0x0  }
0x3a: {  	s3 =	rddreg [dreg:$0x2];
	[bflag:$0x3] =	sbarrier.arrive $0xFFFF;
	s2 =	simm.s32 @!p0 $0x1C02  }
0x3b: {  	[timem:s3], [sflag:s2] =	dma.local @!p0 [hbm:s0], s1  }
0x3c: {  	s0 =	simm.s32 @!p0 $0x2  }
0x3d: {  	_ =	swait.ge @!p0 [sflag:s0], s1  }
0x3e: {  	s1 =	ssub.s32 @!p0 $0x0, s1;
	[sflag:s0] =	ssyncset.done @!p0 $0x0  }
0x3f: {  	[sflag:s0] =	ssyncadd.s32 @!p0 s1  }
0x40: {  	[bflag:$0x3] =	sbarrier.arrive $0xFFFF  }
0x41: {  	_ =	shalt  }

// kernel: kernel.31.cloned.1.call-start
scs
__scs_entry_jumppad:
0x0: {  	(pc) =	sbr.rel $0x88, $3  }
0x1: {  	(tag) =	ssettag $0x0;
	lr =	simm.s32 $0x1  }
0x2: {  	[smem:$0x3F98] =	sst lr;
	_ =	strace $0xD0000000  }
0x3: {  	_ = 	snop  }
0x4: {  	_ = 	snop  }
0x5: {  	_ = 	snop  }
0x6: {  	_ = 	snop  }
0x7: {  	_ = 	snop  }
__scs_overlays_trampoline_lowered:
0x8: {  	[smem:$0x3FA7] =	sst s0  }
0x9: {  	[smem:$0x3FA8] =	sst s1  }
0xa: {  	[smem:$0x3FA9] =	sst s2  }
0xb: {  	[smem:$0x3FAA] =	sst s3  }
0xc: {  	[smem:$0x3FAB] =	sst s4  }
0xd: {  	[smem:$0x3FAC] =	sst s5  }
0xe: {  	[smem:$0x3FAD] =	sst s6  }
0xf: {  	[smem:$0x3FAE] =	sst s7  }
0x10: {  	[smem:$0x3FAF] =	sst s8  }
0x11: {  	[smem:$0x3FB0] =	sst s9;
	s0 =	simm.s32 @!p0 $0x0  }
0x12: {  	s1 =	sld [smem:$0x3F96];
	s0 =	simm.s32 @p0 $0x1  }
0x13: {  	[smem:$0x3FB1] =	sst s0;
	s0 =	simm.s32 @!p1 $0x0  }
0x14: {  	s2 =	sld [smem:$0x3F95];
	s0 =	simm.s32 @p1 $0x1  }
0x15: {  	[smem:$0x3FB2] =	sst s0;
	s0 =	simm.s32 @!p2 $0x0  }
0x16: {  	s3 =	sld [smem:$0x3FDB];
	s0 =	simm.s32 @p2 $0x1  }
0x17: {  	s4 =	simm.s32 $0x1BF5;
	[smem:$0x3FB4] =	sst s0  }
0x18: {  	s0 =	sld [smem:$0x3F97];
	_ =	swait.ge [sflag:s4], $0x0  }
0x19: {  	s7 =	sld [smem:$0x3F98]  }
0x1a: {  	s8 =	sadd.s32 $0xFFFFE003, lr  }
0x1b: {  	s9 =	sadd.s32 $0xFFFFFEF7, lr;
	s5 =	simm.s32 $0xFFFFFFFF;
	p2 =	slt.u32 s8, $0xFFFFF086  }
0x1c: {  	p1 =	slt.u32 s9, $0xF7A;
	s5 =	simm.s32 @!p2 $0x0  }
0x1d: {  	s5 =	simm.s32 @p1 $0x1;
	p0 =	seq.s32 s7, s2  }
0x1e: {  	s7 =	smul.u32 @!p0 $0xF7A, s2;
	p2 =	seq.s32 @!p0 s5, $0x0  }
0x1f: {  	s9 =	smul.u32 $0xF7A, s1;
	s8 =	simm.s32 @!p0 $0x1BF5;
	p2 =	por !p2, p0  }
0x20: {  	[sflag:s8] =	ssyncset.s32 @!p0 $0xFFFFF086;
	s6 =	sadd.s32 @!p0 s3, s7;
	s7 =	simm.s32 @!p0 $0x108  }
0x21: {  	s3 =	sadd.s32 s3, s9;
	s6 =	sadd.s32 @!p0 $0x88, s6;
	s7 =	simm.s32 @p2 $0x1082  }
0x22: {  	[simem:s7], [sflag:s8] =	dma.local @!p0 [hbm:s6], $0xF7A  }
0x23: {  	s9 =	sor.u32 $0xD0000000, s2;
	s6 =	simm.s32 $0x108;
	_ =	swait.ge @!p0 [sflag:s8], $0x0  }
0x24: {  	s3 =	sadd.s32 $0x88, s3;
	s6 =	simm.s32 @!p1 $0x1082;
	[sflag:s4] =	ssyncset.s32 $0xFFFFF086  }
0x25: {  	[simem:s6], [sflag:s4] =	dma.local [hbm:s3], $0xF7A  }
0x26: {  	[smem:$0x3F98] =	sst s1;
	(tag) =	ssettag s2;
	_ =	strace s9  }
0x27: {  	s1 =	sld [smem:$0x3FA8]  }
0x28: {  	s2 =	sld [smem:$0x3FA9]  }
0x29: {  	s4 =	sld [smem:$0x3FAB]  }
0x2a: {  	p0 =	seq.s32 s5, $0x0;
	s5 =	sld [smem:$0x3FAC]  }
0x2b: {  	s6 =	sld [smem:$0x3FAD]  }
0x2c: {  	s7 =	sld [smem:$0x3FAE]  }
0x2d: {  	s3 =	simm.s32 $0x108;
	s8 =	sld [smem:$0x3FAF]  }
0x2e: {  	s3 =	simm.s32 @!p0 $0x1082;
	s9 =	sld [smem:$0x3FB0]  }
0x2f: {  	lr =	sadd.s32 s0, s3;
	s0 =	sld [smem:$0x3FA7]  }
0x30: {  	s3 =	sld [smem:$0x3FAA]  }
0x31: {  	[smem:$0x3FB3] =	sst s10  }
0x32: {  	s10 =	sld [smem:$0x3FB1];
	_ =	sdelay $0x3  }
0x33: {  	p0 =	seq.s32 s10, $0x1;
	s10 =	sld [smem:$0x3FB3];
	_ =	sdelay $0x3  }
0x34: {  	[smem:$0x3FB3] =	sst s10  }
0x35: {  	s10 =	sld [smem:$0x3FB2];
	_ =	sdelay $0x3  }
0x36: {  	p1 =	seq.s32 s10, $0x1;
	s10 =	sld [smem:$0x3FB3];
	_ =	sdelay $0x3  }
0x37: {  	[smem:$0x3FB3] =	sst s10  }
0x38: {  	s10 =	sld [smem:$0x3FB4]  }
0x39: {  	_ = 	snop;
	(pc) =	sbr.ind lr, $3  }
0x3a: {  	_ = 	snop  }
0x3b: {  	_ = 	snop  }
0x3c: {  	p2 =	seq.s32 s10, $0x1;
	s10 =	sld [smem:$0x3FB3]  }
0x3d: {  	_ =	shalt  }
0x3e: {  	_ =	shalt  }
0x3f: {  	_ =	shalt  }
0x40: {  	_ =	shalt  }
0x41: {  	_ =	shalt  }
0x42: {  	_ =	shalt  }
0x43: {  	_ =	shalt  }
0x44: {  	_ =	shalt  }
0x45: {  	_ =	shalt  }
0x46: {  	_ =	shalt  }
0x47: {  	_ =	shalt  }
0x48: {  	_ =	shalt  }
0x49: {  	_ =	shalt  }
0x4a: {  	_ =	shalt  }
0x4b: {  	_ =	shalt  }
0x4c: {  	_ =	shalt  }
0x4d: {  	_ =	shalt  }
0x4e: {  	_ =	shalt  }
0x4f: {  	_ =	shalt  }
0x50: {  	_ =	shalt  }
0x51: {  	_ =	shalt  }
0x52: {  	_ =	shalt  }
0x53: {  	_ =	shalt  }
0x54: {  	_ =	shalt  }
0x55: {  	_ =	shalt  }
0x56: {  	_ =	shalt  }
0x57: {  	_ =	shalt  }
0x58: {  	_ =	shalt  }
0x59: {  	_ =	shalt  }
0x5a: {  	_ =	shalt  }
0x5b: {  	_ =	shalt  }
0x5c: {  	_ =	shalt  }
0x5d: {  	_ =	shalt  }
0x5e: {  	_ =	shalt  }
0x5f: {  	_ =	shalt  }
0x60: {  	_ =	shalt  }
0x61: {  	_ =	shalt  }
0x62: {  	_ =	shalt  }
0x63: {  	_ =	shalt  }
0x64: {  	_ =	shalt  }
0x65: {  	_ =	shalt  }
0x66: {  	_ =	shalt  }
0x67: {  	_ =	shalt  }
0x68: {  	_ =	shalt  }
0x69: {  	_ =	shalt  }
0x6a: {  	_ =	shalt  }
0x6b: {  	_ =	shalt  }
0x6c: {  	_ =	shalt  }
0x6d: {  	_ =	shalt  }
0x6e: {  	_ =	shalt  }
0x6f: {  	_ =	shalt  }
0x70: {  	_ =	shalt  }
0x71: {  	_ =	shalt  }
0x72: {  	_ =	shalt  }
0x73: {  	_ =	shalt  }
0x74: {  	_ =	shalt  }
0x75: {  	_ =	shalt  }
0x76: {  	_ =	shalt  }
0x77: {  	_ =	shalt  }
0x78: {  	_ =	shalt  }
0x79: {  	_ =	shalt  }
0x7a: {  	_ =	shalt  }
0x7b: {  	_ =	shalt  }
0x7c: {  	_ =	shalt  }
0x7d: {  	_ =	shalt  }
0x7e: {  	_ =	shalt  }
0x7f: {  	_ =	shalt  }
0x80: {  	_ =	shalt  }
0x81: {  	_ =	shalt  }
0x82: {  	_ =	shalt  }
0x83: {  	_ =	shalt  }
0x84: {  	_ =	shalt  }
0x85: {  	_ =	shalt  }
0x86: {  	_ =	shalt  }
0x87: {  	_ =	shalt  }
.Lfunc_end0:
.L_simem_size_0:
called_computation.3_lowered:
.L_overlay_start_0:
0x88: {  	s2 =	sld [smem:$0x3FD9]  }
0x89: {  	s3 =	sld [smem:$0x3FFE];
	_ =	sdelay $0x1  }
0x8a: {  	s1 =	srdreg.scid  }
0x8b: {  	s0 =	sand.u32 $0x1, s1  }
0x8c: {  	s17 =	sshll.u32 s0, $0xA;
	s2 =	sadd.s32 s3, s2  }
0x8d: {  	s2 =	sadd.s32 s2, s17  }
0x8e: {  	[smem:$0x3FBF] =	sst s2  }
0x8f: {  	_ = 	snop  }
0x90: {  	s2 =	sld [smem:$0x3FC7]  }
0x91: {  	s18 =	sld [smem:$0x3FD0];
	(tm) =	ssettm $0x1  }
0x92: {  	s4 =	sld [smem:$0x3FFB];
	_ =	sdelay $0x3  }
0x93: {  	_ =	strace s4  }
0x94: {  	s4 =	sld [smem:$0x3FFC];
	_ =	sdelay $0x3  }
0x95: {  	_ =	strace s4  }
0x96: {  	s4 =	sld [smem:$0x3FFD];
	_ =	sdelay $0x3  }
0x97: {  	_ =	strace s4  }
0x98: {  	_ =	strace $0x8FFFFFFF  }
0x99: {  	s19 =	sld [smem:$0x3FDB];
	_ =	sdelay $0x1  }
0x9a: {  	s5 =	simm.s32 $_scs_section_size  }
0x9b: {  	s6 =	simm.s32 $_size__tile_overlayer_lowered;
	s7 =	simm.s32 $_tile_overlayer_lowered  }
0x9c: {  	s22 =	simm.s32 $0x1BFF;
	s21 =	sshll.u32 s7, $0x1;
	s4 =	sadd.s32 s5, s19  }
0x9d: {  	s8 =	simm.s32 $0x0;
	s20 =	sshll.u32 s6, $0x1;
	s6 =	sadd.s32 s21, s4  }
0x9e: {  	[timem:s8], [sflag:s22] =	dma.local [hbm:s6], s20  }
0x9f: {  	_ =	swait.ge [sflag:s22], s20  }
0xa0: {  	s5 =	ssub.s32 $0x0, s20;
	[sflag:s22] =	ssyncset.done $0x0  }
0xa1: {  	[sflag:s22] =	ssyncadd.s32 s5;
	_ =	sdelay $0x1  }
0xa2: {  	s23 =	simm.s32 $0x1B8B  }
0xa3: {  	_ =	swait.ge [sflag:s23], $0x1  }
0xa4: {  	[sflag:s23] =	ssyncset.done $0x0  }
0xa5: {  	s25 =	simm.s32 $0x1B8E;
	s24 =	sld [smem:$0x3FFE];
	[sflag:s23] =	ssyncadd.s32 $0xFFFFFFFF  }
0xa6: {  	s26 =	simm.s32 $execute0_lowered;
	[smem:$0x3FD2] =	sst s25  }
0xa7: {  	s6 =	sshll.u32 s26, $0x1;
	_ =	strace $0x8000004F;
	[dreg:$0x1] =	wrdreg $0xFFFFFFFF  }
0xa8: {  	s28 =	simm.s32 $_size_execute0_lowered;
	s4 =	sadd.s32 s4, s6;
	[dreg:$0x0] =	wrdreg $0x0  }
0xa9: {  	s6 =	sshll.u32 s28, $0x1;
	[dreg:$0x2] =	wrdreg s4  }
0xaa: {  	[dreg:$0x3] =	wrdreg s6  }
0xab: {  	[dreg:$0x4] =	wrdreg $0xC0  }
0xac: {  	_ =	task [dreg:s8], $0x5FFFF  }
0xad: {  	[dreg:$0x1] =	wrdreg $0xFFFFFFFF  }
0xae: {  	[dreg:$0x0] =	wrdreg $0x60  }
0xaf: {  	[dreg:$0x2] =	wrdreg s24  }
0xb0: {  	[dreg:$0x3] =	wrdreg s2  }
0xb1: {  	[dreg:$0x4] =	wrdreg s18  }
0xb2: {  	[dreg:$0x5] =	wrdreg $0x0  }
0xb3: {  	[dreg:$0x6] =	wrdreg $0x9  }
0xb4: {  	_ =	task.clear_ibuf [dreg:s8], $0x7FFFF;
	_ =	strace $0x9000004F  }
0xb5: {  	s29 =	simm.s32 $0x9;
	_ =	strace $0x80000051  }
0xb6: {  	_ =	swait.ge [sflag:s29], $0x1  }
0xb7: {  	[sflag:s29] =	ssyncadd.s32 $0xFFFFFFFF  }
0xb8: {  	_ =	strace $0x90000051  }
0xb9: {  	_ =	sfence  }
0xba: {  	s30 =	sld [smem:$0x0];
	_ =	sdelay $0x2  }
0xbb: {  	s31 =	sshll.u32 s1, $0xD;
	s1 =	sshrl.u32 s1, $0x2  }
0xbc: {  	s3 =	sand.u32 $0x4000, s31;
	s1 =	sadd.s32 s1, s30  }
0xbd: {  	s0 =	sor.u32 s3, s0;
	s1 =	sshll.u32 s1, $0x11  }
0xbe: {  	s0 =	sor.u32 s1, s0  }
0xbf: {  	s0 =	sadd.s32 $0x8F2B, s0  }
0xc0: {  	[sflag:s0] =	ssyncadd.remote.s32 $0x1  }
0xc1: {  	_ =	sfence.sel $0xFFFF  }
0xc2: {  	[dreg:$0x0] =	wrdreg $0xFFFFFFFF;
	(pc) =	sbr.abs _section_cstart, $3  }
0xc3: {  	[dreg:$0x1] =	wrdreg $0xFFFFFFFF  }
0xc4: {  	_ =	task.clear_ibuf [dreg:s8], $0x2FFFF;
	_ =	strace $0x9FFFFFFF  }
0xc5: {  	(tm) =	ssettm $0x7FFFFFFF  }
tec
execute0_lowered:
.L_overlay_start_1:
0x0: {  	(tag) =	ssettag $0x1  }
0x1: {  	s5 =	rddreg [dreg:$0x0]  }
0x2: {  	s9 =	rddreg [dreg:$0x1]  }
0x3: {  	s2 =	rddreg [dreg:$0x2];
	s0 =	stileid.u32  }
0x4: {  	s1 =	srdreg.scid;
	s3 =	rddreg [dreg:$0x3]  }
0x5: {  	s4 =	simm.s32 $0x0;
	s14 =	simm.s32 $0x40;
	s15 =	simm.s32 $0x18830  }
0x6: {  	s16 =	simm.s32 $0x190;
	s17 =	simm.s32 $0x0;
	s7 =	smul.u32 $0x186A0, s0  }
0x7: {  	s6 =	sand.u32 $0x1, s1;
	s1 =	rddreg [dreg:$0x4];
	s10 =	smul.u32 $0x61A80, s0  }
0x8: {  	[smem:$0x7FF] =	sst s4;
	s31 =	sshll.u32 s0, $0x6;
	s13 =	smul.u32 $0x186A, s0  }
0x9: {  	s8 =	smul.u32 $0x186A00, s6;
	s11 =	ssub.s32 $0x2, s6;
	_ =	strace $0x80000050  }
0xa: {  	s6 =	sshll.u32 s6, $0x2;
	s12 =	sshrl.u32 s11, $0x1;
	s10 =	sadd.s32 s10, s5  }
0xb: {  	s30 =	sadd.s32 s7, s3;
	s9 =	sadd.s32 s13, s9;
	s13 =	simm.s32 $0x20  }
0xc: {  	s8 =	sadd.s32 s7, s8;
	s11 =	ssub.s32 s11, s12;
	s10 =	sadd.s32 s6, s10  }
0xd: {  	s12 =	simm.s32 $0x186A0;
	s8 =	sshrl.u32 s8, $0x3;
	s7 =	smax.u32 s11, $0x1  }
0xe: {  	s11 =	simm.s32 $0x1;
	s8 =	sadd.s32 s8, s5;
	s5 =	sor.u32 $0x1C01, s31  }
0xf: {  	s6 =	sadd.s32 $0x3E00, s8;
	s8 =	sadd.s32 $0x61E600, s10;
	s10 =	sshrl.u32 s30, $0x3  }
.LBB2_1:
0x10: {  	[spmem:s10], [sflag:s5] =	dma.local [hbm:s2], $0x30D4  }
0x11: {  	_ =	swait.ge [sflag:s11], $0x30D4  }
0x12: {  	[sflag:s11] =	ssyncset.done $0x0  }
0x13: {  	[sflag:s11] =	ssyncadd.s32 $0xFFFFCF2C  }
0x14: {  	s18 =	sadd.s32 $0x0, s9;
	[bflag:$0x0] =	sbarrier.arrive $0xFFFF  }
0x15: {  	[tilespmem:s12], [sflag:$0x1] =	stream.linear.gather [hbm4b:s18+s4], $0x190, $0x38;
	[tilespmem:$0x1BA30] =	vst v63  }
0x16: {  	_ =	swait.ge [sflag:s11], $0x190  }
0x17: {  	[sflag:s11] =	ssyncset.done $0x0  }
0x18: {  	[sflag:s11] =	ssyncadd.s32 $0xFFFFFE70  }
0x19: {  	[tilespmem:s15], [sflag:$0x1] =	stream.strided.gather [hbm4b:s8+s13], $0x3200, s14, s13, $0x38;
	[tilespmem:$0x1BA30] =	vst v63  }
0x1a: {  	_ =	swait.ge [sflag:s11], $0x3200  }
0x1b: {  	[sflag:s11] =	ssyncset.done $0x0  }
0x1c: {  	[sflag:s11] =	ssyncadd.s32 $0xFFFFCE00  }
0x1d: {  	[spmem:s3] =	stream.indirect.scatter.add.f32 [tilespmem:s15], [sflag:$0x1], $0x20, s12, s16, $0xb8;
	[tilespmem:$0x1BA30] =	vst v63  }
0x1e: {  	s19 =	simm.s32 $0x32;
	_ =	swait.ge [sflag:s11], $0x3200  }
0x1f: {  	s20 =	simm.s32 $0x64;
	s18 =	sadd.s32 $0xC80, s8;
	[sflag:s11] =	ssyncset.done $0x0  }
.LBB2_2:
0x20: {  	s21 =	sadd.s32 s19, s9  }
0x21: {  	[sflag:s11] =	ssyncadd.s32 $0xFFFFCE00;
	s19 =	smov.u32 s20;
	s22 =	sadd.s32 $0x32, s20  }
0x22: {  	[tilespmem:s12], [sflag:$0x1] =	stream.linear.gather [hbm4b:s21+s4], $0x190, $0x38;
	[tilespmem:$0x1BA30] =	vst v63  }
0x23: {  	p0 =	sne.s32 s20, $0x1838;
	_ =	swait.ge [sflag:s11], $0x190  }
0x24: {  	[sflag:s11] =	ssyncset.done $0x0  }
0x25: {  	[sflag:s11] =	ssyncadd.s32 $0xFFFFFE70  }
0x26: {  	[tilespmem:s15], [sflag:$0x1] =	stream.strided.gather [hbm4b:s18+s13], $0x3200, s14, s13, $0x38;
	[tilespmem:$0x1BA30] =	vst v63  }
0x27: {  	_ =	swait.ge [sflag:s11], $0x3200  }
.Ltmp0:
0x28: {  	[sflag:s11] =	ssyncset.done $0x0;
	(pc) =	sbr.rel @p0 .LBB2_2-.Ltmp0, $4  }
0x29: {  	[sflag:s11] =	ssyncadd.s32 $0xFFFFCE00  }
0x2a: {  	[spmem:s3] =	stream.indirect.scatter.add.f32 [tilespmem:s15], [sflag:$0x1], $0x20, s12, s16, $0xb8;
	[tilespmem:$0x1BA30] =	vst v63  }
0x2b: {  	_ =	swait.ge [sflag:s11], $0x3200  }
0x2c: {  	s20 =	smov.u32 s22;
	s18 =	sadd.s32 $0xC80, s18;
	[sflag:s11] =	ssyncset.done $0x0  }
0x2d: {  	s19 =	sadd.s32 s19, s9;
	[sflag:s11] =	ssyncadd.s32 $0xFFFFCE00  }
0x2e: {  	[tilespmem:s12], [sflag:$0x1] =	stream.linear.gather [hbm4b:s19+s4], $0x190, $0x38;
	[tilespmem:$0x1BA30] =	vst v63  }
0x2f: {  	_ =	swait.ge [sflag:s11], $0x190  }
0x30: {  	[sflag:s11] =	ssyncset.done $0x0  }
0x31: {  	[sflag:s11] =	ssyncadd.s32 $0xFFFFFE70  }
0x32: {  	[tilespmem:s15], [sflag:$0x1] =	stream.strided.gather [hbm4b:s18+s13], $0x3200, s14, s13, $0x38;
	[tilespmem:$0x1BA30] =	vst v63  }
0x33: {  	_ =	swait.ge [sflag:s11], $0x3200  }
0x34: {  	[sflag:s11] =	ssyncset.done $0x0  }
0x35: {  	[sflag:s11] =	ssyncadd.s32 $0xFFFFCE00  }
0x36: {  	[spmem:s3] =	stream.indirect.scatter.add.f32 [tilespmem:s15], [sflag:$0x1], $0x20, s12, s16, $0xb8;
	[tilespmem:$0x1BA30] =	vst v63  }
0x37: {  	_ =	swait.ge [sflag:s11], $0x3200  }
0x38: {  	s17 =	sadd.s32 $0x1, s17;
	[sflag:s11] =	ssyncset.done $0x0  }
0x39: {  	p0 =	sne.s32 s17, s7;
	[sflag:s11] =	ssyncadd.s32 $0xFFFFCE00  }
.Ltmp1:
0x3a: {  	[bflag:$0x0] =	sbarrier.arrive $0xFFFF;
	(pc) =	sbr.rel @p0 .LBB2_1-.Ltmp1, $4  }
0x3b: {  	[hbm:s6], [sflag:s5] =	dma.local [spmem:s10], $0x30D4  }
0x3c: {  	_ =	swait.ge [sflag:s11], $0x30D4  }
0x3d: {  	[sflag:s11] =	ssyncset.done $0x0  }
0x3e: {  	[sflag:s11] =	ssyncadd.s32 $0xFFFFCF2C  }
0x3f: {  	_ =	sfence.sel $0x180000  }
0x40: {  	[bflag:$0x0] =	sbarrier.arrive $0xFFFF  }
0x41: {  	p0 =	sne.s32 s0, $0x0;
	_ =	strace $0x90000050  }
0x42: {  	s0 =	sadd.s32 @!p0 $0x100000, s1;
	[bflag:$0x2] =	sbarrier.arrive $0xFFFF  }
0x43: {  	[sflag:s0] =	ssyncadd.tile.s32 @!p0 $0x1;
	_ =	shalt  }
.Lfunc_end2:
_tile_overlayer_lowered:
.L_overlay_start_2:
0x44: {  	(tag) =	ssettag $0x2  }
0x45: {  	s0 =	rddreg [dreg:$0x0];
	s2 =	stileid.u32  }
0x46: {  	s1 =	rddreg [dreg:$0x1];
	p0 =	sne.s32 s2, $0x0  }
0x47: {  	s3 =	rddreg [dreg:$0x2];
	[bflag:$0x3] =	sbarrier.arrive $0xFFFF;
	s2 =	simm.s32 @!p0 $0x1C01  }
0x48: {  	[timem:s3], [sflag:s2] =	dma.local @!p0 [hbm:s0], s1  }
0x49: {  	s0 =	simm.s32 @!p0 $0x1  }
0x4a: {  	_ =	swait.ge @!p0 [sflag:s0], s1  }
0x4b: {  	s1 =	ssub.s32 @!p0 $0x0, s1;
	[sflag:s0] =	ssyncset.done @!p0 $0x0  }
0x4c: {  	[sflag:s0] =	ssyncadd.s32 @!p0 s1  }
0x4d: {  	[bflag:$0x3] =	sbarrier.arrive $0xFFFF  }
0x4e: {  	_ =	shalt  }

// kernel: kernel.34.cloned.1.call-start
scs
__scs_entry_jumppad:
0x0: {  	(pc) =	sbr.rel $0x88, $3  }
0x1: {  	(tag) =	ssettag $0x0;
	lr =	simm.s32 $0x1  }
0x2: {  	[smem:$0x3F98] =	sst lr;
	_ =	strace $0xD0000000  }
0x3: {  	_ = 	snop  }
0x4: {  	_ = 	snop  }
0x5: {  	_ = 	snop  }
0x6: {  	_ = 	snop  }
0x7: {  	_ = 	snop  }
__scs_overlays_trampoline_lowered:
0x8: {  	[smem:$0x3FA7] =	sst s0  }
0x9: {  	[smem:$0x3FA8] =	sst s1  }
0xa: {  	[smem:$0x3FA9] =	sst s2  }
0xb: {  	[smem:$0x3FAA] =	sst s3  }
0xc: {  	[smem:$0x3FAB] =	sst s4  }
0xd: {  	[smem:$0x3FAC] =	sst s5  }
0xe: {  	[smem:$0x3FAD] =	sst s6  }
0xf: {  	[smem:$0x3FAE] =	sst s7  }
0x10: {  	[smem:$0x3FAF] =	sst s8  }
0x11: {  	[smem:$0x3FB0] =	sst s9;
	s0 =	simm.s32 @!p0 $0x0  }
0x12: {  	s1 =	sld [smem:$0x3F96];
	s0 =	simm.s32 @p0 $0x1  }
0x13: {  	[smem:$0x3FB1] =	sst s0;
	s0 =	simm.s32 @!p1 $0x0  }
0x14: {  	s2 =	sld [smem:$0x3F95];
	s0 =	simm.s32 @p1 $0x1  }
0x15: {  	[smem:$0x3FB2] =	sst s0;
	s0 =	simm.s32 @!p2 $0x0  }
0x16: {  	s3 =	sld [smem:$0x3FDB];
	s0 =	simm.s32 @p2 $0x1  }
0x17: {  	s4 =	simm.s32 $0x1BF5;
	[smem:$0x3FB4] =	sst s0  }
0x18: {  	s0 =	sld [smem:$0x3F97];
	_ =	swait.ge [sflag:s4], $0x0  }
0x19: {  	s7 =	sld [smem:$0x3F98]  }
0x1a: {  	s8 =	sadd.s32 $0xFFFFE003, lr  }
0x1b: {  	s9 =	sadd.s32 $0xFFFFFEF7, lr;
	s5 =	simm.s32 $0xFFFFFFFF;
	p2 =	slt.u32 s8, $0xFFFFF086  }
0x1c: {  	p1 =	slt.u32 s9, $0xF7A;
	s5 =	simm.s32 @!p2 $0x0  }
0x1d: {  	s5 =	simm.s32 @p1 $0x1;
	p0 =	seq.s32 s7, s2  }
0x1e: {  	s7 =	smul.u32 @!p0 $0xF7A, s2;
	p2 =	seq.s32 @!p0 s5, $0x0  }
0x1f: {  	s9 =	smul.u32 $0xF7A, s1;
	s8 =	simm.s32 @!p0 $0x1BF5;
	p2 =	por !p2, p0  }
0x20: {  	[sflag:s8] =	ssyncset.s32 @!p0 $0xFFFFF086;
	s6 =	sadd.s32 @!p0 s3, s7;
	s7 =	simm.s32 @!p0 $0x108  }
0x21: {  	s3 =	sadd.s32 s3, s9;
	s6 =	sadd.s32 @!p0 $0x88, s6;
	s7 =	simm.s32 @p2 $0x1082  }
0x22: {  	[simem:s7], [sflag:s8] =	dma.local @!p0 [hbm:s6], $0xF7A  }
0x23: {  	s9 =	sor.u32 $0xD0000000, s2;
	s6 =	simm.s32 $0x108;
	_ =	swait.ge @!p0 [sflag:s8], $0x0  }
0x24: {  	s3 =	sadd.s32 $0x88, s3;
	s6 =	simm.s32 @!p1 $0x1082;
	[sflag:s4] =	ssyncset.s32 $0xFFFFF086  }
0x25: {  	[simem:s6], [sflag:s4] =	dma.local [hbm:s3], $0xF7A  }
0x26: {  	[smem:$0x3F98] =	sst s1;
	(tag) =	ssettag s2;
	_ =	strace s9  }
0x27: {  	s1 =	sld [smem:$0x3FA8]  }
0x28: {  	s2 =	sld [smem:$0x3FA9]  }
0x29: {  	s4 =	sld [smem:$0x3FAB]  }
0x2a: {  	p0 =	seq.s32 s5, $0x0;
	s5 =	sld [smem:$0x3FAC]  }
0x2b: {  	s6 =	sld [smem:$0x3FAD]  }
0x2c: {  	s7 =	sld [smem:$0x3FAE]  }
0x2d: {  	s3 =	simm.s32 $0x108;
	s8 =	sld [smem:$0x3FAF]  }
0x2e: {  	s3 =	simm.s32 @!p0 $0x1082;
	s9 =	sld [smem:$0x3FB0]  }
0x2f: {  	lr =	sadd.s32 s0, s3;
	s0 =	sld [smem:$0x3FA7]  }
0x30: {  	s3 =	sld [smem:$0x3FAA]  }
0x31: {  	[smem:$0x3FB3] =	sst s10  }
0x32: {  	s10 =	sld [smem:$0x3FB1];
	_ =	sdelay $0x3  }
0x33: {  	p0 =	seq.s32 s10, $0x1;
	s10 =	sld [smem:$0x3FB3];
	_ =	sdelay $0x3  }
0x34: {  	[smem:$0x3FB3] =	sst s10  }
0x35: {  	s10 =	sld [smem:$0x3FB2];
	_ =	sdelay $0x3  }
0x36: {  	p1 =	seq.s32 s10, $0x1;
	s10 =	sld [smem:$0x3FB3];
	_ =	sdelay $0x3  }
0x37: {  	[smem:$0x3FB3] =	sst s10  }
0x38: {  	s10 =	sld [smem:$0x3FB4]  }
0x39: {  	_ = 	snop;
	(pc) =	sbr.ind lr, $3  }
0x3a: {  	_ = 	snop  }
0x3b: {  	_ = 	snop  }
0x3c: {  	p2 =	seq.s32 s10, $0x1;
	s10 =	sld [smem:$0x3FB3]  }
0x3d: {  	_ =	shalt  }
0x3e: {  	_ =	shalt  }
0x3f: {  	_ =	shalt  }
0x40: {  	_ =	shalt  }
0x41: {  	_ =	shalt  }
0x42: {  	_ =	shalt  }
0x43: {  	_ =	shalt  }
0x44: {  	_ =	shalt  }
0x45: {  	_ =	shalt  }
0x46: {  	_ =	shalt  }
0x47: {  	_ =	shalt  }
0x48: {  	_ =	shalt  }
0x49: {  	_ =	shalt  }
0x4a: {  	_ =	shalt  }
0x4b: {  	_ =	shalt  }
0x4c: {  	_ =	shalt  }
0x4d: {  	_ =	shalt  }
0x4e: {  	_ =	shalt  }
0x4f: {  	_ =	shalt  }
0x50: {  	_ =	shalt  }
0x51: {  	_ =	shalt  }
0x52: {  	_ =	shalt  }
0x53: {  	_ =	shalt  }
0x54: {  	_ =	shalt  }
0x55: {  	_ =	shalt  }
0x56: {  	_ =	shalt  }
0x57: {  	_ =	shalt  }
0x58: {  	_ =	shalt  }
0x59: {  	_ =	shalt  }
0x5a: {  	_ =	shalt  }
0x5b: {  	_ =	shalt  }
0x5c: {  	_ =	shalt  }
0x5d: {  	_ =	shalt  }
0x5e: {  	_ =	shalt  }
0x5f: {  	_ =	shalt  }
0x60: {  	_ =	shalt  }
0x61: {  	_ =	shalt  }
0x62: {  	_ =	shalt  }
0x63: {  	_ =	shalt  }
0x64: {  	_ =	shalt  }
0x65: {  	_ =	shalt  }
0x66: {  	_ =	shalt  }
0x67: {  	_ =	shalt  }
0x68: {  	_ =	shalt  }
0x69: {  	_ =	shalt  }
0x6a: {  	_ =	shalt  }
0x6b: {  	_ =	shalt  }
0x6c: {  	_ =	shalt  }
0x6d: {  	_ =	shalt  }
0x6e: {  	_ =	shalt  }
0x6f: {  	_ =	shalt  }
0x70: {  	_ =	shalt  }
0x71: {  	_ =	shalt  }
0x72: {  	_ =	shalt  }
0x73: {  	_ =	shalt  }
0x74: {  	_ =	shalt  }
0x75: {  	_ =	shalt  }
0x76: {  	_ =	shalt  }
0x77: {  	_ =	shalt  }
0x78: {  	_ =	shalt  }
0x79: {  	_ =	shalt  }
0x7a: {  	_ =	shalt  }
0x7b: {  	_ =	shalt  }
0x7c: {  	_ =	shalt  }
0x7d: {  	_ =	shalt  }
0x7e: {  	_ =	shalt  }
0x7f: {  	_ =	shalt  }
0x80: {  	_ =	shalt  }
0x81: {  	_ =	shalt  }
0x82: {  	_ =	shalt  }
0x83: {  	_ =	shalt  }
0x84: {  	_ =	shalt  }
0x85: {  	_ =	shalt  }
0x86: {  	_ =	shalt  }
0x87: {  	_ =	shalt  }
.Lfunc_end0:
.L_simem_size_0:
called_computation.4_lowered:
.L_overlay_start_0:
0x88: {  	s2 =	sld [smem:$0x3FD9]  }
0x89: {  	s3 =	sld [smem:$0x3FFE];
	_ =	sdelay $0x1  }
0x8a: {  	s1 =	srdreg.scid  }
0x8b: {  	s0 =	sand.u32 $0x1, s1  }
0x8c: {  	s17 =	sshll.u32 s0, $0xA;
	s2 =	sadd.s32 s3, s2  }
0x8d: {  	s2 =	sadd.s32 s2, s17  }
0x8e: {  	[smem:$0x3FBF] =	sst s2  }
0x8f: {  	_ = 	snop  }
0x90: {  	s2 =	sld [smem:$0x3FC8];
	(tm) =	ssettm $0x1  }
0x91: {  	s18 =	sld [smem:$0x3FFB];
	_ =	sdelay $0x3  }
0x92: {  	_ =	strace s18  }
0x93: {  	s3 =	sld [smem:$0x3FFC];
	_ =	sdelay $0x3  }
0x94: {  	_ =	strace s3  }
0x95: {  	s3 =	sld [smem:$0x3FFD];
	_ =	sdelay $0x3  }
0x96: {  	_ =	strace s3  }
0x97: {  	_ =	strace $0x8FFFFFFF  }
0x98: {  	s19 =	sld [smem:$0x3FDB];
	_ =	sdelay $0x1  }
0x99: {  	s4 =	simm.s32 $_scs_section_size  }
0x9a: {  	s5 =	simm.s32 $_size__tile_overlayer_lowered;
	s6 =	simm.s32 $_tile_overlayer_lowered  }
0x9b: {  	s22 =	simm.s32 $0x1BFF;
	s21 =	sshll.u32 s6, $0x1;
	s3 =	sadd.s32 s4, s19  }
0x9c: {  	s7 =	simm.s32 $0x0;
	s20 =	sshll.u32 s5, $0x1;
	s5 =	sadd.s32 s21, s3  }
0x9d: {  	[timem:s7], [sflag:s22] =	dma.local [hbm:s5], s20  }
0x9e: {  	_ =	swait.ge [sflag:s22], s20  }
0x9f: {  	s4 =	ssub.s32 $0x0, s20;
	[sflag:s22] =	ssyncset.done $0x0  }
0xa0: {  	[sflag:s22] =	ssyncadd.s32 s4;
	_ =	sdelay $0x1  }
0xa1: {  	s23 =	simm.s32 $0x1B8B  }
0xa2: {  	_ =	swait.ge [sflag:s23], $0x1  }
0xa3: {  	[sflag:s23] =	ssyncset.done $0x0  }
0xa4: {  	s25 =	simm.s32 $0x1B8E;
	s24 =	sld [smem:$0x3FFE];
	[sflag:s23] =	ssyncadd.s32 $0xFFFFFFFF  }
0xa5: {  	s26 =	simm.s32 $execute0_lowered;
	[smem:$0x3FD2] =	sst s25  }
0xa6: {  	s5 =	sshll.u32 s26, $0x1;
	_ =	strace $0x80000052;
	[dreg:$0x1] =	wrdreg $0xFFFFFFFF  }
0xa7: {  	s28 =	simm.s32 $_size_execute0_lowered;
	s3 =	sadd.s32 s3, s5;
	[dreg:$0x0] =	wrdreg $0x0  }
0xa8: {  	s5 =	sshll.u32 s28, $0x1;
	[dreg:$0x2] =	wrdreg s3  }
0xa9: {  	[dreg:$0x3] =	wrdreg s5  }
0xaa: {  	[dreg:$0x4] =	wrdreg $0xC0  }
0xab: {  	_ =	task [dreg:s7], $0x5FFFF  }
0xac: {  	[dreg:$0x1] =	wrdreg $0xFFFFFFFF  }
0xad: {  	[dreg:$0x0] =	wrdreg $0x60  }
0xae: {  	[dreg:$0x2] =	wrdreg s24  }
0xaf: {  	[dreg:$0x3] =	wrdreg s2  }
0xb0: {  	[dreg:$0x4] =	wrdreg $0x9  }
0xb1: {  	_ =	task.clear_ibuf [dreg:s7], $0x5FFFF;
	_ =	strace $0x90000052  }
0xb2: {  	s29 =	simm.s32 $0x9;
	_ =	strace $0x80000054  }
0xb3: {  	_ =	swait.ge [sflag:s29], $0x1  }
0xb4: {  	[sflag:s29] =	ssyncadd.s32 $0xFFFFFFFF  }
0xb5: {  	_ =	strace $0x90000054  }
0xb6: {  	_ =	sfence  }
0xb7: {  	s30 =	sld [smem:$0x0];
	_ =	sdelay $0x2  }
0xb8: {  	s31 =	sshll.u32 s1, $0xD;
	s1 =	sshrl.u32 s1, $0x2  }
0xb9: {  	s3 =	sand.u32 $0x4000, s31;
	s1 =	sadd.s32 s1, s30  }
0xba: {  	s0 =	sor.u32 s3, s0;
	s1 =	sshll.u32 s1, $0x11  }
0xbb: {  	s0 =	sor.u32 s1, s0  }
0xbc: {  	s0 =	sadd.s32 $0x8F2B, s0  }
0xbd: {  	[sflag:s0] =	ssyncadd.remote.s32 $0x1  }
0xbe: {  	_ =	sfence.sel $0xFFFF  }
0xbf: {  	[dreg:$0x0] =	wrdreg $0xFFFFFFFF;
	(pc) =	sbr.abs _section_cstart, $3  }
0xc0: {  	[dreg:$0x1] =	wrdreg $0xFFFFFFFF  }
0xc1: {  	_ =	task.clear_ibuf [dreg:s7], $0x2FFFF;
	_ =	strace $0x9FFFFFFF  }
0xc2: {  	(tm) =	ssettm $0x7FFFFFFF  }
0xc3: {  	_ =	shalt  }
tec
execute0_lowered:
.L_overlay_start_1:
0x0: {  	(tag) =	ssettag $0x1  }
0x1: {  	s3 =	rddreg [dreg:$0x0]  }
0x2: {  	s6 =	rddreg [dreg:$0x1]  }
0x3: {  	s0 =	rddreg [dreg:$0x2];
	s1 =	stileid.u32  }
0x4: {  	s2 =	simm.s32 $0x0;
	s5 =	srdreg.scid;
	s4 =	smul.u32 $0x61A80, s1  }
0x5: {  	[smem:$0x7FF] =	sst s2;
	s5 =	sand.u32 $0x1, s5;
	s7 =	smul.u32 $0xC350, s1  }
0x6: {  	_ =	strace $0x80000053;
	s8 =	ssub.s32 $0x2, s5;
	s9 =	smul.u32 $0x61A8, s5  }
0x7: {  	s5 =	smul.u32 $0x30D40, s5;
	s10 =	sadd.s32 s4, s3;
	s31 =	sshrl.u32 s8, $0x1  }
0x8: {  	s3 =	sadd.s32 $0xC7400, s3;
	s4 =	ssub.s32 s8, s31;
	s7 =	sadd.s32 s9, s7  }
0x9: {  	s5 =	sadd.s32 s5, s10;
	s8 =	simm.s32 $0x3E8;
	s9 =	simm.s32 $0x1  }
0xa: {  	s10 =	simm.s32 $0x0;
	s4 =	smax.u32 s4, $0x1;
	s7 =	sshrl.u32 s7, $0x3  }
0xb: {  	s5 =	sadd.s32 $0x129000, s5;
	s6 =	sadd.s32 s7, s6;
	s7 =	simm.s32 $0x2  }
.LBB2_1:
0xc: {  	s11 =	sadd.s32 $0x0, s6  }
0xd: {  	[tilespmem:s2], [sflag:$0x2] =	stream.linear.gather [hbm4b:s11+s2], $0x3E8, $0x38;
	[tilespmem:$0xFDE8] =	vst v63  }
0xe: {  	_ =	swait.ge [sflag:s7], $0x3E8  }
0xf: {  	[sflag:s7] =	ssyncset.done $0x0  }
0x10: {  	[sflag:s7] =	ssyncadd.s32 $0xFFFFFC18  }
0x11: {  	[tilespmem:s8], [sflag:$0x1] =	stream.indirect.gather [hbm4b:s3+s8], $0x40, s2, s8, $0xb8;
	[tilespmem:$0xFDE8] =	vst v63  }
0x12: {  	_ =	swait.ge [sflag:s9], $0xFA00  }
0x13: {  	[sflag:s9] =	ssyncset.done $0x0  }
0x14: {  	[sflag:s9] =	ssyncadd.s32 $0xFFFF0600  }
0x15: {  	[hbm4b:s5+s2] =	stream.linear.scatter [tilespmem:s8], [sflag:$0x2], $0xFA00, $0x38;
	[tilespmem:$0xFDE8] =	vst v63  }
0x16: {  	s12 =	simm.s32 $0x7D;
	_ =	swait.ge [sflag:s7], $0xFA00  }
0x17: {  	s13 =	simm.s32 $0xFA;
	s11 =	sadd.s32 $0x1F40, s5;
	[sflag:s7] =	ssyncset.done $0x0  }
.LBB2_2:
0x18: {  	s14 =	sadd.s32 s12, s6  }
0x19: {  	[sflag:s7] =	ssyncadd.s32 $0xFFFF0600;
	s12 =	smov.u32 s13;
	s15 =	sadd.s32 $0x7D, s13  }
0x1a: {  	[tilespmem:s2], [sflag:$0x2] =	stream.linear.gather [hbm4b:s14+s2], $0x3E8, $0x38;
	[tilespmem:$0xFDE8] =	vst v63  }
0x1b: {  	p0 =	sne.s32 s13, $0xBB8;
	_ =	swait.ge [sflag:s7], $0x3E8  }
0x1c: {  	[sflag:s7] =	ssyncset.done $0x0  }
0x1d: {  	[sflag:s7] =	ssyncadd.s32 $0xFFFFFC18  }
0x1e: {  	[tilespmem:s8], [sflag:$0x1] =	stream.indirect.gather [hbm4b:s3+s8], $0x40, s2, s8, $0xb8;
	[tilespmem:$0xFDE8] =	vst v63  }
0x1f: {  	_ =	swait.ge [sflag:s9], $0xFA00  }
.Ltmp0:
0x20: {  	[sflag:s9] =	ssyncset.done $0x0;
	(pc) =	sbr.rel @p0 .LBB2_2-.Ltmp0, $4  }
0x21: {  	[sflag:s9] =	ssyncadd.s32 $0xFFFF0600  }
0x22: {  	[hbm4b:s11+s2] =	stream.linear.scatter [tilespmem:s8], [sflag:$0x2], $0xFA00, $0x38;
	[tilespmem:$0xFDE8] =	vst v63  }
0x23: {  	_ =	swait.ge [sflag:s7], $0xFA00  }
0x24: {  	s13 =	smov.u32 s15;
	s11 =	sadd.s32 $0x1F40, s11;
	[sflag:s7] =	ssyncset.done $0x0  }
0x25: {  	s12 =	sadd.s32 s12, s6;
	[sflag:s7] =	ssyncadd.s32 $0xFFFF0600  }
0x26: {  	[tilespmem:s2], [sflag:$0x2] =	stream.linear.gather [hbm4b:s12+s2], $0x3E8, $0x38;
	[tilespmem:$0xFDE8] =	vst v63  }
0x27: {  	_ =	swait.ge [sflag:s7], $0x3E8  }
0x28: {  	[sflag:s7] =	ssyncset.done $0x0  }
0x29: {  	[sflag:s7] =	ssyncadd.s32 $0xFFFFFC18  }
0x2a: {  	[tilespmem:s8], [sflag:$0x1] =	stream.indirect.gather [hbm4b:s3+s8], $0x40, s2, s8, $0xb8;
	[tilespmem:$0xFDE8] =	vst v63  }
0x2b: {  	s10 =	sadd.s32 $0x1, s10;
	_ =	swait.ge [sflag:s9], $0xFA00  }
0x2c: {  	p0 =	sne.s32 s10, s4;
	[sflag:s9] =	ssyncset.done $0x0  }
.Ltmp1:
0x2d: {  	[sflag:s9] =	ssyncadd.s32 $0xFFFF0600;
	(pc) =	sbr.rel @p0 .LBB2_1-.Ltmp1, $4  }
0x2e: {  	[hbm4b:s11+s2] =	stream.linear.scatter [tilespmem:s8], [sflag:$0x2], $0xFA00, $0x38;
	[tilespmem:$0xFDE8] =	vst v63  }
0x2f: {  	_ =	swait.ge [sflag:s7], $0xFA00  }
0x30: {  	[sflag:s7] =	ssyncset.done $0x0  }
0x31: {  	[sflag:s7] =	ssyncadd.s32 $0xFFFF0600  }
0x32: {  	_ =	sfence.sel $0x180000  }
0x33: {  	[bflag:$0x0] =	sbarrier.arrive $0xFFFF  }
0x34: {  	p0 =	sne.s32 s1, $0x0;
	_ =	strace $0x90000053  }
0x35: {  	s0 =	sadd.s32 @!p0 $0x100000, s0;
	[bflag:$0x2] =	sbarrier.arrive $0xFFFF  }
0x36: {  	[sflag:s0] =	ssyncadd.tile.s32 @!p0 $0x1;
	_ =	shalt  }
.Lfunc_end2:
_tile_overlayer_lowered:
.L_overlay_start_2:
0x37: {  	(tag) =	ssettag $0x2  }
0x38: {  	s0 =	rddreg [dreg:$0x0];
	s2 =	stileid.u32  }
0x39: {  	s1 =	rddreg [dreg:$0x1];
	p0 =	sne.s32 s2, $0x0  }
0x3a: {  	s3 =	rddreg [dreg:$0x2];
	[bflag:$0x3] =	sbarrier.arrive $0xFFFF;
	s2 =	simm.s32 @!p0 $0x1C02  }
0x3b: {  	[timem:s3], [sflag:s2] =	dma.local @!p0 [hbm:s0], s1  }
0x3c: {  	s0 =	simm.s32 @!p0 $0x2  }
0x3d: {  	_ =	swait.ge @!p0 [sflag:s0], s1  }
0x3e: {  	s1 =	ssub.s32 @!p0 $0x0, s1;
	[sflag:s0] =	ssyncset.done @!p0 $0x0  }
0x3f: {  	[sflag:s0] =	ssyncadd.s32 @!p0 s1  }
0x40: {  	[bflag:$0x3] =	sbarrier.arrive $0xFFFF  }
0x41: {  	_ =	shalt  }

// kernel: kernel.37.cloned.1.call-start
scs
__scs_entry_jumppad:
0x0: {  	(pc) =	sbr.rel $0x88, $3  }
0x1: {  	(tag) =	ssettag $0x0;
	lr =	simm.s32 $0x1  }
0x2: {  	[smem:$0x3F98] =	sst lr;
	_ =	strace $0xD0000000  }
0x3: {  	_ = 	snop  }
0x4: {  	_ = 	snop  }
0x5: {  	_ = 	snop  }
0x6: {  	_ = 	snop  }
0x7: {  	_ = 	snop  }
__scs_overlays_trampoline_lowered:
0x8: {  	[smem:$0x3FA7] =	sst s0  }
0x9: {  	[smem:$0x3FA8] =	sst s1  }
0xa: {  	[smem:$0x3FA9] =	sst s2  }
0xb: {  	[smem:$0x3FAA] =	sst s3  }
0xc: {  	[smem:$0x3FAB] =	sst s4  }
0xd: {  	[smem:$0x3FAC] =	sst s5  }
0xe: {  	[smem:$0x3FAD] =	sst s6  }
0xf: {  	[smem:$0x3FAE] =	sst s7  }
0x10: {  	[smem:$0x3FAF] =	sst s8  }
0x11: {  	[smem:$0x3FB0] =	sst s9;
	s0 =	simm.s32 @!p0 $0x0  }
0x12: {  	s1 =	sld [smem:$0x3F96];
	s0 =	simm.s32 @p0 $0x1  }
0x13: {  	[smem:$0x3FB1] =	sst s0;
	s0 =	simm.s32 @!p1 $0x0  }
0x14: {  	s2 =	sld [smem:$0x3F95];
	s0 =	simm.s32 @p1 $0x1  }
0x15: {  	[smem:$0x3FB2] =	sst s0;
	s0 =	simm.s32 @!p2 $0x0  }
0x16: {  	s3 =	sld [smem:$0x3FDB];
	s0 =	simm.s32 @p2 $0x1  }
0x17: {  	s4 =	simm.s32 $0x1BF5;
	[smem:$0x3FB4] =	sst s0  }
0x18: {  	s0 =	sld [smem:$0x3F97];
	_ =	swait.ge [sflag:s4], $0x0  }
0x19: {  	s7 =	sld [smem:$0x3F98]  }
0x1a: {  	s8 =	sadd.s32 $0xFFFFE003, lr  }
0x1b: {  	s9 =	sadd.s32 $0xFFFFFEF7, lr;
	s5 =	simm.s32 $0xFFFFFFFF;
	p2 =	slt.u32 s8, $0xFFFFF086  }
0x1c: {  	p1 =	slt.u32 s9, $0xF7A;
	s5 =	simm.s32 @!p2 $0x0  }
0x1d: {  	s5 =	simm.s32 @p1 $0x1;
	p0 =	seq.s32 s7, s2  }
0x1e: {  	s7 =	smul.u32 @!p0 $0xF7A, s2;
	p2 =	seq.s32 @!p0 s5, $0x0  }
0x1f: {  	s9 =	smul.u32 $0xF7A, s1;
	s8 =	simm.s32 @!p0 $0x1BF5;
	p2 =	por !p2, p0  }
0x20: {  	[sflag:s8] =	ssyncset.s32 @!p0 $0xFFFFF086;
	s6 =	sadd.s32 @!p0 s3, s7;
	s7 =	simm.s32 @!p0 $0x108  }
0x21: {  	s3 =	sadd.s32 s3, s9;
	s6 =	sadd.s32 @!p0 $0x88, s6;
	s7 =	simm.s32 @p2 $0x1082  }
0x22: {  	[simem:s7], [sflag:s8] =	dma.local @!p0 [hbm:s6], $0xF7A  }
0x23: {  	s9 =	sor.u32 $0xD0000000, s2;
	s6 =	simm.s32 $0x108;
	_ =	swait.ge @!p0 [sflag:s8], $0x0  }
0x24: {  	s3 =	sadd.s32 $0x88, s3;
	s6 =	simm.s32 @!p1 $0x1082;
	[sflag:s4] =	ssyncset.s32 $0xFFFFF086  }
0x25: {  	[simem:s6], [sflag:s4] =	dma.local [hbm:s3], $0xF7A  }
0x26: {  	[smem:$0x3F98] =	sst s1;
	(tag) =	ssettag s2;
	_ =	strace s9  }
0x27: {  	s1 =	sld [smem:$0x3FA8]  }
0x28: {  	s2 =	sld [smem:$0x3FA9]  }
0x29: {  	s4 =	sld [smem:$0x3FAB]  }
0x2a: {  	p0 =	seq.s32 s5, $0x0;
	s5 =	sld [smem:$0x3FAC]  }
0x2b: {  	s6 =	sld [smem:$0x3FAD]  }
0x2c: {  	s7 =	sld [smem:$0x3FAE]  }
0x2d: {  	s3 =	simm.s32 $0x108;
	s8 =	sld [smem:$0x3FAF]  }
0x2e: {  	s3 =	simm.s32 @!p0 $0x1082;
	s9 =	sld [smem:$0x3FB0]  }
0x2f: {  	lr =	sadd.s32 s0, s3;
	s0 =	sld [smem:$0x3FA7]  }
0x30: {  	s3 =	sld [smem:$0x3FAA]  }
0x31: {  	[smem:$0x3FB3] =	sst s10  }
0x32: {  	s10 =	sld [smem:$0x3FB1];
	_ =	sdelay $0x3  }
0x33: {  	p0 =	seq.s32 s10, $0x1;
	s10 =	sld [smem:$0x3FB3];
	_ =	sdelay $0x3  }
0x34: {  	[smem:$0x3FB3] =	sst s10  }
0x35: {  	s10 =	sld [smem:$0x3FB2];
	_ =	sdelay $0x3  }
0x36: {  	p1 =	seq.s32 s10, $0x1;
	s10 =	sld [smem:$0x3FB3];
	_ =	sdelay $0x3  }
0x37: {  	[smem:$0x3FB3] =	sst s10  }
0x38: {  	s10 =	sld [smem:$0x3FB4]  }
0x39: {  	_ = 	snop;
	(pc) =	sbr.ind lr, $3  }
0x3a: {  	_ = 	snop  }
0x3b: {  	_ = 	snop  }
0x3c: {  	p2 =	seq.s32 s10, $0x1;
	s10 =	sld [smem:$0x3FB3]  }
0x3d: {  	_ =	shalt  }
0x3e: {  	_ =	shalt  }
0x3f: {  	_ =	shalt  }
0x40: {  	_ =	shalt  }
0x41: {  	_ =	shalt  }
0x42: {  	_ =	shalt  }
0x43: {  	_ =	shalt  }
0x44: {  	_ =	shalt  }
0x45: {  	_ =	shalt  }
0x46: {  	_ =	shalt  }
0x47: {  	_ =	shalt  }
0x48: {  	_ =	shalt  }
0x49: {  	_ =	shalt  }
0x4a: {  	_ =	shalt  }
0x4b: {  	_ =	shalt  }
0x4c: {  	_ =	shalt  }
0x4d: {  	_ =	shalt  }
0x4e: {  	_ =	shalt  }
0x4f: {  	_ =	shalt  }
0x50: {  	_ =	shalt  }
0x51: {  	_ =	shalt  }
0x52: {  	_ =	shalt  }
0x53: {  	_ =	shalt  }
0x54: {  	_ =	shalt  }
0x55: {  	_ =	shalt  }
0x56: {  	_ =	shalt  }
0x57: {  	_ =	shalt  }
0x58: {  	_ =	shalt  }
0x59: {  	_ =	shalt  }
0x5a: {  	_ =	shalt  }
0x5b: {  	_ =	shalt  }
0x5c: {  	_ =	shalt  }
0x5d: {  	_ =	shalt  }
0x5e: {  	_ =	shalt  }
0x5f: {  	_ =	shalt  }
0x60: {  	_ =	shalt  }
0x61: {  	_ =	shalt  }
0x62: {  	_ =	shalt  }
0x63: {  	_ =	shalt  }
0x64: {  	_ =	shalt  }
0x65: {  	_ =	shalt  }
0x66: {  	_ =	shalt  }
0x67: {  	_ =	shalt  }
0x68: {  	_ =	shalt  }
0x69: {  	_ =	shalt  }
0x6a: {  	_ =	shalt  }
0x6b: {  	_ =	shalt  }
0x6c: {  	_ =	shalt  }
0x6d: {  	_ =	shalt  }
0x6e: {  	_ =	shalt  }
0x6f: {  	_ =	shalt  }
0x70: {  	_ =	shalt  }
0x71: {  	_ =	shalt  }
0x72: {  	_ =	shalt  }
0x73: {  	_ =	shalt  }
0x74: {  	_ =	shalt  }
0x75: {  	_ =	shalt  }
0x76: {  	_ =	shalt  }
0x77: {  	_ =	shalt  }
0x78: {  	_ =	shalt  }
0x79: {  	_ =	shalt  }
0x7a: {  	_ =	shalt  }
0x7b: {  	_ =	shalt  }
0x7c: {  	_ =	shalt  }
0x7d: {  	_ =	shalt  }
0x7e: {  	_ =	shalt  }
0x7f: {  	_ =	shalt  }
0x80: {  	_ =	shalt  }
0x81: {  	_ =	shalt  }
0x82: {  	_ =	shalt  }
0x83: {  	_ =	shalt  }
0x84: {  	_ =	shalt  }
0x85: {  	_ =	shalt  }
0x86: {  	_ =	shalt  }
0x87: {  	_ =	shalt  }
.Lfunc_end0:
.L_simem_size_0:
called_computation.5_lowered:
.L_overlay_start_0:
0x88: {  	s2 =	sld [smem:$0x3FD9]  }
0x89: {  	s3 =	sld [smem:$0x3FFE];
	_ =	sdelay $0x1  }
0x8a: {  	s1 =	srdreg.scid  }
0x8b: {  	s0 =	sand.u32 $0x1, s1  }
0x8c: {  	s17 =	sshll.u32 s0, $0xA;
	s2 =	sadd.s32 s3, s2  }
0x8d: {  	s2 =	sadd.s32 s2, s17  }
0x8e: {  	[smem:$0x3FBF] =	sst s2  }
0x8f: {  	_ = 	snop  }
0x90: {  	s2 =	sld [smem:$0x3FC7]  }
0x91: {  	s18 =	sld [smem:$0x3FD0];
	(tm) =	ssettm $0x1  }
0x92: {  	s4 =	sld [smem:$0x3FFB];
	_ =	sdelay $0x3  }
0x93: {  	_ =	strace s4  }
0x94: {  	s4 =	sld [smem:$0x3FFC];
	_ =	sdelay $0x3  }
0x95: {  	_ =	strace s4  }
0x96: {  	s4 =	sld [smem:$0x3FFD];
	_ =	sdelay $0x3  }
0x97: {  	_ =	strace s4  }
0x98: {  	_ =	strace $0x8FFFFFFF  }
0x99: {  	s19 =	sld [smem:$0x3FDB];
	_ =	sdelay $0x1  }
0x9a: {  	s5 =	simm.s32 $_scs_section_size  }
0x9b: {  	s6 =	simm.s32 $_size__tile_overlayer_lowered;
	s7 =	simm.s32 $_tile_overlayer_lowered  }
0x9c: {  	s22 =	simm.s32 $0x1BFF;
	s21 =	sshll.u32 s7, $0x1;
	s4 =	sadd.s32 s5, s19  }
0x9d: {  	s8 =	simm.s32 $0x0;
	s20 =	sshll.u32 s6, $0x1;
	s6 =	sadd.s32 s21, s4  }
0x9e: {  	[timem:s8], [sflag:s22] =	dma.local [hbm:s6], s20  }
0x9f: {  	_ =	swait.ge [sflag:s22], s20  }
0xa0: {  	s5 =	ssub.s32 $0x0, s20;
	[sflag:s22] =	ssyncset.done $0x0  }
0xa1: {  	[sflag:s22] =	ssyncadd.s32 s5;
	_ =	sdelay $0x1  }
0xa2: {  	s23 =	simm.s32 $0x1B8B  }
0xa3: {  	_ =	swait.ge [sflag:s23], $0x1  }
0xa4: {  	[sflag:s23] =	ssyncset.done $0x0  }
0xa5: {  	s25 =	simm.s32 $0x1B8E;
	s24 =	sld [smem:$0x3FFE];
	[sflag:s23] =	ssyncadd.s32 $0xFFFFFFFF  }
0xa6: {  	s26 =	simm.s32 $execute0_lowered;
	[smem:$0x3FD2] =	sst s25  }
0xa7: {  	s6 =	sshll.u32 s26, $0x1;
	_ =	strace $0x80000055;
	[dreg:$0x1] =	wrdreg $0xFFFFFFFF  }
0xa8: {  	s28 =	simm.s32 $_size_execute0_lowered;
	s4 =	sadd.s32 s4, s6;
	[dreg:$0x0] =	wrdreg $0x0  }
0xa9: {  	s6 =	sshll.u32 s28, $0x1;
	[dreg:$0x2] =	wrdreg s4  }
0xaa: {  	[dreg:$0x3] =	wrdreg s6  }
0xab: {  	[dreg:$0x4] =	wrdreg $0xC0  }
0xac: {  	_ =	task [dreg:s8], $0x5FFFF  }
0xad: {  	[dreg:$0x1] =	wrdreg $0xFFFFFFFF  }
0xae: {  	[dreg:$0x0] =	wrdreg $0x60  }
0xaf: {  	[dreg:$0x2] =	wrdreg s24  }
0xb0: {  	[dreg:$0x3] =	wrdreg s2  }
0xb1: {  	[dreg:$0x4] =	wrdreg s18  }
0xb2: {  	[dreg:$0x5] =	wrdreg $0x0  }
0xb3: {  	[dreg:$0x6] =	wrdreg $0x9  }
0xb4: {  	_ =	task.clear_ibuf [dreg:s8], $0x7FFFF;
	_ =	strace $0x90000055  }
0xb5: {  	s29 =	simm.s32 $0x9;
	_ =	strace $0x80000057  }
0xb6: {  	_ =	swait.ge [sflag:s29], $0x1  }
0xb7: {  	[sflag:s29] =	ssyncadd.s32 $0xFFFFFFFF  }
0xb8: {  	_ =	strace $0x90000057  }
0xb9: {  	_ =	sfence  }
0xba: {  	s30 =	sld [smem:$0x0];
	_ =	sdelay $0x2  }
0xbb: {  	s31 =	sshll.u32 s1, $0xD;
	s1 =	sshrl.u32 s1, $0x2  }
0xbc: {  	s3 =	sand.u32 $0x4000, s31;
	s1 =	sadd.s32 s1, s30  }
0xbd: {  	s0 =	sor.u32 s3, s0;
	s1 =	sshll.u32 s1, $0x11  }
0xbe: {  	s0 =	sor.u32 s1, s0  }
0xbf: {  	s0 =	sadd.s32 $0x8F2B, s0  }
0xc0: {  	[sflag:s0] =	ssyncadd.remote.s32 $0x1  }
0xc1: {  	_ =	sfence.sel $0xFFFF  }
0xc2: {  	[dreg:$0x0] =	wrdreg $0xFFFFFFFF;
	(pc) =	sbr.abs _section_cstart, $3  }
0xc3: {  	[dreg:$0x1] =	wrdreg $0xFFFFFFFF  }
0xc4: {  	_ =	task.clear_ibuf [dreg:s8], $0x2FFFF;
	_ =	strace $0x9FFFFFFF  }
0xc5: {  	(tm) =	ssettm $0x7FFFFFFF  }
tec
execute0_lowered:
.L_overlay_start_1:
0x0: {  	(tag) =	ssettag $0x1  }
0x1: {  	s5 =	rddreg [dreg:$0x0]  }
0x2: {  	s9 =	rddreg [dreg:$0x1]  }
0x3: {  	s2 =	rddreg [dreg:$0x2];
	s0 =	stileid.u32  }
0x4: {  	s1 =	srdreg.scid;
	s3 =	rddreg [dreg:$0x3]  }
0x5: {  	s4 =	simm.s32 $0x0;
	s14 =	simm.s32 $0x40;
	s15 =	simm.s32 $0x18830  }
0x6: {  	s16 =	simm.s32 $0x190;
	s17 =	simm.s32 $0x0;
	s7 =	smul.u32 $0x186A0, s0  }
0x7: {  	s6 =	sand.u32 $0x1, s1;
	s1 =	rddreg [dreg:$0x4];
	s10 =	smul.u32 $0x61A80, s0  }
0x8: {  	[smem:$0x7FF] =	sst s4;
	s31 =	sshll.u32 s0, $0x6;
	s13 =	smul.u32 $0x186A, s0  }
0x9: {  	s8 =	smul.u32 $0x186A00, s6;
	s11 =	ssub.s32 $0x2, s6;
	_ =	strace $0x80000056  }
0xa: {  	s6 =	sshll.u32 s6, $0x2;
	s12 =	sshrl.u32 s11, $0x1;
	s10 =	sadd.s32 s10, s5  }
0xb: {  	s30 =	sadd.s32 s7, s3;
	s9 =	sadd.s32 s13, s9;
	s13 =	simm.s32 $0x20  }
0xc: {  	s8 =	sadd.s32 s7, s8;
	s11 =	ssub.s32 s11, s12;
	s10 =	sadd.s32 s6, s10  }
0xd: {  	s12 =	simm.s32 $0x186A0;
	s8 =	sshrl.u32 s8, $0x3;
	s7 =	smax.u32 s11, $0x1  }
0xe: {  	s11 =	simm.s32 $0x1;
	s8 =	sadd.s32 s8, s5;
	s5 =	sor.u32 $0x1C01, s31  }
0xf: {  	s6 =	sadd.s32 $0xD5E000, s8;
	s8 =	sadd.s32 $0x743800, s10;
	s10 =	sshrl.u32 s30, $0x3  }
.LBB2_1:
0x10: {  	[spmem:s10], [sflag:s5] =	dma.local [hbm:s2], $0x30D4  }
0x11: {  	_ =	swait.ge [sflag:s11], $0x30D4  }
0x12: {  	[sflag:s11] =	ssyncset.done $0x0  }
0x13: {  	[sflag:s11] =	ssyncadd.s32 $0xFFFFCF2C  }
0x14: {  	s18 =	sadd.s32 $0x0, s9;
	[bflag:$0x0] =	sbarrier.arrive $0xFFFF  }
0x15: {  	[tilespmem:s12], [sflag:$0x1] =	stream.linear.gather [hbm4b:s18+s4], $0x190, $0x38;
	[tilespmem:$0x1BA30] =	vst v63  }
0x16: {  	_ =	swait.ge [sflag:s11], $0x190  }
0x17: {  	[sflag:s11] =	ssyncset.done $0x0  }
0x18: {  	[sflag:s11] =	ssyncadd.s32 $0xFFFFFE70  }
0x19: {  	[tilespmem:s15], [sflag:$0x1] =	stream.strided.gather [hbm4b:s8+s13], $0x3200, s14, s13, $0x38;
	[tilespmem:$0x1BA30] =	vst v63  }
0x1a: {  	_ =	swait.ge [sflag:s11], $0x3200  }
0x1b: {  	[sflag:s11] =	ssyncset.done $0x0  }
0x1c: {  	[sflag:s11] =	ssyncadd.s32 $0xFFFFCE00  }
0x1d: {  	[spmem:s3] =	stream.indirect.scatter.add.f32 [tilespmem:s15], [sflag:$0x1], $0x20, s12, s16, $0xb8;
	[tilespmem:$0x1BA30] =	vst v63  }
0x1e: {  	s19 =	simm.s32 $0x32;
	_ =	swait.ge [sflag:s11], $0x3200  }
0x1f: {  	s20 =	simm.s32 $0x64;
	s18 =	sadd.s32 $0xC80, s8;
	[sflag:s11] =	ssyncset.done $0x0  }
.LBB2_2:
0x20: {  	s21 =	sadd.s32 s19, s9  }
0x21: {  	[sflag:s11] =	ssyncadd.s32 $0xFFFFCE00;
	s19 =	smov.u32 s20;
	s22 =	sadd.s32 $0x32, s20  }
0x22: {  	[tilespmem:s12], [sflag:$0x1] =	stream.linear.gather [hbm4b:s21+s4], $0x190, $0x38;
	[tilespmem:$0x1BA30] =	vst v63  }
0x23: {  	p0 =	sne.s32 s20, $0x1838;
	_ =	swait.ge [sflag:s11], $0x190  }
0x24: {  	[sflag:s11] =	ssyncset.done $0x0  }
0x25: {  	[sflag:s11] =	ssyncadd.s32 $0xFFFFFE70  }
0x26: {  	[tilespmem:s15], [sflag:$0x1] =	stream.strided.gather [hbm4b:s18+s13], $0x3200, s14, s13, $0x38;
	[tilespmem:$0x1BA30] =	vst v63  }
0x27: {  	_ =	swait.ge [sflag:s11], $0x3200  }
.Ltmp0:
0x28: {  	[sflag:s11] =	ssyncset.done $0x0;
	(pc) =	sbr.rel @p0 .LBB2_2-.Ltmp0, $4  }
0x29: {  	[sflag:s11] =	ssyncadd.s32 $0xFFFFCE00  }
0x2a: {  	[spmem:s3] =	stream.indirect.scatter.add.f32 [tilespmem:s15], [sflag:$0x1], $0x20, s12, s16, $0xb8;
	[tilespmem:$0x1BA30] =	vst v63  }
0x2b: {  	_ =	swait.ge [sflag:s11], $0x3200  }
0x2c: {  	s20 =	smov.u32 s22;
	s18 =	sadd.s32 $0xC80, s18;
	[sflag:s11] =	ssyncset.done $0x0  }
0x2d: {  	s19 =	sadd.s32 s19, s9;
	[sflag:s11] =	ssyncadd.s32 $0xFFFFCE00  }
0x2e: {  	[tilespmem:s12], [sflag:$0x1] =	stream.linear.gather [hbm4b:s19+s4], $0x190, $0x38;
	[tilespmem:$0x1BA30] =	vst v63  }
0x2f: {  	_ =	swait.ge [sflag:s11], $0x190  }
0x30: {  	[sflag:s11] =	ssyncset.done $0x0  }
0x31: {  	[sflag:s11] =	ssyncadd.s32 $0xFFFFFE70  }
0x32: {  	[tilespmem:s15], [sflag:$0x1] =	stream.strided.gather [hbm4b:s18+s13], $0x3200, s14, s13, $0x38;
	[tilespmem:$0x1BA30] =	vst v63  }
0x33: {  	_ =	swait.ge [sflag:s11], $0x3200  }
0x34: {  	[sflag:s11] =	ssyncset.done $0x0  }
0x35: {  	[sflag:s11] =	ssyncadd.s32 $0xFFFFCE00  }
0x36: {  	[spmem:s3] =	stream.indirect.scatter.add.f32 [tilespmem:s15], [sflag:$0x1], $0x20, s12, s16, $0xb8;
	[tilespmem:$0x1BA30] =	vst v63  }
0x37: {  	_ =	swait.ge [sflag:s11], $0x3200  }
0x38: {  	s17 =	sadd.s32 $0x1, s17;
	[sflag:s11] =	ssyncset.done $0x0  }
0x39: {  	p0 =	sne.s32 s17, s7;
	[sflag:s11] =	ssyncadd.s32 $0xFFFFCE00  }
.Ltmp1:
0x3a: {  	[bflag:$0x0] =	sbarrier.arrive $0xFFFF;
	(pc) =	sbr.rel @p0 .LBB2_1-.Ltmp1, $4  }
0x3b: {  	[hbm:s6], [sflag:s5] =	dma.local [spmem:s10], $0x30D4  }
0x3c: {  	_ =	swait.ge [sflag:s11], $0x30D4  }
0x3d: {  	[sflag:s11] =	ssyncset.done $0x0  }
0x3e: {  	[sflag:s11] =	ssyncadd.s32 $0xFFFFCF2C  }
0x3f: {  	_ =	sfence.sel $0x180000  }
0x40: {  	[bflag:$0x0] =	sbarrier.arrive $0xFFFF  }
0x41: {  	p0 =	sne.s32 s0, $0x0;
	_ =	strace $0x90000056  }
0x42: {  	s0 =	sadd.s32 @!p0 $0x100000, s1;
	[bflag:$0x2] =	sbarrier.arrive $0xFFFF  }
0x43: {  	[sflag:s0] =	ssyncadd.tile.s32 @!p0 $0x1;
	_ =	shalt  }
.Lfunc_end2:
_tile_overlayer_lowered:
.L_overlay_start_2:
0x44: {  	(tag) =	ssettag $0x2  }
0x45: {  	s0 =	rddreg [dreg:$0x0];
	s2 =	stileid.u32  }
0x46: {  	s1 =	rddreg [dreg:$0x1];
	p0 =	sne.s32 s2, $0x0  }
0x47: {  	s3 =	rddreg [dreg:$0x2];
	[bflag:$0x3] =	sbarrier.arrive $0xFFFF;
	s2 =	simm.s32 @!p0 $0x1C01  }
0x48: {  	[timem:s3], [sflag:s2] =	dma.local @!p0 [hbm:s0], s1  }
0x49: {  	s0 =	simm.s32 @!p0 $0x1  }
0x4a: {  	_ =	swait.ge @!p0 [sflag:s0], s1  }
0x4b: {  	s1 =	ssub.s32 @!p0 $0x0, s1;
	[sflag:s0] =	ssyncset.done @!p0 $0x0  }
0x4c: {  	[sflag:s0] =	ssyncadd.s32 @!p0 s1  }
0x4d: {  	[bflag:$0x3] =	sbarrier.arrive $0xFFFF  }
0x4e: {  	_ =	shalt  }

// kernel: kernel.40.cloned.1.call-start
scs
__scs_entry_jumppad:
0x0: {  	(pc) =	sbr.rel $0x88, $3  }
0x1: {  	(tag) =	ssettag $0x0;
	lr =	simm.s32 $0x1  }
0x2: {  	[smem:$0x3F98] =	sst lr;
	_ =	strace $0xD0000000  }
0x3: {  	_ = 	snop  }
0x4: {  	_ = 	snop  }
0x5: {  	_ = 	snop  }
0x6: {  	_ = 	snop  }
0x7: {  	_ = 	snop  }
__scs_overlays_trampoline_lowered:
0x8: {  	[smem:$0x3FA7] =	sst s0  }
0x9: {  	[smem:$0x3FA8] =	sst s1  }
0xa: {  	[smem:$0x3FA9] =	sst s2  }
0xb: {  	[smem:$0x3FAA] =	sst s3  }
0xc: {  	[smem:$0x3FAB] =	sst s4  }
0xd: {  	[smem:$0x3FAC] =	sst s5  }
0xe: {  	[smem:$0x3FAD] =	sst s6  }
0xf: {  	[smem:$0x3FAE] =	sst s7  }
0x10: {  	[smem:$0x3FAF] =	sst s8  }
0x11: {  	[smem:$0x3FB0] =	sst s9;
	s0 =	simm.s32 @!p0 $0x0  }
0x12: {  	s1 =	sld [smem:$0x3F96];
	s0 =	simm.s32 @p0 $0x1  }
0x13: {  	[smem:$0x3FB1] =	sst s0;
	s0 =	simm.s32 @!p1 $0x0  }
0x14: {  	s2 =	sld [smem:$0x3F95];
	s0 =	simm.s32 @p1 $0x1  }
0x15: {  	[smem:$0x3FB2] =	sst s0;
	s0 =	simm.s32 @!p2 $0x0  }
0x16: {  	s3 =	sld [smem:$0x3FDB];
	s0 =	simm.s32 @p2 $0x1  }
0x17: {  	s4 =	simm.s32 $0x1BF5;
	[smem:$0x3FB4] =	sst s0  }
0x18: {  	s0 =	sld [smem:$0x3F97];
	_ =	swait.ge [sflag:s4], $0x0  }
0x19: {  	s7 =	sld [smem:$0x3F98]  }
0x1a: {  	s8 =	sadd.s32 $0xFFFFE003, lr  }
0x1b: {  	s9 =	sadd.s32 $0xFFFFFEF7, lr;
	s5 =	simm.s32 $0xFFFFFFFF;
	p2 =	slt.u32 s8, $0xFFFFF086  }
0x1c: {  	p1 =	slt.u32 s9, $0xF7A;
	s5 =	simm.s32 @!p2 $0x0  }
0x1d: {  	s5 =	simm.s32 @p1 $0x1;
	p0 =	seq.s32 s7, s2  }
0x1e: {  	s7 =	smul.u32 @!p0 $0xF7A, s2;
	p2 =	seq.s32 @!p0 s5, $0x0  }
0x1f: {  	s9 =	smul.u32 $0xF7A, s1;
	s8 =	simm.s32 @!p0 $0x1BF5;
	p2 =	por !p2, p0  }
0x20: {  	[sflag:s8] =	ssyncset.s32 @!p0 $0xFFFFF086;
	s6 =	sadd.s32 @!p0 s3, s7;
	s7 =	simm.s32 @!p0 $0x108  }
0x21: {  	s3 =	sadd.s32 s3, s9;
	s6 =	sadd.s32 @!p0 $0x88, s6;
	s7 =	simm.s32 @p2 $0x1082  }
0x22: {  	[simem:s7], [sflag:s8] =	dma.local @!p0 [hbm:s6], $0xF7A  }
0x23: {  	s9 =	sor.u32 $0xD0000000, s2;
	s6 =	simm.s32 $0x108;
	_ =	swait.ge @!p0 [sflag:s8], $0x0  }
0x24: {  	s3 =	sadd.s32 $0x88, s3;
	s6 =	simm.s32 @!p1 $0x1082;
	[sflag:s4] =	ssyncset.s32 $0xFFFFF086  }
0x25: {  	[simem:s6], [sflag:s4] =	dma.local [hbm:s3], $0xF7A  }
0x26: {  	[smem:$0x3F98] =	sst s1;
	(tag) =	ssettag s2;
	_ =	strace s9  }
0x27: {  	s1 =	sld [smem:$0x3FA8]  }
0x28: {  	s2 =	sld [smem:$0x3FA9]  }
0x29: {  	s4 =	sld [smem:$0x3FAB]  }
0x2a: {  	p0 =	seq.s32 s5, $0x0;
	s5 =	sld [smem:$0x3FAC]  }
0x2b: {  	s6 =	sld [smem:$0x3FAD]  }
0x2c: {  	s7 =	sld [smem:$0x3FAE]  }
0x2d: {  	s3 =	simm.s32 $0x108;
	s8 =	sld [smem:$0x3FAF]  }
0x2e: {  	s3 =	simm.s32 @!p0 $0x1082;
	s9 =	sld [smem:$0x3FB0]  }
0x2f: {  	lr =	sadd.s32 s0, s3;
	s0 =	sld [smem:$0x3FA7]  }
0x30: {  	s3 =	sld [smem:$0x3FAA]  }
0x31: {  	[smem:$0x3FB3] =	sst s10  }
0x32: {  	s10 =	sld [smem:$0x3FB1];
	_ =	sdelay $0x3  }
0x33: {  	p0 =	seq.s32 s10, $0x1;
	s10 =	sld [smem:$0x3FB3];
	_ =	sdelay $0x3  }
0x34: {  	[smem:$0x3FB3] =	sst s10  }
0x35: {  	s10 =	sld [smem:$0x3FB2];
	_ =	sdelay $0x3  }
0x36: {  	p1 =	seq.s32 s10, $0x1;
	s10 =	sld [smem:$0x3FB3];
	_ =	sdelay $0x3  }
0x37: {  	[smem:$0x3FB3] =	sst s10  }
0x38: {  	s10 =	sld [smem:$0x3FB4]  }
0x39: {  	_ = 	snop;
	(pc) =	sbr.ind lr, $3  }
0x3a: {  	_ = 	snop  }
0x3b: {  	_ = 	snop  }
0x3c: {  	p2 =	seq.s32 s10, $0x1;
	s10 =	sld [smem:$0x3FB3]  }
0x3d: {  	_ =	shalt  }
0x3e: {  	_ =	shalt  }
0x3f: {  	_ =	shalt  }
0x40: {  	_ =	shalt  }
0x41: {  	_ =	shalt  }
0x42: {  	_ =	shalt  }
0x43: {  	_ =	shalt  }
0x44: {  	_ =	shalt  }
0x45: {  	_ =	shalt  }
0x46: {  	_ =	shalt  }
0x47: {  	_ =	shalt  }
0x48: {  	_ =	shalt  }
0x49: {  	_ =	shalt  }
0x4a: {  	_ =	shalt  }
0x4b: {  	_ =	shalt  }
0x4c: {  	_ =	shalt  }
0x4d: {  	_ =	shalt  }
0x4e: {  	_ =	shalt  }
0x4f: {  	_ =	shalt  }
0x50: {  	_ =	shalt  }
0x51: {  	_ =	shalt  }
0x52: {  	_ =	shalt  }
0x53: {  	_ =	shalt  }
0x54: {  	_ =	shalt  }
0x55: {  	_ =	shalt  }
0x56: {  	_ =	shalt  }
0x57: {  	_ =	shalt  }
0x58: {  	_ =	shalt  }
0x59: {  	_ =	shalt  }
0x5a: {  	_ =	shalt  }
0x5b: {  	_ =	shalt  }
0x5c: {  	_ =	shalt  }
0x5d: {  	_ =	shalt  }
0x5e: {  	_ =	shalt  }
0x5f: {  	_ =	shalt  }
0x60: {  	_ =	shalt  }
0x61: {  	_ =	shalt  }
0x62: {  	_ =	shalt  }
0x63: {  	_ =	shalt  }
0x64: {  	_ =	shalt  }
0x65: {  	_ =	shalt  }
0x66: {  	_ =	shalt  }
0x67: {  	_ =	shalt  }
0x68: {  	_ =	shalt  }
0x69: {  	_ =	shalt  }
0x6a: {  	_ =	shalt  }
0x6b: {  	_ =	shalt  }
0x6c: {  	_ =	shalt  }
0x6d: {  	_ =	shalt  }
0x6e: {  	_ =	shalt  }
0x6f: {  	_ =	shalt  }
0x70: {  	_ =	shalt  }
0x71: {  	_ =	shalt  }
0x72: {  	_ =	shalt  }
0x73: {  	_ =	shalt  }
0x74: {  	_ =	shalt  }
0x75: {  	_ =	shalt  }
0x76: {  	_ =	shalt  }
0x77: {  	_ =	shalt  }
0x78: {  	_ =	shalt  }
0x79: {  	_ =	shalt  }
0x7a: {  	_ =	shalt  }
0x7b: {  	_ =	shalt  }
0x7c: {  	_ =	shalt  }
0x7d: {  	_ =	shalt  }
0x7e: {  	_ =	shalt  }
0x7f: {  	_ =	shalt  }
0x80: {  	_ =	shalt  }
0x81: {  	_ =	shalt  }
0x82: {  	_ =	shalt  }
0x83: {  	_ =	shalt  }
0x84: {  	_ =	shalt  }
0x85: {  	_ =	shalt  }
0x86: {  	_ =	shalt  }
0x87: {  	_ =	shalt  }
.Lfunc_end0:
.L_simem_size_0:
called_computation.6_lowered:
.L_overlay_start_0:
0x88: {  	s2 =	sld [smem:$0x3FD9]  }
0x89: {  	s3 =	sld [smem:$0x3FFE];
	_ =	sdelay $0x1  }
0x8a: {  	s1 =	srdreg.scid  }
0x8b: {  	s0 =	sand.u32 $0x1, s1  }
0x8c: {  	s17 =	sshll.u32 s0, $0xA;
	s2 =	sadd.s32 s3, s2  }
0x8d: {  	s2 =	sadd.s32 s2, s17  }
0x8e: {  	[smem:$0x3FBF] =	sst s2  }
0x8f: {  	_ = 	snop  }
0x90: {  	s2 =	sld [smem:$0x3FC8];
	(tm) =	ssettm $0x1  }
0x91: {  	s18 =	sld [smem:$0x3FFB];
	_ =	sdelay $0x3  }
0x92: {  	_ =	strace s18  }
0x93: {  	s3 =	sld [smem:$0x3FFC];
	_ =	sdelay $0x3  }
0x94: {  	_ =	strace s3  }
0x95: {  	s3 =	sld [smem:$0x3FFD];
	_ =	sdelay $0x3  }
0x96: {  	_ =	strace s3  }
0x97: {  	_ =	strace $0x8FFFFFFF  }
0x98: {  	s19 =	sld [smem:$0x3FDB];
	_ =	sdelay $0x1  }
0x99: {  	s4 =	simm.s32 $_scs_section_size  }
0x9a: {  	s5 =	simm.s32 $_size__tile_overlayer_lowered;
	s6 =	simm.s32 $_tile_overlayer_lowered  }
0x9b: {  	s22 =	simm.s32 $0x1BFF;
	s21 =	sshll.u32 s6, $0x1;
	s3 =	sadd.s32 s4, s19  }
0x9c: {  	s7 =	simm.s32 $0x0;
	s20 =	sshll.u32 s5, $0x1;
	s5 =	sadd.s32 s21, s3  }
0x9d: {  	[timem:s7], [sflag:s22] =	dma.local [hbm:s5], s20  }
0x9e: {  	_ =	swait.ge [sflag:s22], s20  }
0x9f: {  	s4 =	ssub.s32 $0x0, s20;
	[sflag:s22] =	ssyncset.done $0x0  }
0xa0: {  	[sflag:s22] =	ssyncadd.s32 s4;
	_ =	sdelay $0x1  }
0xa1: {  	s23 =	simm.s32 $0x1B8B  }
0xa2: {  	_ =	swait.ge [sflag:s23], $0x1  }
0xa3: {  	[sflag:s23] =	ssyncset.done $0x0  }
0xa4: {  	s25 =	simm.s32 $0x1B8E;
	s24 =	sld [smem:$0x3FFE];
	[sflag:s23] =	ssyncadd.s32 $0xFFFFFFFF  }
0xa5: {  	s26 =	simm.s32 $execute0_lowered;
	[smem:$0x3FD2] =	sst s25  }
0xa6: {  	s5 =	sshll.u32 s26, $0x1;
	_ =	strace $0x80000058;
	[dreg:$0x1] =	wrdreg $0xFFFFFFFF  }
0xa7: {  	s28 =	simm.s32 $_size_execute0_lowered;
	s3 =	sadd.s32 s3, s5;
	[dreg:$0x0] =	wrdreg $0x0  }
0xa8: {  	s5 =	sshll.u32 s28, $0x1;
	[dreg:$0x2] =	wrdreg s3  }
0xa9: {  	[dreg:$0x3] =	wrdreg s5  }
0xaa: {  	[dreg:$0x4] =	wrdreg $0xC0  }
0xab: {  	_ =	task [dreg:s7], $0x5FFFF  }
0xac: {  	[dreg:$0x1] =	wrdreg $0xFFFFFFFF  }
0xad: {  	[dreg:$0x0] =	wrdreg $0x60  }
0xae: {  	[dreg:$0x2] =	wrdreg s24  }
0xaf: {  	[dreg:$0x3] =	wrdreg s2  }
0xb0: {  	[dreg:$0x4] =	wrdreg $0x9  }
0xb1: {  	_ =	task.clear_ibuf [dreg:s7], $0x5FFFF;
	_ =	strace $0x90000058  }
0xb2: {  	s29 =	simm.s32 $0x9;
	_ =	strace $0x8000005A  }
0xb3: {  	_ =	swait.ge [sflag:s29], $0x1  }
0xb4: {  	[sflag:s29] =	ssyncadd.s32 $0xFFFFFFFF  }
0xb5: {  	_ =	strace $0x9000005A  }
0xb6: {  	_ =	sfence  }
0xb7: {  	s30 =	sld [smem:$0x0];
	_ =	sdelay $0x2  }
0xb8: {  	s31 =	sshll.u32 s1, $0xD;
	s1 =	sshrl.u32 s1, $0x2  }
0xb9: {  	s3 =	sand.u32 $0x4000, s31;
	s1 =	sadd.s32 s1, s30  }
0xba: {  	s0 =	sor.u32 s3, s0;
	s1 =	sshll.u32 s1, $0x11  }
0xbb: {  	s0 =	sor.u32 s1, s0  }
0xbc: {  	s0 =	sadd.s32 $0x8F2B, s0  }
0xbd: {  	[sflag:s0] =	ssyncadd.remote.s32 $0x1  }
0xbe: {  	_ =	sfence.sel $0xFFFF  }
0xbf: {  	[dreg:$0x0] =	wrdreg $0xFFFFFFFF;
	(pc) =	sbr.abs _section_cstart, $3  }
0xc0: {  	[dreg:$0x1] =	wrdreg $0xFFFFFFFF  }
0xc1: {  	_ =	task.clear_ibuf [dreg:s7], $0x2FFFF;
	_ =	strace $0x9FFFFFFF  }
0xc2: {  	(tm) =	ssettm $0x7FFFFFFF  }
0xc3: {  	_ =	shalt  }
tec
execute0_lowered:
.L_overlay_start_1:
0x0: {  	(tag) =	ssettag $0x1  }
0x1: {  	s3 =	rddreg [dreg:$0x0]  }
0x2: {  	s6 =	rddreg [dreg:$0x1]  }
0x3: {  	s0 =	rddreg [dreg:$0x2];
	s1 =	stileid.u32  }
0x4: {  	s2 =	simm.s32 $0x0;
	s5 =	srdreg.scid;
	s4 =	smul.u32 $0x61A80, s1  }
0x5: {  	[smem:$0x7FF] =	sst s2;
	s5 =	sand.u32 $0x1, s5;
	s7 =	smul.u32 $0xC350, s1  }
0x6: {  	_ =	strace $0x80000059;
	s8 =	ssub.s32 $0x2, s5;
	s9 =	smul.u32 $0x61A8, s5  }
0x7: {  	s5 =	smul.u32 $0x30D40, s5;
	s10 =	sadd.s32 s4, s3;
	s31 =	sshrl.u32 s8, $0x1  }
0x8: {  	s3 =	sadd.s32 $0x1190800, s3;
	s4 =	ssub.s32 s8, s31;
	s7 =	sadd.s32 s9, s7  }
0x9: {  	s5 =	sadd.s32 s5, s10;
	s8 =	simm.s32 $0x3E8;
	s9 =	simm.s32 $0x1  }
0xa: {  	s10 =	simm.s32 $0x0;
	s4 =	smax.u32 s4, $0x1;
	s7 =	sshrl.u32 s7, $0x3  }
0xb: {  	s5 =	sadd.s32 $0x3E00, s5;
	s6 =	sadd.s32 s7, s6;
	s7 =	simm.s32 $0x2  }
.LBB2_1:
0xc: {  	s11 =	sadd.s32 $0x0, s6  }
0xd: {  	[tilespmem:s2], [sflag:$0x2] =	stream.linear.gather [hbm4b:s11+s2], $0x3E8, $0x38;
	[tilespmem:$0xFDE8] =	vst v63  }
0xe: {  	_ =	swait.ge [sflag:s7], $0x3E8  }
0xf: {  	[sflag:s7] =	ssyncset.done $0x0  }
0x10: {  	[sflag:s7] =	ssyncadd.s32 $0xFFFFFC18  }
0x11: {  	[tilespmem:s8], [sflag:$0x1] =	stream.indirect.gather [hbm4b:s3+s8], $0x40, s2, s8, $0xb8;
	[tilespmem:$0xFDE8] =	vst v63  }
0x12: {  	_ =	swait.ge [sflag:s9], $0xFA00  }
0x13: {  	[sflag:s9] =	ssyncset.done $0x0  }
0x14: {  	[sflag:s9] =	ssyncadd.s32 $0xFFFF0600  }
0x15: {  	[hbm4b:s5+s2] =	stream.linear.scatter [tilespmem:s8], [sflag:$0x2], $0xFA00, $0x38;
	[tilespmem:$0xFDE8] =	vst v63  }
0x16: {  	s12 =	simm.s32 $0x7D;
	_ =	swait.ge [sflag:s7], $0xFA00  }
0x17: {  	s13 =	simm.s32 $0xFA;
	s11 =	sadd.s32 $0x1F40, s5;
	[sflag:s7] =	ssyncset.done $0x0  }
.LBB2_2:
0x18: {  	s14 =	sadd.s32 s12, s6  }
0x19: {  	[sflag:s7] =	ssyncadd.s32 $0xFFFF0600;
	s12 =	smov.u32 s13;
	s15 =	sadd.s32 $0x7D, s13  }
0x1a: {  	[tilespmem:s2], [sflag:$0x2] =	stream.linear.gather [hbm4b:s14+s2], $0x3E8, $0x38;
	[tilespmem:$0xFDE8] =	vst v63  }
0x1b: {  	p0 =	sne.s32 s13, $0xBB8;
	_ =	swait.ge [sflag:s7], $0x3E8  }
0x1c: {  	[sflag:s7] =	ssyncset.done $0x0  }
0x1d: {  	[sflag:s7] =	ssyncadd.s32 $0xFFFFFC18  }
0x1e: {  	[tilespmem:s8], [sflag:$0x1] =	stream.indirect.gather [hbm4b:s3+s8], $0x40, s2, s8, $0xb8;
	[tilespmem:$0xFDE8] =	vst v63  }
0x1f: {  	_ =	swait.ge [sflag:s9], $0xFA00  }
.Ltmp0:
0x20: {  	[sflag:s9] =	ssyncset.done $0x0;
	(pc) =	sbr.rel @p0 .LBB2_2-.Ltmp0, $4  }
0x21: {  	[sflag:s9] =	ssyncadd.s32 $0xFFFF0600  }
0x22: {  	[hbm4b:s11+s2] =	stream.linear.scatter [tilespmem:s8], [sflag:$0x2], $0xFA00, $0x38;
	[tilespmem:$0xFDE8] =	vst v63  }
0x23: {  	_ =	swait.ge [sflag:s7], $0xFA00  }
0x24: {  	s13 =	smov.u32 s15;
	s11 =	sadd.s32 $0x1F40, s11;
	[sflag:s7] =	ssyncset.done $0x0  }
0x25: {  	s12 =	sadd.s32 s12, s6;
	[sflag:s7] =	ssyncadd.s32 $0xFFFF0600  }
0x26: {  	[tilespmem:s2], [sflag:$0x2] =	stream.linear.gather [hbm4b:s12+s2], $0x3E8, $0x38;
	[tilespmem:$0xFDE8] =	vst v63  }
0x27: {  	_ =	swait.ge [sflag:s7], $0x3E8  }
0x28: {  	[sflag:s7] =	ssyncset.done $0x0  }
0x29: {  	[sflag:s7] =	ssyncadd.s32 $0xFFFFFC18  }
0x2a: {  	[tilespmem:s8], [sflag:$0x1] =	stream.indirect.gather [hbm4b:s3+s8], $0x40, s2, s8, $0xb8;
	[tilespmem:$0xFDE8] =	vst v63  }
0x2b: {  	s10 =	sadd.s32 $0x1, s10;
	_ =	swait.ge [sflag:s9], $0xFA00  }
0x2c: {  	p0 =	sne.s32 s10, s4;
	[sflag:s9] =	ssyncset.done $0x0  }
.Ltmp1:
0x2d: {  	[sflag:s9] =	ssyncadd.s32 $0xFFFF0600;
	(pc) =	sbr.rel @p0 .LBB2_1-.Ltmp1, $4  }
0x2e: {  	[hbm4b:s11+s2] =	stream.linear.scatter [tilespmem:s8], [sflag:$0x2], $0xFA00, $0x38;
	[tilespmem:$0xFDE8] =	vst v63  }
0x2f: {  	_ =	swait.ge [sflag:s7], $0xFA00  }
0x30: {  	[sflag:s7] =	ssyncset.done $0x0  }
0x31: {  	[sflag:s7] =	ssyncadd.s32 $0xFFFF0600  }
0x32: {  	_ =	sfence.sel $0x180000  }
0x33: {  	[bflag:$0x0] =	sbarrier.arrive $0xFFFF  }
0x34: {  	p0 =	sne.s32 s1, $0x0;
	_ =	strace $0x90000059  }
0x35: {  	s0 =	sadd.s32 @!p0 $0x100000, s0;
	[bflag:$0x2] =	sbarrier.arrive $0xFFFF  }
0x36: {  	[sflag:s0] =	ssyncadd.tile.s32 @!p0 $0x1;
	_ =	shalt  }
.Lfunc_end2:
_tile_overlayer_lowered:
.L_overlay_start_2:
0x37: {  	(tag) =	ssettag $0x2  }
0x38: {  	s0 =	rddreg [dreg:$0x0];
	s2 =	stileid.u32  }
0x39: {  	s1 =	rddreg [dreg:$0x1];
	p0 =	sne.s32 s2, $0x0  }
0x3a: {  	s3 =	rddreg [dreg:$0x2];
	[bflag:$0x3] =	sbarrier.arrive $0xFFFF;
	s2 =	simm.s32 @!p0 $0x1C02  }
0x3b: {  	[timem:s3], [sflag:s2] =	dma.local @!p0 [hbm:s0], s1  }
0x3c: {  	s0 =	simm.s32 @!p0 $0x2  }
0x3d: {  	_ =	swait.ge @!p0 [sflag:s0], s1  }
0x3e: {  	s1 =	ssub.s32 @!p0 $0x0, s1;
	[sflag:s0] =	ssyncset.done @!p0 $0x0  }
0x3f: {  	[sflag:s0] =	ssyncadd.s32 @!p0 s1  }
0x40: {  	[bflag:$0x3] =	sbarrier.arrive $0xFFFF  }
0x41: {  	_ =	shalt  }

// kernel: kernel.43.cloned.1.call-start
scs
__scs_entry_jumppad:
0x0: {  	(pc) =	sbr.rel $0x88, $3  }
0x1: {  	(tag) =	ssettag $0x0;
	lr =	simm.s32 $0x1  }
0x2: {  	[smem:$0x3F98] =	sst lr;
	_ =	strace $0xD0000000  }
0x3: {  	_ = 	snop  }
0x4: {  	_ = 	snop  }
0x5: {  	_ = 	snop  }
0x6: {  	_ = 	snop  }
0x7: {  	_ = 	snop  }
__scs_overlays_trampoline_lowered:
0x8: {  	[smem:$0x3FA7] =	sst s0  }
0x9: {  	[smem:$0x3FA8] =	sst s1  }
0xa: {  	[smem:$0x3FA9] =	sst s2  }
0xb: {  	[smem:$0x3FAA] =	sst s3  }
0xc: {  	[smem:$0x3FAB] =	sst s4  }
0xd: {  	[smem:$0x3FAC] =	sst s5  }
0xe: {  	[smem:$0x3FAD] =	sst s6  }
0xf: {  	[smem:$0x3FAE] =	sst s7  }
0x10: {  	[smem:$0x3FAF] =	sst s8  }
0x11: {  	[smem:$0x3FB0] =	sst s9;
	s0 =	simm.s32 @!p0 $0x0  }
0x12: {  	s1 =	sld [smem:$0x3F96];
	s0 =	simm.s32 @p0 $0x1  }
0x13: {  	[smem:$0x3FB1] =	sst s0;
	s0 =	simm.s32 @!p1 $0x0  }
0x14: {  	s2 =	sld [smem:$0x3F95];
	s0 =	simm.s32 @p1 $0x1  }
0x15: {  	[smem:$0x3FB2] =	sst s0;
	s0 =	simm.s32 @!p2 $0x0  }
0x16: {  	s3 =	sld [smem:$0x3FDB];
	s0 =	simm.s32 @p2 $0x1  }
0x17: {  	s4 =	simm.s32 $0x1BF5;
	[smem:$0x3FB4] =	sst s0  }
0x18: {  	s0 =	sld [smem:$0x3F97];
	_ =	swait.ge [sflag:s4], $0x0  }
0x19: {  	s7 =	sld [smem:$0x3F98]  }
0x1a: {  	s8 =	sadd.s32 $0xFFFFE003, lr  }
0x1b: {  	s9 =	sadd.s32 $0xFFFFFEF7, lr;
	s5 =	simm.s32 $0xFFFFFFFF;
	p2 =	slt.u32 s8, $0xFFFFF086  }
0x1c: {  	p1 =	slt.u32 s9, $0xF7A;
	s5 =	simm.s32 @!p2 $0x0  }
0x1d: {  	s5 =	simm.s32 @p1 $0x1;
	p0 =	seq.s32 s7, s2  }
0x1e: {  	s7 =	smul.u32 @!p0 $0xF7A, s2;
	p2 =	seq.s32 @!p0 s5, $0x0  }
0x1f: {  	s9 =	smul.u32 $0xF7A, s1;
	s8 =	simm.s32 @!p0 $0x1BF5;
	p2 =	por !p2, p0  }
0x20: {  	[sflag:s8] =	ssyncset.s32 @!p0 $0xFFFFF086;
	s6 =	sadd.s32 @!p0 s3, s7;
	s7 =	simm.s32 @!p0 $0x108  }
0x21: {  	s3 =	sadd.s32 s3, s9;
	s6 =	sadd.s32 @!p0 $0x88, s6;
	s7 =	simm.s32 @p2 $0x1082  }
0x22: {  	[simem:s7], [sflag:s8] =	dma.local @!p0 [hbm:s6], $0xF7A  }
0x23: {  	s9 =	sor.u32 $0xD0000000, s2;
	s6 =	simm.s32 $0x108;
	_ =	swait.ge @!p0 [sflag:s8], $0x0  }
0x24: {  	s3 =	sadd.s32 $0x88, s3;
	s6 =	simm.s32 @!p1 $0x1082;
	[sflag:s4] =	ssyncset.s32 $0xFFFFF086  }
0x25: {  	[simem:s6], [sflag:s4] =	dma.local [hbm:s3], $0xF7A  }
0x26: {  	[smem:$0x3F98] =	sst s1;
	(tag) =	ssettag s2;
	_ =	strace s9  }
0x27: {  	s1 =	sld [smem:$0x3FA8]  }
0x28: {  	s2 =	sld [smem:$0x3FA9]  }
0x29: {  	s4 =	sld [smem:$0x3FAB]  }
0x2a: {  	p0 =	seq.s32 s5, $0x0;
	s5 =	sld [smem:$0x3FAC]  }
0x2b: {  	s6 =	sld [smem:$0x3FAD]  }
0x2c: {  	s7 =	sld [smem:$0x3FAE]  }
0x2d: {  	s3 =	simm.s32 $0x108;
	s8 =	sld [smem:$0x3FAF]  }
0x2e: {  	s3 =	simm.s32 @!p0 $0x1082;
	s9 =	sld [smem:$0x3FB0]  }
0x2f: {  	lr =	sadd.s32 s0, s3;
	s0 =	sld [smem:$0x3FA7]  }
0x30: {  	s3 =	sld [smem:$0x3FAA]  }
0x31: {  	[smem:$0x3FB3] =	sst s10  }
0x32: {  	s10 =	sld [smem:$0x3FB1];
	_ =	sdelay $0x3  }
0x33: {  	p0 =	seq.s32 s10, $0x1;
	s10 =	sld [smem:$0x3FB3];
	_ =	sdelay $0x3  }
0x34: {  	[smem:$0x3FB3] =	sst s10  }
0x35: {  	s10 =	sld [smem:$0x3FB2];
	_ =	sdelay $0x3  }
0x36: {  	p1 =	seq.s32 s10, $0x1;
	s10 =	sld [smem:$0x3FB3];
	_ =	sdelay $0x3  }
0x37: {  	[smem:$0x3FB3] =	sst s10  }
0x38: {  	s10 =	sld [smem:$0x3FB4]  }
0x39: {  	_ = 	snop;
	(pc) =	sbr.ind lr, $3  }
0x3a: {  	_ = 	snop  }
0x3b: {  	_ = 	snop  }
0x3c: {  	p2 =	seq.s32 s10, $0x1;
	s10 =	sld [smem:$0x3FB3]  }
0x3d: {  	_ =	shalt  }
0x3e: {  	_ =	shalt  }
0x3f: {  	_ =	shalt  }
0x40: {  	_ =	shalt  }
0x41: {  	_ =	shalt  }
0x42: {  	_ =	shalt  }
0x43: {  	_ =	shalt  }
0x44: {  	_ =	shalt  }
0x45: {  	_ =	shalt  }
0x46: {  	_ =	shalt  }
0x47: {  	_ =	shalt  }
0x48: {  	_ =	shalt  }
0x49: {  	_ =	shalt  }
0x4a: {  	_ =	shalt  }
0x4b: {  	_ =	shalt  }
0x4c: {  	_ =	shalt  }
0x4d: {  	_ =	shalt  }
0x4e: {  	_ =	shalt  }
0x4f: {  	_ =	shalt  }
0x50: {  	_ =	shalt  }
0x51: {  	_ =	shalt  }
0x52: {  	_ =	shalt  }
0x53: {  	_ =	shalt  }
0x54: {  	_ =	shalt  }
0x55: {  	_ =	shalt  }
0x56: {  	_ =	shalt  }
0x57: {  	_ =	shalt  }
0x58: {  	_ =	shalt  }
0x59: {  	_ =	shalt  }
0x5a: {  	_ =	shalt  }
0x5b: {  	_ =	shalt  }
0x5c: {  	_ =	shalt  }
0x5d: {  	_ =	shalt  }
0x5e: {  	_ =	shalt  }
0x5f: {  	_ =	shalt  }
0x60: {  	_ =	shalt  }
0x61: {  	_ =	shalt  }
0x62: {  	_ =	shalt  }
0x63: {  	_ =	shalt  }
0x64: {  	_ =	shalt  }
0x65: {  	_ =	shalt  }
0x66: {  	_ =	shalt  }
0x67: {  	_ =	shalt  }
0x68: {  	_ =	shalt  }
0x69: {  	_ =	shalt  }
0x6a: {  	_ =	shalt  }
0x6b: {  	_ =	shalt  }
0x6c: {  	_ =	shalt  }
0x6d: {  	_ =	shalt  }
0x6e: {  	_ =	shalt  }
0x6f: {  	_ =	shalt  }
0x70: {  	_ =	shalt  }
0x71: {  	_ =	shalt  }
0x72: {  	_ =	shalt  }
0x73: {  	_ =	shalt  }
0x74: {  	_ =	shalt  }
0x75: {  	_ =	shalt  }
0x76: {  	_ =	shalt  }
0x77: {  	_ =	shalt  }
0x78: {  	_ =	shalt  }
0x79: {  	_ =	shalt  }
0x7a: {  	_ =	shalt  }
0x7b: {  	_ =	shalt  }
0x7c: {  	_ =	shalt  }
0x7d: {  	_ =	shalt  }
0x7e: {  	_ =	shalt  }
0x7f: {  	_ =	shalt  }
0x80: {  	_ =	shalt  }
0x81: {  	_ =	shalt  }
0x82: {  	_ =	shalt  }
0x83: {  	_ =	shalt  }
0x84: {  	_ =	shalt  }
0x85: {  	_ =	shalt  }
0x86: {  	_ =	shalt  }
0x87: {  	_ =	shalt  }
.Lfunc_end0:
.L_simem_size_0:
called_computation.7_lowered:
.L_overlay_start_0:
0x88: {  	s2 =	sld [smem:$0x3FD9]  }
0x89: {  	s3 =	sld [smem:$0x3FFE];
	_ =	sdelay $0x1  }
0x8a: {  	s1 =	srdreg.scid  }
0x8b: {  	s0 =	sand.u32 $0x1, s1  }
0x8c: {  	s17 =	sshll.u32 s0, $0xA;
	s2 =	sadd.s32 s3, s2  }
0x8d: {  	s2 =	sadd.s32 s2, s17  }
0x8e: {  	[smem:$0x3FBF] =	sst s2  }
0x8f: {  	_ = 	snop  }
0x90: {  	s2 =	sld [smem:$0x3FC7]  }
0x91: {  	s18 =	sld [smem:$0x3FD0];
	(tm) =	ssettm $0x1  }
0x92: {  	s4 =	sld [smem:$0x3FFB];
	_ =	sdelay $0x3  }
0x93: {  	_ =	strace s4  }
0x94: {  	s4 =	sld [smem:$0x3FFC];
	_ =	sdelay $0x3  }
0x95: {  	_ =	strace s4  }
0x96: {  	s4 =	sld [smem:$0x3FFD];
	_ =	sdelay $0x3  }
0x97: {  	_ =	strace s4  }
0x98: {  	_ =	strace $0x8FFFFFFF  }
0x99: {  	s19 =	sld [smem:$0x3FDB];
	_ =	sdelay $0x1  }
0x9a: {  	s5 =	simm.s32 $_scs_section_size  }
0x9b: {  	s6 =	simm.s32 $_size__tile_overlayer_lowered;
	s7 =	simm.s32 $_tile_overlayer_lowered  }
0x9c: {  	s22 =	simm.s32 $0x1BFF;
	s21 =	sshll.u32 s7, $0x1;
	s4 =	sadd.s32 s5, s19  }
0x9d: {  	s8 =	simm.s32 $0x0;
	s20 =	sshll.u32 s6, $0x1;
	s6 =	sadd.s32 s21, s4  }
0x9e: {  	[timem:s8], [sflag:s22] =	dma.local [hbm:s6], s20  }
0x9f: {  	_ =	swait.ge [sflag:s22], s20  }
0xa0: {  	s5 =	ssub.s32 $0x0, s20;
	[sflag:s22] =	ssyncset.done $0x0  }
0xa1: {  	[sflag:s22] =	ssyncadd.s32 s5;
	_ =	sdelay $0x1  }
0xa2: {  	s23 =	simm.s32 $0x1B8B  }
0xa3: {  	_ =	swait.ge [sflag:s23], $0x1  }
0xa4: {  	[sflag:s23] =	ssyncset.done $0x0  }
0xa5: {  	s25 =	simm.s32 $0x1B8E;
	s24 =	sld [smem:$0x3FFE];
	[sflag:s23] =	ssyncadd.s32 $0xFFFFFFFF  }
0xa6: {  	s26 =	simm.s32 $execute0_lowered;
	[smem:$0x3FD2] =	sst s25  }
0xa7: {  	s6 =	sshll.u32 s26, $0x1;
	_ =	strace $0x8000005B;
	[dreg:$0x1] =	wrdreg $0xFFFFFFFF  }
0xa8: {  	s28 =	simm.s32 $_size_execute0_lowered;
	s4 =	sadd.s32 s4, s6;
	[dreg:$0x0] =	wrdreg $0x0  }
0xa9: {  	s6 =	sshll.u32 s28, $0x1;
	[dreg:$0x2] =	wrdreg s4  }
0xaa: {  	[dreg:$0x3] =	wrdreg s6  }
0xab: {  	[dreg:$0x4] =	wrdreg $0xC0  }
0xac: {  	_ =	task [dreg:s8], $0x5FFFF  }
0xad: {  	[dreg:$0x1] =	wrdreg $0xFFFFFFFF  }
0xae: {  	[dreg:$0x0] =	wrdreg $0x60  }
0xaf: {  	[dreg:$0x2] =	wrdreg s24  }
0xb0: {  	[dreg:$0x3] =	wrdreg s2  }
0xb1: {  	[dreg:$0x4] =	wrdreg s18  }
0xb2: {  	[dreg:$0x5] =	wrdreg $0x0  }
0xb3: {  	[dreg:$0x6] =	wrdreg $0x9  }
0xb4: {  	_ =	task.clear_ibuf [dreg:s8], $0x7FFFF;
	_ =	strace $0x9000005B  }
0xb5: {  	s29 =	simm.s32 $0x9;
	_ =	strace $0x8000005D  }
0xb6: {  	_ =	swait.ge [sflag:s29], $0x1  }
0xb7: {  	[sflag:s29] =	ssyncadd.s32 $0xFFFFFFFF  }
0xb8: {  	_ =	strace $0x9000005D  }
0xb9: {  	_ =	sfence  }
0xba: {  	s30 =	sld [smem:$0x0];
	_ =	sdelay $0x2  }
0xbb: {  	s31 =	sshll.u32 s1, $0xD;
	s1 =	sshrl.u32 s1, $0x2  }
0xbc: {  	s3 =	sand.u32 $0x4000, s31;
	s1 =	sadd.s32 s1, s30  }
0xbd: {  	s0 =	sor.u32 s3, s0;
	s1 =	sshll.u32 s1, $0x11  }
0xbe: {  	s0 =	sor.u32 s1, s0  }
0xbf: {  	s0 =	sadd.s32 $0x8F2B, s0  }
0xc0: {  	[sflag:s0] =	ssyncadd.remote.s32 $0x1  }
0xc1: {  	_ =	sfence.sel $0xFFFF  }
0xc2: {  	[dreg:$0x0] =	wrdreg $0xFFFFFFFF;
	(pc) =	sbr.abs _section_cstart, $3  }
0xc3: {  	[dreg:$0x1] =	wrdreg $0xFFFFFFFF  }
0xc4: {  	_ =	task.clear_ibuf [dreg:s8], $0x2FFFF;
	_ =	strace $0x9FFFFFFF  }
0xc5: {  	(tm) =	ssettm $0x7FFFFFFF  }
tec
execute0_lowered:
.L_overlay_start_1:
0x0: {  	(tag) =	ssettag $0x1  }
0x1: {  	s5 =	rddreg [dreg:$0x0]  }
0x2: {  	s9 =	rddreg [dreg:$0x1]  }
0x3: {  	s2 =	rddreg [dreg:$0x2];
	s0 =	stileid.u32  }
0x4: {  	s1 =	srdreg.scid;
	s3 =	rddreg [dreg:$0x3]  }
0x5: {  	s4 =	simm.s32 $0x0;
	s14 =	simm.s32 $0x40;
	s15 =	simm.s32 $0x18830  }
0x6: {  	s16 =	simm.s32 $0x190;
	s17 =	simm.s32 $0x0;
	s7 =	smul.u32 $0x186A0, s0  }
0x7: {  	s6 =	sand.u32 $0x1, s1;
	s1 =	rddreg [dreg:$0x4];
	s10 =	smul.u32 $0x61A80, s0  }
0x8: {  	[smem:$0x7FF] =	sst s4;
	s31 =	sshll.u32 s0, $0x6;
	s13 =	smul.u32 $0x186A, s0  }
0x9: {  	s8 =	smul.u32 $0x186A00, s6;
	s11 =	ssub.s32 $0x2, s6;
	_ =	strace $0x8000005C  }
0xa: {  	s6 =	sshll.u32 s6, $0x2;
	s12 =	sshrl.u32 s11, $0x1;
	s10 =	sadd.s32 s10, s5  }
0xb: {  	s30 =	sadd.s32 s7, s3;
	s9 =	sadd.s32 s13, s9;
	s13 =	simm.s32 $0x20  }
0xc: {  	s8 =	sadd.s32 s7, s8;
	s11 =	ssub.s32 s11, s12;
	s10 =	sadd.s32 s6, s10  }
0xd: {  	s12 =	simm.s32 $0x186A0;
	s8 =	sshrl.u32 s8, $0x3;
	s7 =	smax.u32 s11, $0x1  }
0xe: {  	s11 =	simm.s32 $0x1;
	s8 =	sadd.s32 s8, s5;
	s5 =	sor.u32 $0x1C01, s31  }
0xf: {  	s6 =	sadd.s32 $0x3E00, s8;
	s8 =	sadd.s32 $0x61E600, s10;
	s10 =	sshrl.u32 s30, $0x3  }
.LBB2_1:
0x10: {  	[spmem:s10], [sflag:s5] =	dma.local [hbm:s2], $0x30D4  }
0x11: {  	_ =	swait.ge [sflag:s11], $0x30D4  }
0x12: {  	[sflag:s11] =	ssyncset.done $0x0  }
0x13: {  	[sflag:s11] =	ssyncadd.s32 $0xFFFFCF2C  }
0x14: {  	s18 =	sadd.s32 $0x0, s9;
	[bflag:$0x0] =	sbarrier.arrive $0xFFFF  }
0x15: {  	[tilespmem:s12], [sflag:$0x1] =	stream.linear.gather [hbm4b:s18+s4], $0x190, $0x38;
	[tilespmem:$0x1BA30] =	vst v63  }
0x16: {  	_ =	swait.ge [sflag:s11], $0x190  }
0x17: {  	[sflag:s11] =	ssyncset.done $0x0  }
0x18: {  	[sflag:s11] =	ssyncadd.s32 $0xFFFFFE70  }
0x19: {  	[tilespmem:s15], [sflag:$0x1] =	stream.strided.gather [hbm4b:s8+s13], $0x3200, s14, s13, $0x38;
	[tilespmem:$0x1BA30] =	vst v63  }
0x1a: {  	_ =	swait.ge [sflag:s11], $0x3200  }
0x1b: {  	[sflag:s11] =	ssyncset.done $0x0  }
0x1c: {  	[sflag:s11] =	ssyncadd.s32 $0xFFFFCE00  }
0x1d: {  	[spmem:s3] =	stream.indirect.scatter.add.f32 [tilespmem:s15], [sflag:$0x1], $0x20, s12, s16, $0xb8;
	[tilespmem:$0x1BA30] =	vst v63  }
0x1e: {  	s19 =	simm.s32 $0x32;
	_ =	swait.ge [sflag:s11], $0x3200  }
0x1f: {  	s20 =	simm.s32 $0x64;
	s18 =	sadd.s32 $0xC80, s8;
	[sflag:s11] =	ssyncset.done $0x0  }
.LBB2_2:
0x20: {  	s21 =	sadd.s32 s19, s9  }
0x21: {  	[sflag:s11] =	ssyncadd.s32 $0xFFFFCE00;
	s19 =	smov.u32 s20;
	s22 =	sadd.s32 $0x32, s20  }
0x22: {  	[tilespmem:s12], [sflag:$0x1] =	stream.linear.gather [hbm4b:s21+s4], $0x190, $0x38;
	[tilespmem:$0x1BA30] =	vst v63  }
0x23: {  	p0 =	sne.s32 s20, $0x1838;
	_ =	swait.ge [sflag:s11], $0x190  }
0x24: {  	[sflag:s11] =	ssyncset.done $0x0  }
0x25: {  	[sflag:s11] =	ssyncadd.s32 $0xFFFFFE70  }
0x26: {  	[tilespmem:s15], [sflag:$0x1] =	stream.strided.gather [hbm4b:s18+s13], $0x3200, s14, s13, $0x38;
	[tilespmem:$0x1BA30] =	vst v63  }
0x27: {  	_ =	swait.ge [sflag:s11], $0x3200  }
.Ltmp0:
0x28: {  	[sflag:s11] =	ssyncset.done $0x0;
	(pc) =	sbr.rel @p0 .LBB2_2-.Ltmp0, $4  }
0x29: {  	[sflag:s11] =	ssyncadd.s32 $0xFFFFCE00  }
0x2a: {  	[spmem:s3] =	stream.indirect.scatter.add.f32 [tilespmem:s15], [sflag:$0x1], $0x20, s12, s16, $0xb8;
	[tilespmem:$0x1BA30] =	vst v63  }
0x2b: {  	_ =	swait.ge [sflag:s11], $0x3200  }
0x2c: {  	s20 =	smov.u32 s22;
	s18 =	sadd.s32 $0xC80, s18;
	[sflag:s11] =	ssyncset.done $0x0  }
0x2d: {  	s19 =	sadd.s32 s19, s9;
	[sflag:s11] =	ssyncadd.s32 $0xFFFFCE00  }
0x2e: {  	[tilespmem:s12], [sflag:$0x1] =	stream.linear.gather [hbm4b:s19+s4], $0x190, $0x38;
	[tilespmem:$0x1BA30] =	vst v63  }
0x2f: {  	_ =	swait.ge [sflag:s11], $0x190  }
0x30: {  	[sflag:s11] =	ssyncset.done $0x0  }
0x31: {  	[sflag:s11] =	ssyncadd.s32 $0xFFFFFE70  }
0x32: {  	[tilespmem:s15], [sflag:$0x1] =	stream.strided.gather [hbm4b:s18+s13], $0x3200, s14, s13, $0x38;
	[tilespmem:$0x1BA30] =	vst v63  }
0x33: {  	_ =	swait.ge [sflag:s11], $0x3200  }
0x34: {  	[sflag:s11] =	ssyncset.done $0x0  }
0x35: {  	[sflag:s11] =	ssyncadd.s32 $0xFFFFCE00  }
0x36: {  	[spmem:s3] =	stream.indirect.scatter.add.f32 [tilespmem:s15], [sflag:$0x1], $0x20, s12, s16, $0xb8;
	[tilespmem:$0x1BA30] =	vst v63  }
0x37: {  	_ =	swait.ge [sflag:s11], $0x3200  }
0x38: {  	s17 =	sadd.s32 $0x1, s17;
	[sflag:s11] =	ssyncset.done $0x0  }
0x39: {  	p0 =	sne.s32 s17, s7;
	[sflag:s11] =	ssyncadd.s32 $0xFFFFCE00  }
.Ltmp1:
0x3a: {  	[bflag:$0x0] =	sbarrier.arrive $0xFFFF;
	(pc) =	sbr.rel @p0 .LBB2_1-.Ltmp1, $4  }
0x3b: {  	[hbm:s6], [sflag:s5] =	dma.local [spmem:s10], $0x30D4  }
0x3c: {  	_ =	swait.ge [sflag:s11], $0x30D4  }
0x3d: {  	[sflag:s11] =	ssyncset.done $0x0  }
0x3e: {  	[sflag:s11] =	ssyncadd.s32 $0xFFFFCF2C  }
0x3f: {  	_ =	sfence.sel $0x180000  }
0x40: {  	[bflag:$0x0] =	sbarrier.arrive $0xFFFF  }
0x41: {  	p0 =	sne.s32 s0, $0x0;
	_ =	strace $0x9000005C  }
0x42: {  	s0 =	sadd.s32 @!p0 $0x100000, s1;
	[bflag:$0x2] =	sbarrier.arrive $0xFFFF  }
0x43: {  	[sflag:s0] =	ssyncadd.tile.s32 @!p0 $0x1;
	_ =	shalt  }
.Lfunc_end2:
_tile_overlayer_lowered:
.L_overlay_start_2:
0x44: {  	(tag) =	ssettag $0x2  }
0x45: {  	s0 =	rddreg [dreg:$0x0];
	s2 =	stileid.u32  }
0x46: {  	s1 =	rddreg [dreg:$0x1];
	p0 =	sne.s32 s2, $0x0  }
0x47: {  	s3 =	rddreg [dreg:$0x2];
	[bflag:$0x3] =	sbarrier.arrive $0xFFFF;
	s2 =	simm.s32 @!p0 $0x1C01  }
0x48: {  	[timem:s3], [sflag:s2] =	dma.local @!p0 [hbm:s0], s1  }
0x49: {  	s0 =	simm.s32 @!p0 $0x1  }
0x4a: {  	_ =	swait.ge @!p0 [sflag:s0], s1  }
0x4b: {  	s1 =	ssub.s32 @!p0 $0x0, s1;
	[sflag:s0] =	ssyncset.done @!p0 $0x0  }
0x4c: {  	[sflag:s0] =	ssyncadd.s32 @!p0 s1  }
0x4d: {  	[bflag:$0x3] =	sbarrier.arrive $0xFFFF  }
0x4e: {  	_ =	shalt  }

// kernel: kernel.46.cloned.1.call-start
scs
__scs_entry_jumppad:
0x0: {  	(pc) =	sbr.rel $0x88, $3  }
0x1: {  	(tag) =	ssettag $0x0;
	lr =	simm.s32 $0x1  }
0x2: {  	[smem:$0x3F98] =	sst lr;
	_ =	strace $0xD0000000  }
0x3: {  	_ = 	snop  }
0x4: {  	_ = 	snop  }
0x5: {  	_ = 	snop  }
0x6: {  	_ = 	snop  }
0x7: {  	_ = 	snop  }
__scs_overlays_trampoline_lowered:
0x8: {  	[smem:$0x3FA7] =	sst s0  }
0x9: {  	[smem:$0x3FA8] =	sst s1  }
0xa: {  	[smem:$0x3FA9] =	sst s2  }
0xb: {  	[smem:$0x3FAA] =	sst s3  }
0xc: {  	[smem:$0x3FAB] =	sst s4  }
0xd: {  	[smem:$0x3FAC] =	sst s5  }
0xe: {  	[smem:$0x3FAD] =	sst s6  }
0xf: {  	[smem:$0x3FAE] =	sst s7  }
0x10: {  	[smem:$0x3FAF] =	sst s8  }
0x11: {  	[smem:$0x3FB0] =	sst s9;
	s0 =	simm.s32 @!p0 $0x0  }
0x12: {  	s1 =	sld [smem:$0x3F96];
	s0 =	simm.s32 @p0 $0x1  }
0x13: {  	[smem:$0x3FB1] =	sst s0;
	s0 =	simm.s32 @!p1 $0x0  }
0x14: {  	s2 =	sld [smem:$0x3F95];
	s0 =	simm.s32 @p1 $0x1  }
0x15: {  	[smem:$0x3FB2] =	sst s0;
	s0 =	simm.s32 @!p2 $0x0  }
0x16: {  	s3 =	sld [smem:$0x3FDB];
	s0 =	simm.s32 @p2 $0x1  }
0x17: {  	s4 =	simm.s32 $0x1BF5;
	[smem:$0x3FB4] =	sst s0  }
0x18: {  	s0 =	sld [smem:$0x3F97];
	_ =	swait.ge [sflag:s4], $0x0  }
0x19: {  	s7 =	sld [smem:$0x3F98]  }
0x1a: {  	s8 =	sadd.s32 $0xFFFFE003, lr  }
0x1b: {  	s9 =	sadd.s32 $0xFFFFFEF7, lr;
	s5 =	simm.s32 $0xFFFFFFFF;
	p2 =	slt.u32 s8, $0xFFFFF086  }
0x1c: {  	p1 =	slt.u32 s9, $0xF7A;
	s5 =	simm.s32 @!p2 $0x0  }
0x1d: {  	s5 =	simm.s32 @p1 $0x1;
	p0 =	seq.s32 s7, s2  }
0x1e: {  	s7 =	smul.u32 @!p0 $0xF7A, s2;
	p2 =	seq.s32 @!p0 s5, $0x0  }
0x1f: {  	s9 =	smul.u32 $0xF7A, s1;
	s8 =	simm.s32 @!p0 $0x1BF5;
	p2 =	por !p2, p0  }
0x20: {  	[sflag:s8] =	ssyncset.s32 @!p0 $0xFFFFF086;
	s6 =	sadd.s32 @!p0 s3, s7;
	s7 =	simm.s32 @!p0 $0x108  }
0x21: {  	s3 =	sadd.s32 s3, s9;
	s6 =	sadd.s32 @!p0 $0x88, s6;
	s7 =	simm.s32 @p2 $0x1082  }
0x22: {  	[simem:s7], [sflag:s8] =	dma.local @!p0 [hbm:s6], $0xF7A  }
0x23: {  	s9 =	sor.u32 $0xD0000000, s2;
	s6 =	simm.s32 $0x108;
	_ =	swait.ge @!p0 [sflag:s8], $0x0  }
0x24: {  	s3 =	sadd.s32 $0x88, s3;
	s6 =	simm.s32 @!p1 $0x1082;
	[sflag:s4] =	ssyncset.s32 $0xFFFFF086  }
0x25: {  	[simem:s6], [sflag:s4] =	dma.local [hbm:s3], $0xF7A  }
0x26: {  	[smem:$0x3F98] =	sst s1;
	(tag) =	ssettag s2;
	_ =	strace s9  }
0x27: {  	s1 =	sld [smem:$0x3FA8]  }
0x28: {  	s2 =	sld [smem:$0x3FA9]  }
0x29: {  	s4 =	sld [smem:$0x3FAB]  }
0x2a: {  	p0 =	seq.s32 s5, $0x0;
	s5 =	sld [smem:$0x3FAC]  }
0x2b: {  	s6 =	sld [smem:$0x3FAD]  }
0x2c: {  	s7 =	sld [smem:$0x3FAE]  }
0x2d: {  	s3 =	simm.s32 $0x108;
	s8 =	sld [smem:$0x3FAF]  }
0x2e: {  	s3 =	simm.s32 @!p0 $0x1082;
	s9 =	sld [smem:$0x3FB0]  }
0x2f: {  	lr =	sadd.s32 s0, s3;
	s0 =	sld [smem:$0x3FA7]  }
0x30: {  	s3 =	sld [smem:$0x3FAA]  }
0x31: {  	[smem:$0x3FB3] =	sst s10  }
0x32: {  	s10 =	sld [smem:$0x3FB1];
	_ =	sdelay $0x3  }
0x33: {  	p0 =	seq.s32 s10, $0x1;
	s10 =	sld [smem:$0x3FB3];
	_ =	sdelay $0x3  }
0x34: {  	[smem:$0x3FB3] =	sst s10  }
0x35: {  	s10 =	sld [smem:$0x3FB2];
	_ =	sdelay $0x3  }
0x36: {  	p1 =	seq.s32 s10, $0x1;
	s10 =	sld [smem:$0x3FB3];
	_ =	sdelay $0x3  }
0x37: {  	[smem:$0x3FB3] =	sst s10  }
0x38: {  	s10 =	sld [smem:$0x3FB4]  }
0x39: {  	_ = 	snop;
	(pc) =	sbr.ind lr, $3  }
0x3a: {  	_ = 	snop  }
0x3b: {  	_ = 	snop  }
0x3c: {  	p2 =	seq.s32 s10, $0x1;
	s10 =	sld [smem:$0x3FB3]  }
0x3d: {  	_ =	shalt  }
0x3e: {  	_ =	shalt  }
0x3f: {  	_ =	shalt  }
0x40: {  	_ =	shalt  }
0x41: {  	_ =	shalt  }
0x42: {  	_ =	shalt  }
0x43: {  	_ =	shalt  }
0x44: {  	_ =	shalt  }
0x45: {  	_ =	shalt  }
0x46: {  	_ =	shalt  }
0x47: {  	_ =	shalt  }
0x48: {  	_ =	shalt  }
0x49: {  	_ =	shalt  }
0x4a: {  	_ =	shalt  }
0x4b: {  	_ =	shalt  }
0x4c: {  	_ =	shalt  }
0x4d: {  	_ =	shalt  }
0x4e: {  	_ =	shalt  }
0x4f: {  	_ =	shalt  }
0x50: {  	_ =	shalt  }
0x51: {  	_ =	shalt  }
0x52: {  	_ =	shalt  }
0x53: {  	_ =	shalt  }
0x54: {  	_ =	shalt  }
0x55: {  	_ =	shalt  }
0x56: {  	_ =	shalt  }
0x57: {  	_ =	shalt  }
0x58: {  	_ =	shalt  }
0x59: {  	_ =	shalt  }
0x5a: {  	_ =	shalt  }
0x5b: {  	_ =	shalt  }
0x5c: {  	_ =	shalt  }
0x5d: {  	_ =	shalt  }
0x5e: {  	_ =	shalt  }
0x5f: {  	_ =	shalt  }
0x60: {  	_ =	shalt  }
0x61: {  	_ =	shalt  }
0x62: {  	_ =	shalt  }
0x63: {  	_ =	shalt  }
0x64: {  	_ =	shalt  }
0x65: {  	_ =	shalt  }
0x66: {  	_ =	shalt  }
0x67: {  	_ =	shalt  }
0x68: {  	_ =	shalt  }
0x69: {  	_ =	shalt  }
0x6a: {  	_ =	shalt  }
0x6b: {  	_ =	shalt  }
0x6c: {  	_ =	shalt  }
0x6d: {  	_ =	shalt  }
0x6e: {  	_ =	shalt  }
0x6f: {  	_ =	shalt  }
0x70: {  	_ =	shalt  }
0x71: {  	_ =	shalt  }
0x72: {  	_ =	shalt  }
0x73: {  	_ =	shalt  }
0x74: {  	_ =	shalt  }
0x75: {  	_ =	shalt  }
0x76: {  	_ =	shalt  }
0x77: {  	_ =	shalt  }
0x78: {  	_ =	shalt  }
0x79: {  	_ =	shalt  }
0x7a: {  	_ =	shalt  }
0x7b: {  	_ =	shalt  }
0x7c: {  	_ =	shalt  }
0x7d: {  	_ =	shalt  }
0x7e: {  	_ =	shalt  }
0x7f: {  	_ =	shalt  }
0x80: {  	_ =	shalt  }
0x81: {  	_ =	shalt  }
0x82: {  	_ =	shalt  }
0x83: {  	_ =	shalt  }
0x84: {  	_ =	shalt  }
0x85: {  	_ =	shalt  }
0x86: {  	_ =	shalt  }
0x87: {  	_ =	shalt  }
.Lfunc_end0:
.L_simem_size_0:
called_computation.8_lowered:
.L_overlay_start_0:
0x88: {  	s2 =	sld [smem:$0x3FD9]  }
0x89: {  	s3 =	sld [smem:$0x3FFE];
	_ =	sdelay $0x1  }
0x8a: {  	s1 =	srdreg.scid  }
0x8b: {  	s0 =	sand.u32 $0x1, s1  }
0x8c: {  	s17 =	sshll.u32 s0, $0xA;
	s2 =	sadd.s32 s3, s2  }
0x8d: {  	s2 =	sadd.s32 s2, s17  }
0x8e: {  	[smem:$0x3FBF] =	sst s2  }
0x8f: {  	_ = 	snop  }
0x90: {  	s2 =	sld [smem:$0x3FC8];
	(tm) =	ssettm $0x1  }
0x91: {  	s18 =	sld [smem:$0x3FFB];
	_ =	sdelay $0x3  }
0x92: {  	_ =	strace s18  }
0x93: {  	s3 =	sld [smem:$0x3FFC];
	_ =	sdelay $0x3  }
0x94: {  	_ =	strace s3  }
0x95: {  	s3 =	sld [smem:$0x3FFD];
	_ =	sdelay $0x3  }
0x96: {  	_ =	strace s3  }
0x97: {  	_ =	strace $0x8FFFFFFF  }
0x98: {  	s19 =	sld [smem:$0x3FDB];
	_ =	sdelay $0x1  }
0x99: {  	s4 =	simm.s32 $_scs_section_size  }
0x9a: {  	s5 =	simm.s32 $_size__tile_overlayer_lowered;
	s6 =	simm.s32 $_tile_overlayer_lowered  }
0x9b: {  	s22 =	simm.s32 $0x1BFF;
	s21 =	sshll.u32 s6, $0x1;
	s3 =	sadd.s32 s4, s19  }
0x9c: {  	s7 =	simm.s32 $0x0;
	s20 =	sshll.u32 s5, $0x1;
	s5 =	sadd.s32 s21, s3  }
0x9d: {  	[timem:s7], [sflag:s22] =	dma.local [hbm:s5], s20  }
0x9e: {  	_ =	swait.ge [sflag:s22], s20  }
0x9f: {  	s4 =	ssub.s32 $0x0, s20;
	[sflag:s22] =	ssyncset.done $0x0  }
0xa0: {  	[sflag:s22] =	ssyncadd.s32 s4;
	_ =	sdelay $0x1  }
0xa1: {  	s23 =	simm.s32 $0x1B8B  }
0xa2: {  	_ =	swait.ge [sflag:s23], $0x1  }
0xa3: {  	[sflag:s23] =	ssyncset.done $0x0  }
0xa4: {  	s25 =	simm.s32 $0x1B8E;
	s24 =	sld [smem:$0x3FFE];
	[sflag:s23] =	ssyncadd.s32 $0xFFFFFFFF  }
0xa5: {  	s26 =	simm.s32 $execute0_lowered;
	[smem:$0x3FD2] =	sst s25  }
0xa6: {  	s5 =	sshll.u32 s26, $0x1;
	_ =	strace $0x8000005E;
	[dreg:$0x1] =	wrdreg $0xFFFFFFFF  }
0xa7: {  	s28 =	simm.s32 $_size_execute0_lowered;
	s3 =	sadd.s32 s3, s5;
	[dreg:$0x0] =	wrdreg $0x0  }
0xa8: {  	s5 =	sshll.u32 s28, $0x1;
	[dreg:$0x2] =	wrdreg s3  }
0xa9: {  	[dreg:$0x3] =	wrdreg s5  }
0xaa: {  	[dreg:$0x4] =	wrdreg $0xC0  }
0xab: {  	_ =	task [dreg:s7], $0x5FFFF  }
0xac: {  	[dreg:$0x1] =	wrdreg $0xFFFFFFFF  }
0xad: {  	[dreg:$0x0] =	wrdreg $0x60  }
0xae: {  	[dreg:$0x2] =	wrdreg s24  }
0xaf: {  	[dreg:$0x3] =	wrdreg s2  }
0xb0: {  	[dreg:$0x4] =	wrdreg $0x9  }
0xb1: {  	_ =	task.clear_ibuf [dreg:s7], $0x5FFFF;
	_ =	strace $0x9000005E  }
0xb2: {  	s29 =	simm.s32 $0x9;
	_ =	strace $0x80000060  }
0xb3: {  	_ =	swait.ge [sflag:s29], $0x1  }
0xb4: {  	[sflag:s29] =	ssyncadd.s32 $0xFFFFFFFF  }
0xb5: {  	_ =	strace $0x90000060  }
0xb6: {  	_ =	sfence  }
0xb7: {  	s30 =	sld [smem:$0x0];
	_ =	sdelay $0x2  }
0xb8: {  	s31 =	sshll.u32 s1, $0xD;
	s1 =	sshrl.u32 s1, $0x2  }
0xb9: {  	s3 =	sand.u32 $0x4000, s31;
	s1 =	sadd.s32 s1, s30  }
0xba: {  	s0 =	sor.u32 s3, s0;
	s1 =	sshll.u32 s1, $0x11  }
0xbb: {  	s0 =	sor.u32 s1, s0  }
0xbc: {  	s0 =	sadd.s32 $0x8F2B, s0  }
0xbd: {  	[sflag:s0] =	ssyncadd.remote.s32 $0x1  }
0xbe: {  	_ =	sfence.sel $0xFFFF  }
0xbf: {  	[dreg:$0x0] =	wrdreg $0xFFFFFFFF;
	(pc) =	sbr.abs _section_cstart, $3  }
0xc0: {  	[dreg:$0x1] =	wrdreg $0xFFFFFFFF  }
0xc1: {  	_ =	task.clear_ibuf [dreg:s7], $0x2FFFF;
	_ =	strace $0x9FFFFFFF  }
0xc2: {  	(tm) =	ssettm $0x7FFFFFFF  }
0xc3: {  	_ =	shalt  }
tec
execute0_lowered:
.L_overlay_start_1:
0x0: {  	(tag) =	ssettag $0x1  }
0x1: {  	s3 =	rddreg [dreg:$0x0]  }
0x2: {  	s6 =	rddreg [dreg:$0x1]  }
0x3: {  	s0 =	rddreg [dreg:$0x2];
	s1 =	stileid.u32  }
0x4: {  	s2 =	simm.s32 $0x0;
	s5 =	srdreg.scid;
	s4 =	smul.u32 $0x61A80, s1  }
0x5: {  	[smem:$0x7FF] =	sst s2;
	s5 =	sand.u32 $0x1, s5;
	s7 =	smul.u32 $0xC350, s1  }
0x6: {  	_ =	strace $0x8000005F;
	s8 =	ssub.s32 $0x2, s5;
	s9 =	smul.u32 $0x61A8, s5  }
0x7: {  	s5 =	smul.u32 $0x30D40, s5;
	s10 =	sadd.s32 s4, s3;
	s31 =	sshrl.u32 s8, $0x1  }
0x8: {  	s3 =	sadd.s32 $0xC7400, s3;
	s4 =	ssub.s32 s8, s31;
	s7 =	sadd.s32 s9, s7  }
0x9: {  	s5 =	sadd.s32 s5, s10;
	s8 =	simm.s32 $0x3E8;
	s9 =	simm.s32 $0x1  }
0xa: {  	s10 =	simm.s32 $0x0;
	s4 =	smax.u32 s4, $0x1;
	s7 =	sshrl.u32 s7, $0x3  }
0xb: {  	s5 =	sadd.s32 $0x129000, s5;
	s6 =	sadd.s32 s7, s6;
	s7 =	simm.s32 $0x2  }
.LBB2_1:
0xc: {  	s11 =	sadd.s32 $0x0, s6  }
0xd: {  	[tilespmem:s2], [sflag:$0x2] =	stream.linear.gather [hbm4b:s11+s2], $0x3E8, $0x38;
	[tilespmem:$0xFDE8] =	vst v63  }
0xe: {  	_ =	swait.ge [sflag:s7], $0x3E8  }
0xf: {  	[sflag:s7] =	ssyncset.done $0x0  }
0x10: {  	[sflag:s7] =	ssyncadd.s32 $0xFFFFFC18  }
0x11: {  	[tilespmem:s8], [sflag:$0x1] =	stream.indirect.gather [hbm4b:s3+s8], $0x40, s2, s8, $0xb8;
	[tilespmem:$0xFDE8] =	vst v63  }
0x12: {  	_ =	swait.ge [sflag:s9], $0xFA00  }
0x13: {  	[sflag:s9] =	ssyncset.done $0x0  }
0x14: {  	[sflag:s9] =	ssyncadd.s32 $0xFFFF0600  }
0x15: {  	[hbm4b:s5+s2] =	stream.linear.scatter [tilespmem:s8], [sflag:$0x2], $0xFA00, $0x38;
	[tilespmem:$0xFDE8] =	vst v63  }
0x16: {  	s12 =	simm.s32 $0x7D;
	_ =	swait.ge [sflag:s7], $0xFA00  }
0x17: {  	s13 =	simm.s32 $0xFA;
	s11 =	sadd.s32 $0x1F40, s5;
	[sflag:s7] =	ssyncset.done $0x0  }
.LBB2_2:
0x18: {  	s14 =	sadd.s32 s12, s6  }
0x19: {  	[sflag:s7] =	ssyncadd.s32 $0xFFFF0600;
	s12 =	smov.u32 s13;
	s15 =	sadd.s32 $0x7D, s13  }
0x1a: {  	[tilespmem:s2], [sflag:$0x2] =	stream.linear.gather [hbm4b:s14+s2], $0x3E8, $0x38;
	[tilespmem:$0xFDE8] =	vst v63  }
0x1b: {  	p0 =	sne.s32 s13, $0xBB8;
	_ =	swait.ge [sflag:s7], $0x3E8  }
0x1c: {  	[sflag:s7] =	ssyncset.done $0x0  }
0x1d: {  	[sflag:s7] =	ssyncadd.s32 $0xFFFFFC18  }
0x1e: {  	[tilespmem:s8], [sflag:$0x1] =	stream.indirect.gather [hbm4b:s3+s8], $0x40, s2, s8, $0xb8;
	[tilespmem:$0xFDE8] =	vst v63  }
0x1f: {  	_ =	swait.ge [sflag:s9], $0xFA00  }
.Ltmp0:
0x20: {  	[sflag:s9] =	ssyncset.done $0x0;
	(pc) =	sbr.rel @p0 .LBB2_2-.Ltmp0, $4  }
0x21: {  	[sflag:s9] =	ssyncadd.s32 $0xFFFF0600  }
0x22: {  	[hbm4b:s11+s2] =	stream.linear.scatter [tilespmem:s8], [sflag:$0x2], $0xFA00, $0x38;
	[tilespmem:$0xFDE8] =	vst v63  }
0x23: {  	_ =	swait.ge [sflag:s7], $0xFA00  }
0x24: {  	s13 =	smov.u32 s15;
	s11 =	sadd.s32 $0x1F40, s11;
	[sflag:s7] =	ssyncset.done $0x0  }
0x25: {  	s12 =	sadd.s32 s12, s6;
	[sflag:s7] =	ssyncadd.s32 $0xFFFF0600  }
0x26: {  	[tilespmem:s2], [sflag:$0x2] =	stream.linear.gather [hbm4b:s12+s2], $0x3E8, $0x38;
	[tilespmem:$0xFDE8] =	vst v63  }
0x27: {  	_ =	swait.ge [sflag:s7], $0x3E8  }
0x28: {  	[sflag:s7] =	ssyncset.done $0x0  }
0x29: {  	[sflag:s7] =	ssyncadd.s32 $0xFFFFFC18  }
0x2a: {  	[tilespmem:s8], [sflag:$0x1] =	stream.indirect.gather [hbm4b:s3+s8], $0x40, s2, s8, $0xb8;
	[tilespmem:$0xFDE8] =	vst v63  }
0x2b: {  	s10 =	sadd.s32 $0x1, s10;
	_ =	swait.ge [sflag:s9], $0xFA00  }
0x2c: {  	p0 =	sne.s32 s10, s4;
	[sflag:s9] =	ssyncset.done $0x0  }
.Ltmp1:
0x2d: {  	[sflag:s9] =	ssyncadd.s32 $0xFFFF0600;
	(pc) =	sbr.rel @p0 .LBB2_1-.Ltmp1, $4  }
0x2e: {  	[hbm4b:s11+s2] =	stream.linear.scatter [tilespmem:s8], [sflag:$0x2], $0xFA00, $0x38;
	[tilespmem:$0xFDE8] =	vst v63  }
0x2f: {  	_ =	swait.ge [sflag:s7], $0xFA00  }
0x30: {  	[sflag:s7] =	ssyncset.done $0x0  }
0x31: {  	[sflag:s7] =	ssyncadd.s32 $0xFFFF0600  }
0x32: {  	_ =	sfence.sel $0x180000  }
0x33: {  	[bflag:$0x0] =	sbarrier.arrive $0xFFFF  }
0x34: {  	p0 =	sne.s32 s1, $0x0;
	_ =	strace $0x9000005F  }
0x35: {  	s0 =	sadd.s32 @!p0 $0x100000, s0;
	[bflag:$0x2] =	sbarrier.arrive $0xFFFF  }
0x36: {  	[sflag:s0] =	ssyncadd.tile.s32 @!p0 $0x1;
	_ =	shalt  }
.Lfunc_end2:
_tile_overlayer_lowered:
.L_overlay_start_2:
0x37: {  	(tag) =	ssettag $0x2  }
0x38: {  	s0 =	rddreg [dreg:$0x0];
	s2 =	stileid.u32  }
0x39: {  	s1 =	rddreg [dreg:$0x1];
	p0 =	sne.s32 s2, $0x0  }
0x3a: {  	s3 =	rddreg [dreg:$0x2];
	[bflag:$0x3] =	sbarrier.arrive $0xFFFF;
	s2 =	simm.s32 @!p0 $0x1C02  }
0x3b: {  	[timem:s3], [sflag:s2] =	dma.local @!p0 [hbm:s0], s1  }
0x3c: {  	s0 =	simm.s32 @!p0 $0x2  }
0x3d: {  	_ =	swait.ge @!p0 [sflag:s0], s1  }
0x3e: {  	s1 =	ssub.s32 @!p0 $0x0, s1;
	[sflag:s0] =	ssyncset.done @!p0 $0x0  }
0x3f: {  	[sflag:s0] =	ssyncadd.s32 @!p0 s1  }
0x40: {  	[bflag:$0x3] =	sbarrier.arrive $0xFFFF  }
0x41: {  	_ =	shalt  }

// kernel: kernel.49.cloned.1.call-start
scs
__scs_entry_jumppad:
0x0: {  	(pc) =	sbr.rel $0x88, $3  }
0x1: {  	(tag) =	ssettag $0x0;
	lr =	simm.s32 $0x1  }
0x2: {  	[smem:$0x3F98] =	sst lr;
	_ =	strace $0xD0000000  }
0x3: {  	_ = 	snop  }
0x4: {  	_ = 	snop  }
0x5: {  	_ = 	snop  }
0x6: {  	_ = 	snop  }
0x7: {  	_ = 	snop  }
__scs_overlays_trampoline_lowered:
0x8: {  	[smem:$0x3FA7] =	sst s0  }
0x9: {  	[smem:$0x3FA8] =	sst s1  }
0xa: {  	[smem:$0x3FA9] =	sst s2  }
0xb: {  	[smem:$0x3FAA] =	sst s3  }
0xc: {  	[smem:$0x3FAB] =	sst s4  }
0xd: {  	[smem:$0x3FAC] =	sst s5  }
0xe: {  	[smem:$0x3FAD] =	sst s6  }
0xf: {  	[smem:$0x3FAE] =	sst s7  }
0x10: {  	[smem:$0x3FAF] =	sst s8  }
0x11: {  	[smem:$0x3FB0] =	sst s9;
	s0 =	simm.s32 @!p0 $0x0  }
0x12: {  	s1 =	sld [smem:$0x3F96];
	s0 =	simm.s32 @p0 $0x1  }
0x13: {  	[smem:$0x3FB1] =	sst s0;
	s0 =	simm.s32 @!p1 $0x0  }
0x14: {  	s2 =	sld [smem:$0x3F95];
	s0 =	simm.s32 @p1 $0x1  }
0x15: {  	[smem:$0x3FB2] =	sst s0;
	s0 =	simm.s32 @!p2 $0x0  }
0x16: {  	s3 =	sld [smem:$0x3FDB];
	s0 =	simm.s32 @p2 $0x1  }
0x17: {  	s4 =	simm.s32 $0x1BF5;
	[smem:$0x3FB4] =	sst s0  }
0x18: {  	s0 =	sld [smem:$0x3F97];
	_ =	swait.ge [sflag:s4], $0x0  }
0x19: {  	s7 =	sld [smem:$0x3F98]  }
0x1a: {  	s8 =	sadd.s32 $0xFFFFE003, lr  }
0x1b: {  	s9 =	sadd.s32 $0xFFFFFEF7, lr;
	s5 =	simm.s32 $0xFFFFFFFF;
	p2 =	slt.u32 s8, $0xFFFFF086  }
0x1c: {  	p1 =	slt.u32 s9, $0xF7A;
	s5 =	simm.s32 @!p2 $0x0  }
0x1d: {  	s5 =	simm.s32 @p1 $0x1;
	p0 =	seq.s32 s7, s2  }
0x1e: {  	s7 =	smul.u32 @!p0 $0xF7A, s2;
	p2 =	seq.s32 @!p0 s5, $0x0  }
0x1f: {  	s9 =	smul.u32 $0xF7A, s1;
	s8 =	simm.s32 @!p0 $0x1BF5;
	p2 =	por !p2, p0  }
0x20: {  	[sflag:s8] =	ssyncset.s32 @!p0 $0xFFFFF086;
	s6 =	sadd.s32 @!p0 s3, s7;
	s7 =	simm.s32 @!p0 $0x108  }
0x21: {  	s3 =	sadd.s32 s3, s9;
	s6 =	sadd.s32 @!p0 $0x88, s6;
	s7 =	simm.s32 @p2 $0x1082  }
0x22: {  	[simem:s7], [sflag:s8] =	dma.local @!p0 [hbm:s6], $0xF7A  }
0x23: {  	s9 =	sor.u32 $0xD0000000, s2;
	s6 =	simm.s32 $0x108;
	_ =	swait.ge @!p0 [sflag:s8], $0x0  }
0x24: {  	s3 =	sadd.s32 $0x88, s3;
	s6 =	simm.s32 @!p1 $0x1082;
	[sflag:s4] =	ssyncset.s32 $0xFFFFF086  }
0x25: {  	[simem:s6], [sflag:s4] =	dma.local [hbm:s3], $0xF7A  }
0x26: {  	[smem:$0x3F98] =	sst s1;
	(tag) =	ssettag s2;
	_ =	strace s9  }
0x27: {  	s1 =	sld [smem:$0x3FA8]  }
0x28: {  	s2 =	sld [smem:$0x3FA9]  }
0x29: {  	s4 =	sld [smem:$0x3FAB]  }
0x2a: {  	p0 =	seq.s32 s5, $0x0;
	s5 =	sld [smem:$0x3FAC]  }
0x2b: {  	s6 =	sld [smem:$0x3FAD]  }
0x2c: {  	s7 =	sld [smem:$0x3FAE]  }
0x2d: {  	s3 =	simm.s32 $0x108;
	s8 =	sld [smem:$0x3FAF]  }
0x2e: {  	s3 =	simm.s32 @!p0 $0x1082;
	s9 =	sld [smem:$0x3FB0]  }
0x2f: {  	lr =	sadd.s32 s0, s3;
	s0 =	sld [smem:$0x3FA7]  }
0x30: {  	s3 =	sld [smem:$0x3FAA]  }
0x31: {  	[smem:$0x3FB3] =	sst s10  }
0x32: {  	s10 =	sld [smem:$0x3FB1];
	_ =	sdelay $0x3  }
0x33: {  	p0 =	seq.s32 s10, $0x1;
	s10 =	sld [smem:$0x3FB3];
	_ =	sdelay $0x3  }
0x34: {  	[smem:$0x3FB3] =	sst s10  }
0x35: {  	s10 =	sld [smem:$0x3FB2];
	_ =	sdelay $0x3  }
0x36: {  	p1 =	seq.s32 s10, $0x1;
	s10 =	sld [smem:$0x3FB3];
	_ =	sdelay $0x3  }
0x37: {  	[smem:$0x3FB3] =	sst s10  }
0x38: {  	s10 =	sld [smem:$0x3FB4]  }
0x39: {  	_ = 	snop;
	(pc) =	sbr.ind lr, $3  }
0x3a: {  	_ = 	snop  }
0x3b: {  	_ = 	snop  }
0x3c: {  	p2 =	seq.s32 s10, $0x1;
	s10 =	sld [smem:$0x3FB3]  }
0x3d: {  	_ =	shalt  }
0x3e: {  	_ =	shalt  }
0x3f: {  	_ =	shalt  }
0x40: {  	_ =	shalt  }
0x41: {  	_ =	shalt  }
0x42: {  	_ =	shalt  }
0x43: {  	_ =	shalt  }
0x44: {  	_ =	shalt  }
0x45: {  	_ =	shalt  }
0x46: {  	_ =	shalt  }
0x47: {  	_ =	shalt  }
0x48: {  	_ =	shalt  }
0x49: {  	_ =	shalt  }
0x4a: {  	_ =	shalt  }
0x4b: {  	_ =	shalt  }
0x4c: {  	_ =	shalt  }
0x4d: {  	_ =	shalt  }
0x4e: {  	_ =	shalt  }
0x4f: {  	_ =	shalt  }
0x50: {  	_ =	shalt  }
0x51: {  	_ =	shalt  }
0x52: {  	_ =	shalt  }
0x53: {  	_ =	shalt  }
0x54: {  	_ =	shalt  }
0x55: {  	_ =	shalt  }
0x56: {  	_ =	shalt  }
0x57: {  	_ =	shalt  }
0x58: {  	_ =	shalt  }
0x59: {  	_ =	shalt  }
0x5a: {  	_ =	shalt  }
0x5b: {  	_ =	shalt  }
0x5c: {  	_ =	shalt  }
0x5d: {  	_ =	shalt  }
0x5e: {  	_ =	shalt  }
0x5f: {  	_ =	shalt  }
0x60: {  	_ =	shalt  }
0x61: {  	_ =	shalt  }
0x62: {  	_ =	shalt  }
0x63: {  	_ =	shalt  }
0x64: {  	_ =	shalt  }
0x65: {  	_ =	shalt  }
0x66: {  	_ =	shalt  }
0x67: {  	_ =	shalt  }
0x68: {  	_ =	shalt  }
0x69: {  	_ =	shalt  }
0x6a: {  	_ =	shalt  }
0x6b: {  	_ =	shalt  }
0x6c: {  	_ =	shalt  }
0x6d: {  	_ =	shalt  }
0x6e: {  	_ =	shalt  }
0x6f: {  	_ =	shalt  }
0x70: {  	_ =	shalt  }
0x71: {  	_ =	shalt  }
0x72: {  	_ =	shalt  }
0x73: {  	_ =	shalt  }
0x74: {  	_ =	shalt  }
0x75: {  	_ =	shalt  }
0x76: {  	_ =	shalt  }
0x77: {  	_ =	shalt  }
0x78: {  	_ =	shalt  }
0x79: {  	_ =	shalt  }
0x7a: {  	_ =	shalt  }
0x7b: {  	_ =	shalt  }
0x7c: {  	_ =	shalt  }
0x7d: {  	_ =	shalt  }
0x7e: {  	_ =	shalt  }
0x7f: {  	_ =	shalt  }
0x80: {  	_ =	shalt  }
0x81: {  	_ =	shalt  }
0x82: {  	_ =	shalt  }
0x83: {  	_ =	shalt  }
0x84: {  	_ =	shalt  }
0x85: {  	_ =	shalt  }
0x86: {  	_ =	shalt  }
0x87: {  	_ =	shalt  }
.Lfunc_end0:
.L_simem_size_0:
called_computation.9_lowered:
.L_overlay_start_0:
0x88: {  	s2 =	sld [smem:$0x3FD9]  }
0x89: {  	s3 =	sld [smem:$0x3FFE];
	_ =	sdelay $0x1  }
0x8a: {  	s1 =	srdreg.scid  }
0x8b: {  	s0 =	sand.u32 $0x1, s1  }
0x8c: {  	s17 =	sshll.u32 s0, $0xA;
	s2 =	sadd.s32 s3, s2  }
0x8d: {  	s2 =	sadd.s32 s2, s17  }
0x8e: {  	[smem:$0x3FBF] =	sst s2  }
0x8f: {  	_ = 	snop  }
0x90: {  	s2 =	sld [smem:$0x3FC7]  }
0x91: {  	s18 =	sld [smem:$0x3FD0];
	(tm) =	ssettm $0x1  }
0x92: {  	s4 =	sld [smem:$0x3FFB];
	_ =	sdelay $0x3  }
0x93: {  	_ =	strace s4  }
0x94: {  	s4 =	sld [smem:$0x3FFC];
	_ =	sdelay $0x3  }
0x95: {  	_ =	strace s4  }
0x96: {  	s4 =	sld [smem:$0x3FFD];
	_ =	sdelay $0x3  }
0x97: {  	_ =	strace s4  }
0x98: {  	_ =	strace $0x8FFFFFFF  }
0x99: {  	s19 =	sld [smem:$0x3FDB];
	_ =	sdelay $0x1  }
0x9a: {  	s5 =	simm.s32 $_scs_section_size  }
0x9b: {  	s6 =	simm.s32 $_size__tile_overlayer_lowered;
	s7 =	simm.s32 $_tile_overlayer_lowered  }
0x9c: {  	s22 =	simm.s32 $0x1BFF;
	s21 =	sshll.u32 s7, $0x1;
	s4 =	sadd.s32 s5, s19  }
0x9d: {  	s8 =	simm.s32 $0x0;
	s20 =	sshll.u32 s6, $0x1;
	s6 =	sadd.s32 s21, s4  }
0x9e: {  	[timem:s8], [sflag:s22] =	dma.local [hbm:s6], s20  }
0x9f: {  	_ =	swait.ge [sflag:s22], s20  }
0xa0: {  	s5 =	ssub.s32 $0x0, s20;
	[sflag:s22] =	ssyncset.done $0x0  }
0xa1: {  	[sflag:s22] =	ssyncadd.s32 s5;
	_ =	sdelay $0x1  }
0xa2: {  	s23 =	simm.s32 $0x1B8B  }
0xa3: {  	_ =	swait.ge [sflag:s23], $0x1  }
0xa4: {  	[sflag:s23] =	ssyncset.done $0x0  }
0xa5: {  	s25 =	simm.s32 $0x1B8E;
	s24 =	sld [smem:$0x3FFE];
	[sflag:s23] =	ssyncadd.s32 $0xFFFFFFFF  }
0xa6: {  	s26 =	simm.s32 $execute0_lowered;
	[smem:$0x3FD2] =	sst s25  }
0xa7: {  	s6 =	sshll.u32 s26, $0x1;
	_ =	strace $0x80000061;
	[dreg:$0x1] =	wrdreg $0xFFFFFFFF  }
0xa8: {  	s28 =	simm.s32 $_size_execute0_lowered;
	s4 =	sadd.s32 s4, s6;
	[dreg:$0x0] =	wrdreg $0x0  }
0xa9: {  	s6 =	sshll.u32 s28, $0x1;
	[dreg:$0x2] =	wrdreg s4  }
0xaa: {  	[dreg:$0x3] =	wrdreg s6  }
0xab: {  	[dreg:$0x4] =	wrdreg $0xC0  }
0xac: {  	_ =	task [dreg:s8], $0x5FFFF  }
0xad: {  	[dreg:$0x1] =	wrdreg $0xFFFFFFFF  }
0xae: {  	[dreg:$0x0] =	wrdreg $0x60  }
0xaf: {  	[dreg:$0x2] =	wrdreg s24  }
0xb0: {  	[dreg:$0x3] =	wrdreg s2  }
0xb1: {  	[dreg:$0x4] =	wrdreg s18  }
0xb2: {  	[dreg:$0x5] =	wrdreg $0x0  }
0xb3: {  	[dreg:$0x6] =	wrdreg $0x9  }
0xb4: {  	_ =	task.clear_ibuf [dreg:s8], $0x7FFFF;
	_ =	strace $0x90000061  }
0xb5: {  	s29 =	simm.s32 $0x9;
	_ =	strace $0x80000063  }
0xb6: {  	_ =	swait.ge [sflag:s29], $0x1  }
0xb7: {  	[sflag:s29] =	ssyncadd.s32 $0xFFFFFFFF  }
0xb8: {  	_ =	strace $0x90000063  }
0xb9: {  	_ =	sfence  }
0xba: {  	s30 =	sld [smem:$0x0];
	_ =	sdelay $0x2  }
0xbb: {  	s31 =	sshll.u32 s1, $0xD;
	s1 =	sshrl.u32 s1, $0x2  }
0xbc: {  	s3 =	sand.u32 $0x4000, s31;
	s1 =	sadd.s32 s1, s30  }
0xbd: {  	s0 =	sor.u32 s3, s0;
	s1 =	sshll.u32 s1, $0x11  }
0xbe: {  	s0 =	sor.u32 s1, s0  }
0xbf: {  	s0 =	sadd.s32 $0x8F2B, s0  }
0xc0: {  	[sflag:s0] =	ssyncadd.remote.s32 $0x1  }
0xc1: {  	_ =	sfence.sel $0xFFFF  }
0xc2: {  	[dreg:$0x0] =	wrdreg $0xFFFFFFFF;
	(pc) =	sbr.abs _section_cstart, $3  }
0xc3: {  	[dreg:$0x1] =	wrdreg $0xFFFFFFFF  }
0xc4: {  	_ =	task.clear_ibuf [dreg:s8], $0x2FFFF;
	_ =	strace $0x9FFFFFFF  }
0xc5: {  	(tm) =	ssettm $0x7FFFFFFF  }
tec
execute0_lowered:
.L_overlay_start_1:
0x0: {  	(tag) =	ssettag $0x1  }
0x1: {  	s5 =	rddreg [dreg:$0x0]  }
0x2: {  	s9 =	rddreg [dreg:$0x1]  }
0x3: {  	s2 =	rddreg [dreg:$0x2];
	s0 =	stileid.u32  }
0x4: {  	s1 =	srdreg.scid;
	s3 =	rddreg [dreg:$0x3]  }
0x5: {  	s4 =	simm.s32 $0x0;
	s14 =	simm.s32 $0x40;
	s15 =	simm.s32 $0x18830  }
0x6: {  	s16 =	simm.s32 $0x190;
	s17 =	simm.s32 $0x0;
	s7 =	smul.u32 $0x186A0, s0  }
0x7: {  	s6 =	sand.u32 $0x1, s1;
	s1 =	rddreg [dreg:$0x4];
	s10 =	smul.u32 $0x61A80, s0  }
0x8: {  	[smem:$0x7FF] =	sst s4;
	s31 =	sshll.u32 s0, $0x6;
	s13 =	smul.u32 $0x186A, s0  }
0x9: {  	s8 =	smul.u32 $0x186A00, s6;
	s11 =	ssub.s32 $0x2, s6;
	_ =	strace $0x80000062  }
0xa: {  	s6 =	sshll.u32 s6, $0x2;
	s12 =	sshrl.u32 s11, $0x1;
	s10 =	sadd.s32 s10, s5  }
0xb: {  	s30 =	sadd.s32 s7, s3;
	s9 =	sadd.s32 s13, s9;
	s13 =	simm.s32 $0x20  }
0xc: {  	s8 =	sadd.s32 s7, s8;
	s11 =	ssub.s32 s11, s12;
	s10 =	sadd.s32 s6, s10  }
0xd: {  	s12 =	simm.s32 $0x186A0;
	s8 =	sshrl.u32 s8, $0x3;
	s7 =	smax.u32 s11, $0x1  }
0xe: {  	s11 =	simm.s32 $0x1;
	s8 =	sadd.s32 s8, s5;
	s5 =	sor.u32 $0x1C01, s31  }
0xf: {  	s6 =	sadd.s32 $0x3E00, s8;
	s8 =	sadd.s32 $0x743800, s10;
	s10 =	sshrl.u32 s30, $0x3  }
.LBB2_1:
0x10: {  	[spmem:s10], [sflag:s5] =	dma.local [hbm:s2], $0x30D4  }
0x11: {  	_ =	swait.ge [sflag:s11], $0x30D4  }
0x12: {  	[sflag:s11] =	ssyncset.done $0x0  }
0x13: {  	[sflag:s11] =	ssyncadd.s32 $0xFFFFCF2C  }
0x14: {  	s18 =	sadd.s32 $0x0, s9;
	[bflag:$0x0] =	sbarrier.arrive $0xFFFF  }
0x15: {  	[tilespmem:s12], [sflag:$0x1] =	stream.linear.gather [hbm4b:s18+s4], $0x190, $0x38;
	[tilespmem:$0x1BA30] =	vst v63  }
0x16: {  	_ =	swait.ge [sflag:s11], $0x190  }
0x17: {  	[sflag:s11] =	ssyncset.done $0x0  }
0x18: {  	[sflag:s11] =	ssyncadd.s32 $0xFFFFFE70  }
0x19: {  	[tilespmem:s15], [sflag:$0x1] =	stream.strided.gather [hbm4b:s8+s13], $0x3200, s14, s13, $0x38;
	[tilespmem:$0x1BA30] =	vst v63  }
0x1a: {  	_ =	swait.ge [sflag:s11], $0x3200  }
0x1b: {  	[sflag:s11] =	ssyncset.done $0x0  }
0x1c: {  	[sflag:s11] =	ssyncadd.s32 $0xFFFFCE00  }
0x1d: {  	[spmem:s3] =	stream.indirect.scatter.add.f32 [tilespmem:s15], [sflag:$0x1], $0x20, s12, s16, $0xb8;
	[tilespmem:$0x1BA30] =	vst v63  }
0x1e: {  	s19 =	simm.s32 $0x32;
	_ =	swait.ge [sflag:s11], $0x3200  }
0x1f: {  	s20 =	simm.s32 $0x64;
	s18 =	sadd.s32 $0xC80, s8;
	[sflag:s11] =	ssyncset.done $0x0  }
.LBB2_2:
0x20: {  	s21 =	sadd.s32 s19, s9  }
0x21: {  	[sflag:s11] =	ssyncadd.s32 $0xFFFFCE00;
	s19 =	smov.u32 s20;
	s22 =	sadd.s32 $0x32, s20  }
0x22: {  	[tilespmem:s12], [sflag:$0x1] =	stream.linear.gather [hbm4b:s21+s4], $0x190, $0x38;
	[tilespmem:$0x1BA30] =	vst v63  }
0x23: {  	p0 =	sne.s32 s20, $0x1838;
	_ =	swait.ge [sflag:s11], $0x190  }
0x24: {  	[sflag:s11] =	ssyncset.done $0x0  }
0x25: {  	[sflag:s11] =	ssyncadd.s32 $0xFFFFFE70  }
0x26: {  	[tilespmem:s15], [sflag:$0x1] =	stream.strided.gather [hbm4b:s18+s13], $0x3200, s14, s13, $0x38;
	[tilespmem:$0x1BA30] =	vst v63  }
0x27: {  	_ =	swait.ge [sflag:s11], $0x3200  }
.Ltmp0:
0x28: {  	[sflag:s11] =	ssyncset.done $0x0;
	(pc) =	sbr.rel @p0 .LBB2_2-.Ltmp0, $4  }
0x29: {  	[sflag:s11] =	ssyncadd.s32 $0xFFFFCE00  }
0x2a: {  	[spmem:s3] =	stream.indirect.scatter.add.f32 [tilespmem:s15], [sflag:$0x1], $0x20, s12, s16, $0xb8;
	[tilespmem:$0x1BA30] =	vst v63  }
0x2b: {  	_ =	swait.ge [sflag:s11], $0x3200  }
0x2c: {  	s20 =	smov.u32 s22;
	s18 =	sadd.s32 $0xC80, s18;
	[sflag:s11] =	ssyncset.done $0x0  }
0x2d: {  	s19 =	sadd.s32 s19, s9;
	[sflag:s11] =	ssyncadd.s32 $0xFFFFCE00  }
0x2e: {  	[tilespmem:s12], [sflag:$0x1] =	stream.linear.gather [hbm4b:s19+s4], $0x190, $0x38;
	[tilespmem:$0x1BA30] =	vst v63  }
0x2f: {  	_ =	swait.ge [sflag:s11], $0x190  }
0x30: {  	[sflag:s11] =	ssyncset.done $0x0  }
0x31: {  	[sflag:s11] =	ssyncadd.s32 $0xFFFFFE70  }
0x32: {  	[tilespmem:s15], [sflag:$0x1] =	stream.strided.gather [hbm4b:s18+s13], $0x3200, s14, s13, $0x38;
	[tilespmem:$0x1BA30] =	vst v63  }
0x33: {  	_ =	swait.ge [sflag:s11], $0x3200  }
0x34: {  	[sflag:s11] =	ssyncset.done $0x0  }
0x35: {  	[sflag:s11] =	ssyncadd.s32 $0xFFFFCE00  }
0x36: {  	[spmem:s3] =	stream.indirect.scatter.add.f32 [tilespmem:s15], [sflag:$0x1], $0x20, s12, s16, $0xb8;
	[tilespmem:$0x1BA30] =	vst v63  }
0x37: {  	_ =	swait.ge [sflag:s11], $0x3200  }
0x38: {  	s17 =	sadd.s32 $0x1, s17;
	[sflag:s11] =	ssyncset.done $0x0  }
0x39: {  	p0 =	sne.s32 s17, s7;
	[sflag:s11] =	ssyncadd.s32 $0xFFFFCE00  }
.Ltmp1:
0x3a: {  	[bflag:$0x0] =	sbarrier.arrive $0xFFFF;
	(pc) =	sbr.rel @p0 .LBB2_1-.Ltmp1, $4  }
0x3b: {  	[hbm:s6], [sflag:s5] =	dma.local [spmem:s10], $0x30D4  }
0x3c: {  	_ =	swait.ge [sflag:s11], $0x30D4  }
0x3d: {  	[sflag:s11] =	ssyncset.done $0x0  }
0x3e: {  	[sflag:s11] =	ssyncadd.s32 $0xFFFFCF2C  }
0x3f: {  	_ =	sfence.sel $0x180000  }
0x40: {  	[bflag:$0x0] =	sbarrier.arrive $0xFFFF  }
0x41: {  	p0 =	sne.s32 s0, $0x0;
	_ =	strace $0x90000062  }
0x42: {  	s0 =	sadd.s32 @!p0 $0x100000, s1;
	[bflag:$0x2] =	sbarrier.arrive $0xFFFF  }
0x43: {  	[sflag:s0] =	ssyncadd.tile.s32 @!p0 $0x1;
	_ =	shalt  }
.Lfunc_end2:
_tile_overlayer_lowered:
.L_overlay_start_2:
0x44: {  	(tag) =	ssettag $0x2  }
0x45: {  	s0 =	rddreg [dreg:$0x0];
	s2 =	stileid.u32  }
0x46: {  	s1 =	rddreg [dreg:$0x1];
	p0 =	sne.s32 s2, $0x0  }
0x47: {  	s3 =	rddreg [dreg:$0x2];
	[bflag:$0x3] =	sbarrier.arrive $0xFFFF;
	s2 =	simm.s32 @!p0 $0x1C01  }
0x48: {  	[timem:s3], [sflag:s2] =	dma.local @!p0 [hbm:s0], s1  }
0x49: {  	s0 =	simm.s32 @!p0 $0x1  }
0x4a: {  	_ =	swait.ge @!p0 [sflag:s0], s1  }
0x4b: {  	s1 =	ssub.s32 @!p0 $0x0, s1;
	[sflag:s0] =	ssyncset.done @!p0 $0x0  }
0x4c: {  	[sflag:s0] =	ssyncadd.s32 @!p0 s1  }
0x4d: {  	[bflag:$0x3] =	sbarrier.arrive $0xFFFF  }
0x4e: {  	_ =	shalt  }

</sc_bundles>
